<compile_context>
chip_gen: v7x
topology: tpu7x:2x2x1
jax: 0.10.2.dev20260603
libtpu: 0.0.44.dev20260713+nightly
codegen_flags: <defaults>
</compile_context>

<pallas_src>
import functools

import jax
import jax.numpy as jnp
from jax import lax
from jax.experimental import pallas as pl
from jax.experimental.pallas import tpu as pltpu
from jax.experimental.pallas import tpu_sc as plsc

_N = 10000
_E = 320000
_D_IN = 128
_HID = 128
_CLS = 64

_NC = 2
_NS = 16
_L = 16
_NW = _NC * _NS
_EPW = _E // _NW
_BP = {128: 40, 64: 80}
_BDEG = 80
_NPAD = 10240
_RPT = _NPAD // _NS


def _sc_mesh():
    return plsc.VectorSubcoreMesh(
        core_axis_name="c", subcore_axis_name="s", num_cores=_NC, num_subcores=_NS
    )


_K = 5


def _deg_body(dst_hbm, out_hbm, dst_all, ones_v, zeros_v, deg_sh, isem, sem, *, b):
    c = lax.axis_index("c")
    s = lax.axis_index("s")
    wid = s * _NC + c

    pltpu.async_copy(dst_hbm.at[wid], dst_all, isem)

    for off in sorted({min(i * _L, b - _L) for i in range((b + _L - 1) // _L)}):
        ones_v[pl.ds(off, _L)] = jnp.full((_L,), 1.0, jnp.float32)

    def fill_zeros(i, _):
        zeros_v[pl.ds(i * _L, _L)] = jnp.zeros((_L,), jnp.float32)
        return 0

    lax.fori_loop(0, _RPT // _L, fill_zeros, 0)

    pltpu.sync_copy(zeros_v, deg_sh.at[pl.ds(s * _RPT, _RPT)])
    pltpu.make_async_copy(dst_hbm.at[wid], dst_all, isem).wait()
    plsc.subcore_barrier()

    def step(chunk, _):
        base = chunk * _K
        hs = [
            pltpu.async_copy(ones_v, deg_sh.at[dst_all.at[base + i]], sem, add=True)
            for i in range(_K)
        ]
        for h in hs:
            h.wait()
        return 0

    lax.fori_loop(0, (_EPW // b) // _K, step, 0)
    plsc.subcore_barrier()
    pltpu.sync_copy(deg_sh.at[pl.ds(s * _RPT, _RPT)], out_hbm.at[c, pl.ds(s * _RPT, _RPT)])


def _make_deg(b=_BDEG):
    return pl.kernel(
        functools.partial(_deg_body, b=b),
        out_type=jax.ShapeDtypeStruct((_NC, _NPAD), jnp.float32),
        mesh=_sc_mesh(),
        scratch_types=[
            pltpu.VMEM((_EPW // b, b), jnp.int32),
            pltpu.VMEM((b,), jnp.float32),
            pltpu.VMEM((_RPT,), jnp.float32),
            pltpu.VMEM_SHARED((_NPAD,), jnp.float32),
            pltpu.SemaphoreType.DMA,
            pltpu.SemaphoreType.DMA,
        ],
    )


def _prop_body(
    t_hbm, src_hbm, dst_hbm, out_hbm, src_all, dst_all, rows_v, acc_sh, isem, gsems, ssems, *, d, b
):
    c = lax.axis_index("c")
    s = lax.axis_index("s")
    wid = s * _NC + c

    pltpu.async_copy(src_hbm.at[wid], src_all, isem)
    pltpu.async_copy(dst_hbm.at[wid], dst_all, isem)

    nvec = d // _L

    def fill_zero(i, _):
        k = i // (b * nvec)
        r = (i // nvec) % b
        q = i % nvec
        rows_v[k, r, pl.ds(q * _L, _L)] = jnp.zeros((_L,), jnp.float32)
        return 0

    lax.fori_loop(0, _K * b * nvec, fill_zero, 0)

    zoffs = sorted({min(j * b, _RPT - b) for j in range((_RPT + b - 1) // b)})
    for zo in zoffs:
        pltpu.sync_copy(rows_v.at[0], acc_sh.at[pl.ds(s * _RPT + zo, b)])
    pltpu.make_async_copy(src_hbm.at[wid], src_all, isem).wait()
    pltpu.make_async_copy(dst_hbm.at[wid], dst_all, isem).wait()
    plsc.subcore_barrier()

    def step(chunk, _):
        base = chunk * _K
        ghs = [
            pltpu.async_copy(t_hbm.at[src_all.at[base + i]], rows_v.at[i], gsems[i])
            for i in range(_K)
        ]
        shs = []
        for i in range(_K):
            ghs[i].wait()
            shs.append(
                pltpu.async_copy(
                    rows_v.at[i], acc_sh.at[dst_all.at[base + i]], ssems[i], add=True
                )
            )
        for h in shs:
            h.wait()
        return 0

    lax.fori_loop(0, (_EPW // b) // _K, step, 0)
    plsc.subcore_barrier()
    pltpu.sync_copy(
        acc_sh.at[pl.ds(s * _RPT, _RPT)], out_hbm.at[c, pl.ds(s * _RPT, _RPT)]
    )


def _make_prop(d):
    b = _BP[d]
    return pl.kernel(
        functools.partial(_prop_body, d=d, b=b),
        out_type=jax.ShapeDtypeStruct((_NC, _NPAD, d), jnp.float32),
        mesh=_sc_mesh(),
        scratch_types=[
            pltpu.VMEM((_EPW // b, b), jnp.int32),
            pltpu.VMEM((_EPW // b, b), jnp.int32),
            pltpu.VMEM((_K, b, d), jnp.float32),
            pltpu.VMEM_SHARED((_NPAD, d), jnp.float32),
            pltpu.SemaphoreType.DMA,
            [pltpu.SemaphoreType.DMA] * _K,
            [pltpu.SemaphoreType.DMA] * _K,
        ],
        compiler_params=pltpu.CompilerParams(use_tc_tiling_on_sc=False),
    )


_R = 1000


def _norm_from(deg_blk):
    deg = deg_blk[:, 0:1] + deg_blk[:, 1:2]
    return lax.rsqrt(jnp.maximum(deg, 1.0))


def _scale_body(degT_ref, x_ref, o_ref):
    o_ref[...] = x_ref[...] * _norm_from(degT_ref[...])


def _mid_body(s1p_ref, degT_ref, w1_ref, b1_ref, w2_ref, o_ref):
    norm = _norm_from(degT_ref[...])
    s1 = (s1p_ref[0] + s1p_ref[1]) * norm
    h = jnp.dot(s1, w1_ref[...], preferred_element_type=jnp.float32) + b1_ref[...]
    h = jnp.where(h > 0.0, h, jnp.exp(h) - 1.0)
    o_ref[...] = jnp.dot(h, w2_ref[...], preferred_element_type=jnp.float32) * norm


def _final_body(s2p_ref, degT_ref, b2_ref, o_ref):
    norm = _norm_from(degT_ref[...])
    o_ref[...] = (s2p_ref[0] + s2p_ref[1]) * norm + b2_ref[...]


def _scale_call(degT, x):
    return pl.pallas_call(
        _scale_body,
        grid=(_N // _R,),
        in_specs=[
            pl.BlockSpec((_R, 2), lambda i: (i, 0)),
            pl.BlockSpec((_R, _D_IN), lambda i: (i, 0)),
        ],
        out_specs=pl.BlockSpec((_R, _D_IN), lambda i: (i, 0)),
        out_shape=jax.ShapeDtypeStruct((_N, _D_IN), jnp.float32),
    )(degT, x)


def _mid_call(s1p, degT, w1, b1, w2):
    return pl.pallas_call(
        _mid_body,
        grid=(_N // _R,),
        in_specs=[
            pl.BlockSpec((_NC, _R, _HID), lambda i: (0, i, 0)),
            pl.BlockSpec((_R, 2), lambda i: (i, 0)),
            pl.BlockSpec((_D_IN, _HID), lambda i: (0, 0)),
            pl.BlockSpec((1, _HID), lambda i: (0, 0)),
            pl.BlockSpec((_HID, _CLS), lambda i: (0, 0)),
        ],
        out_specs=pl.BlockSpec((_R, _CLS), lambda i: (i, 0)),
        out_shape=jax.ShapeDtypeStruct((_N, _CLS), jnp.float32),
    )(s1p, degT, w1, b1, w2)


def _final_call(s2p, degT, b2):
    return pl.pallas_call(
        _final_body,
        grid=(_N // _R,),
        in_specs=[
            pl.BlockSpec((_NC, _R, _CLS), lambda i: (0, i, 0)),
            pl.BlockSpec((_R, 2), lambda i: (i, 0)),
            pl.BlockSpec((1, _CLS), lambda i: (0, 0)),
        ],
        out_specs=pl.BlockSpec((_R, _CLS), lambda i: (i, 0)),
        out_shape=jax.ShapeDtypeStruct((_N, _CLS), jnp.float32),
    )(s2p, degT, b2)


def kernel(features, edge_index, W1, b1, W2, b2):
    srcw = edge_index[0].reshape(_NW, _EPW)
    dstw = edge_index[1].reshape(_NW, _EPW)
    src40 = srcw.reshape(_NW, _EPW // _BP[128], _BP[128])
    dst40 = dstw.reshape(_NW, _EPW // _BP[128], _BP[128])
    src80 = srcw.reshape(_NW, _EPW // _BP[64], _BP[64])
    dst80 = dstw.reshape(_NW, _EPW // _BP[64], _BP[64])
    dstdeg = dstw.reshape(_NW, _EPW // _BDEG, _BDEG)

    deg2 = _make_deg()(dstdeg)
    degT = deg2.T

    t1 = _scale_call(degT, features)
    s1p = _make_prop(_D_IN)(t1, src40, dst40)
    t2 = _mid_call(s1p, degT, W1, b1.reshape(1, _HID), W2)
    s2p = _make_prop(_CLS)(t2, src80, dst80)
    return _final_call(s2p, degT, b2.reshape(1, _CLS))

# --- scband reference (transcript-rebuilt; emitter-appended) ---
"""Pipeline reference for scband-dgl-sgc-18047452578202 (READ-ONLY COPY).

The authoritative reference and input builder live on the scoring server;
editing this copy changes nothing except your own understanding.
"""

import jax, jax.numpy as jnp
import numpy as np

N = 10000
E = 320000
D_IN = 128
HID = 128
CLS = 64


def setup_inputs(seed: int = 0) -> dict:
    key = jax.random.key(seed)
    k1, k2, k3, k4, k5, k6 = jax.random.split(key, 6)
    features = jax.random.normal(k1, (N, D_IN), dtype=jnp.float32)
    edge_index = jax.random.randint(k2, (2, E), 0, N, dtype=jnp.int32)
    # SGConv fc params (Linear(in_feats, out_feats, bias=True))
    W1 = jax.random.normal(k3, (D_IN, HID), dtype=jnp.float32) * (1.0 / np.sqrt(D_IN))
    b1 = jnp.zeros((HID,), dtype=jnp.float32)
    W2 = jax.random.normal(k4, (HID, CLS), dtype=jnp.float32) * (1.0 / np.sqrt(HID))
    b2 = jnp.zeros((CLS,), dtype=jnp.float32)
    return {"features": features, "edge_index": edge_index, "W1": W1, "b1": b1, "W2": W2, "b2": b2}


def _sgc_propagate(x, src, dst, norm):
    # DGL SGConv with k=1, norm='both':
    # feat = feat * D^{-1/2}; aggregate sum over edges; feat = feat * D^{-1/2}
    h = x * norm[:, None]
    m = jnp.take(h, src, axis=0)
    agg = jax.ops.segment_sum(m, dst, num_segments=N)
    return agg * norm[:, None]


def reference(features, edge_index, W1, b1, W2, b2):
    src = edge_index[0]
    dst = edge_index[1]
    # in-degrees, clamped to min 1 (allow_zero_in_degree=True skips the check)
    deg = jnp.zeros((N,), dtype=jnp.float32).at[dst].add(1.0)
    norm = jnp.power(jnp.clip(deg, 1.0, None), -0.5)
    # layer1: SGConv(in=128, out=128)
    h = _sgc_propagate(features, src, dst, norm)
    h = h @ W1 + b1
    h = jax.nn.elu(h)
    # layer2: SGConv(in=128, out=64)
    h = _sgc_propagate(h, src, dst, norm)
    h = h @ W2 + b2
    return h

if __name__ == "__main__":
    import jax
    _d = setup_inputs()
    print(jax.jit(kernel)(*tuple(_d.values())))

</pallas_src>

<mosaic_0001>
#map = affine_map<(d0, d1) -> (0, 0, 0)>
#map1 = affine_map<(d0, d1) -> (0, 0)>
module attributes {stable_mosaic.version = 14 : i64} {
  func.func @_deg_body(%arg0: i32, %arg1: i32, %arg2: memref<32x125x80xi32, #tpu.memory_space<hbm>>, %arg3: memref<2x10240xf32, #tpu.memory_space<hbm>>, %arg4: memref<125x80xi32, #tpu.memory_space<vmem>>, %arg5: memref<80xf32, #tpu.memory_space<vmem>>, %arg6: memref<640xf32, #tpu.memory_space<vmem>>, %arg7: memref<10240xf32, #tpu.memory_space<vmem_shared>>, %arg8: memref<!tpu.dma_semaphore, #tpu.memory_space<semaphore_mem>>, %arg9: memref<!tpu.dma_semaphore, #tpu.memory_space<semaphore_mem>>) attributes {dimension_semantics = [#tpu.dimension_semantics<core_parallel>, #tpu.dimension_semantics<subcore_parallel>], iteration_bounds = array<i64: 2, 16>, scalar_prefetch = 0 : i64, scratch_operands = 6 : i64, tpu.core_type = #tpu.core_type<sc_vector_subcore>, window_params = [{transform_indices = #map}, {transform_indices = #map1}]} {
    %mul3A = arith.constant 2 : i32
    %mul3A_0 = arith.muli %arg1, %mul3A : i32
    %add3A = arith.addi %mul3A_0, %arg0 : i32
    %dma_start3A = arith.constant 0 : i32
    %dma_start3A_1 = arith.constant 0 : i32
    %dma_start3A_2 = tpu.memref_slice %arg2[%add3A, %dma_start3A, %dma_start3A_1] : memref<32x125x80xi32, #tpu.memory_space<hbm>> -> memref<1x125x80xi32, #tpu.memory_space<hbm>>
    %dma_start3A_3 = tpu.memref_squeeze %dma_start3A_2 : memref<1x125x80xi32, #tpu.memory_space<hbm>> -> memref<125x80xi32, #tpu.memory_space<hbm>>
    %dma_start3A_4 = arith.constant 0 : i32
    %dma_start3A_5 = arith.constant 0 : i32
    %dma_start3A_6 = tpu.memref_slice %arg2[%add3A, %dma_start3A_4, %dma_start3A_5] : memref<32x125x80xi32, #tpu.memory_space<hbm>> -> memref<1x125x80xi32, #tpu.memory_space<hbm>>
    %dma_start3A_7 = tpu.memref_squeeze %dma_start3A_6 : memref<1x125x80xi32, #tpu.memory_space<hbm>> -> memref<125x80xi32, #tpu.memory_space<hbm>>
    tpu.enqueue_dma source(%dma_start3A_7 : memref<125x80xi32, #tpu.memory_space<hbm>>) target(%arg4 : memref<125x80xi32, #tpu.memory_space<vmem>>) target_semaphore(%arg8 : memref<!tpu.dma_semaphore, #tpu.memory_space<semaphore_mem>>)
    %broadcast_in_dim3A = arith.constant 1.000000e+00 : f32
    %broadcast_in_dim3A_8 = vector.broadcast %broadcast_in_dim3A : f32 to vector<16xf32>
    %swap3A = arith.constant 0 : index
    %swap3A_9 = tpu.vector_load %arg5[%swap3A] {strides = array<i32>} : memref<80xf32, #tpu.memory_space<vmem>>, vector<16xf32>,
    %swap3A_10 = vector.shape_cast %swap3A_9 : vector<16xf32> to vector<16xf32>
    %swap3A_11 = vector.shape_cast %broadcast_in_dim3A_8 : vector<16xf32> to vector<16xf32>
    tpu.vector_store %arg5[%swap3A], %swap3A_11 {strides = array<i32>} : memref<80xf32, #tpu.memory_space<vmem>>, vector<16xf32>,
    %broadcast_in_dim3A_12 = arith.constant 1.000000e+00 : f32
    %broadcast_in_dim3A_13 = vector.broadcast %broadcast_in_dim3A_12 : f32 to vector<16xf32>
    %swap3A_14 = arith.constant 16 : index
    %swap3A_15 = tpu.vector_load %arg5[%swap3A_14] {strides = array<i32>} : memref<80xf32, #tpu.memory_space<vmem>>, vector<16xf32>,
    %swap3A_16 = vector.shape_cast %swap3A_15 : vector<16xf32> to vector<16xf32>
    %swap3A_17 = vector.shape_cast %broadcast_in_dim3A_13 : vector<16xf32> to vector<16xf32>
    tpu.vector_store %arg5[%swap3A_14], %swap3A_17 {strides = array<i32>} : memref<80xf32, #tpu.memory_space<vmem>>, vector<16xf32>,
    %broadcast_in_dim3A_18 = arith.constant 1.000000e+00 : f32
    %broadcast_in_dim3A_19 = vector.broadcast %broadcast_in_dim3A_18 : f32 to vector<16xf32>
    %swap3A_20 = arith.constant 32 : index
    %swap3A_21 = tpu.vector_load %arg5[%swap3A_20] {strides = array<i32>} : memref<80xf32, #tpu.memory_space<vmem>>, vector<16xf32>,
    %swap3A_22 = vector.shape_cast %swap3A_21 : vector<16xf32> to vector<16xf32>
    %swap3A_23 = vector.shape_cast %broadcast_in_dim3A_19 : vector<16xf32> to vector<16xf32>
    tpu.vector_store %arg5[%swap3A_20], %swap3A_23 {strides = array<i32>} : memref<80xf32, #tpu.memory_space<vmem>>, vector<16xf32>,
    %broadcast_in_dim3A_24 = arith.constant 1.000000e+00 : f32
    %broadcast_in_dim3A_25 = vector.broadcast %broadcast_in_dim3A_24 : f32 to vector<16xf32>
    %swap3A_26 = arith.constant 48 : index
    %swap3A_27 = tpu.vector_load %arg5[%swap3A_26] {strides = array<i32>} : memref<80xf32, #tpu.memory_space<vmem>>, vector<16xf32>,
    %swap3A_28 = vector.shape_cast %swap3A_27 : vector<16xf32> to vector<16xf32>
    %swap3A_29 = vector.shape_cast %broadcast_in_dim3A_25 : vector<16xf32> to vector<16xf32>
    tpu.vector_store %arg5[%swap3A_26], %swap3A_29 {strides = array<i32>} : memref<80xf32, #tpu.memory_space<vmem>>, vector<16xf32>,
    %broadcast_in_dim3A_30 = arith.constant 1.000000e+00 : f32
    %broadcast_in_dim3A_31 = vector.broadcast %broadcast_in_dim3A_30 : f32 to vector<16xf32>
    %swap3A_32 = arith.constant 64 : index
    %swap3A_33 = tpu.vector_load %arg5[%swap3A_32] {strides = array<i32>} : memref<80xf32, #tpu.memory_space<vmem>>, vector<16xf32>,
    %swap3A_34 = vector.shape_cast %swap3A_33 : vector<16xf32> to vector<16xf32>
    %swap3A_35 = vector.shape_cast %broadcast_in_dim3A_31 : vector<16xf32> to vector<16xf32>
    tpu.vector_store %arg5[%swap3A_32], %swap3A_35 {strides = array<i32>} : memref<80xf32, #tpu.memory_space<vmem>>, vector<16xf32>,
    %scan3A = arith.constant 0 : i32
    %scan3A_36 = arith.constant 0 : i32
    %scan3A_37 = arith.constant 40 : i32
    %scan3A_38 = arith.addi %scan3A_36, %scan3A_37 : i32
    %scan3A_39 = arith.constant 1 : i32
    %scan3A_40 = scf.for %scan3A_63 = %scan3A_36 to %scan3A_38 step %scan3A_39 iter_args(%scan3A_64 = %scan3A) -> (i32)  : i32 {
      %broadcast_in_dim3A_65 = arith.constant 0.000000e+00 : f32
      %broadcast_in_dim3A_66 = vector.broadcast %broadcast_in_dim3A_65 : f32 to vector<16xf32>
      %mul3A_67 = arith.constant 16 : i32
      %mul3A_68 = arith.muli %scan3A_63, %mul3A_67 : i32
      %swap3A_69 = arith.index_cast %mul3A_68 : i32 to index
      %swap3A_70 = tpu.vector_load %arg6[%swap3A_69] {strides = array<i32>} : memref<640xf32, #tpu.memory_space<vmem>>, vector<16xf32>,
      %swap3A_71 = vector.shape_cast %swap3A_70 : vector<16xf32> to vector<16xf32>
      %swap3A_72 = vector.shape_cast %broadcast_in_dim3A_66 : vector<16xf32> to vector<16xf32>
      tpu.vector_store %arg6[%swap3A_69], %swap3A_72 {strides = array<i32>} : memref<640xf32, #tpu.memory_space<vmem>>, vector<16xf32>,
      %scan3A_73 = arith.constant 0 : i32
      scf.yield %scan3A_73 : i32
    }
    %scan3A_41 = arith.constant 40 : i32
    %mul3A_42 = arith.constant 640 : i32
    %mul3A_43 = arith.muli %arg1, %mul3A_42 : i32
    "tpu.region"() ({
      %run_scoped3A = tpu.sem_alloc : memref<!tpu.dma_semaphore, #tpu.memory_space<semaphore_mem>>
      %dma_start3A_63 = tpu.memref_slice %arg7[%mul3A_43] : memref<10240xf32, #tpu.memory_space<vmem_shared>> -> memref<640xf32, #tpu.memory_space<vmem_shared>>
      %dma_start3A_64 = tpu.memref_slice %arg7[%mul3A_43] : memref<10240xf32, #tpu.memory_space<vmem_shared>> -> memref<640xf32, #tpu.memory_space<vmem_shared>>
      tpu.enqueue_dma source(%arg6 : memref<640xf32, #tpu.memory_space<vmem>>) target(%dma_start3A_64 : memref<640xf32, #tpu.memory_space<vmem_shared>>) target_semaphore(%run_scoped3A : memref<!tpu.dma_semaphore, #tpu.memory_space<semaphore_mem>>)
      %dma_wait3A_65 = tpu.memref_slice %arg7[%mul3A_43] : memref<10240xf32, #tpu.memory_space<vmem_shared>> -> memref<640xf32, #tpu.memory_space<vmem_shared>>
      %dma_wait3A_66 = tpu.memref_slice %arg7[%mul3A_43] : memref<10240xf32, #tpu.memory_space<vmem_shared>> -> memref<640xf32, #tpu.memory_space<vmem_shared>>
      tpu.wait_dma2 semaphore(%run_scoped3A : memref<!tpu.dma_semaphore, #tpu.memory_space<semaphore_mem>>) src(%arg6 : memref<640xf32, #tpu.memory_space<vmem>>) dst(%dma_wait3A_66 : memref<640xf32, #tpu.memory_space<vmem_shared>>)
      tpu.yield
    }) : () -> ()
    %dma_wait3A = arith.constant 0 : i32
    %dma_wait3A_44 = arith.constant 0 : i32
    %dma_wait3A_45 = tpu.memref_slice %arg2[%add3A, %dma_wait3A, %dma_wait3A_44] : memref<32x125x80xi32, #tpu.memory_space<hbm>> -> memref<1x125x80xi32, #tpu.memory_space<hbm>>
    %dma_wait3A_46 = tpu.memref_squeeze %dma_wait3A_45 : memref<1x125x80xi32, #tpu.memory_space<hbm>> -> memref<125x80xi32, #tpu.memory_space<hbm>>
    %dma_wait3A_47 = arith.constant 0 : i32
    %dma_wait3A_48 = arith.constant 0 : i32
    %dma_wait3A_49 = tpu.memref_slice %arg2[%add3A, %dma_wait3A_47, %dma_wait3A_48] : memref<32x125x80xi32, #tpu.memory_space<hbm>> -> memref<1x125x80xi32, #tpu.memory_space<hbm>>
    %dma_wait3A_50 = tpu.memref_squeeze %dma_wait3A_49 : memref<1x125x80xi32, #tpu.memory_space<hbm>> -> memref<125x80xi32, #tpu.memory_space<hbm>>
    tpu.wait_dma2 semaphore(%arg8 : memref<!tpu.dma_semaphore, #tpu.memory_space<semaphore_mem>>) src(%dma_wait3A_50 : memref<125x80xi32, #tpu.memory_space<hbm>>) dst(%arg4 : memref<125x80xi32, #tpu.memory_space<vmem>>)
    %barrier3A = arith.constant 0 : index
    tpu.barrier barrier_id(%barrier3A)
    %scan3A_51 = arith.constant 0 : i32
    %scan3A_52 = arith.constant 0 : i32
    %scan3A_53 = arith.constant 25 : i32
    %scan3A_54 = arith.addi %scan3A_52, %scan3A_53 : i32
    %scan3A_55 = arith.constant 1 : i32
    %scan3A_56 = scf.for %scan3A_63 = %scan3A_52 to %scan3A_54 step %scan3A_55 iter_args(%scan3A_64 = %scan3A_51) -> (i32)  : i32 {
      %mul3A_65 = arith.constant 5 : i32
      %mul3A_66 = arith.muli %scan3A_63, %mul3A_65 : i32
      %add3A_67 = arith.constant 0 : i32
      %add3A_68 = arith.addi %mul3A_66, %add3A_67 : i32
      %dma_start3A_69 = arith.constant 0 : i32
      %dma_start3A_70 = tpu.memref_slice %arg4[%add3A_68, %dma_start3A_69] : memref<125x80xi32, #tpu.memory_space<vmem>> -> memref<1x80xi32, #tpu.memory_space<vmem>>
      %dma_start3A_71 = tpu.memref_squeeze %dma_start3A_70 : memref<1x80xi32, #tpu.memory_space<vmem>> -> memref<80xi32, #tpu.memory_space<vmem>>
      %dma_start3A_72 = arith.constant 0 : i32
      %dma_start3A_73 = tpu.memref_slice %arg7[%dma_start3A_72] : memref<10240xf32, #tpu.memory_space<vmem_shared>> -> memref<10240xf32, #tpu.memory_space<vmem_shared>>
      tpu.enqueue_indirect_dma source(%arg5 : memref<80xf32, #tpu.memory_space<vmem>>) target(%dma_start3A_73 : memref<10240xf32, #tpu.memory_space<vmem_shared>>) offsets(%dma_start3A_71 : memref<80xi32, #tpu.memory_space<vmem>>) semaphore(%arg9 : memref<!tpu.dma_semaphore, #tpu.memory_space<semaphore_mem>>) {add = true}
      %add3A_74 = arith.constant 1 : i32
      %add3A_75 = arith.addi %mul3A_66, %add3A_74 : i32
      %dma_start3A_76 = arith.constant 0 : i32
      %dma_start3A_77 = tpu.memref_slice %arg4[%add3A_75, %dma_start3A_76] : memref<125x80xi32, #tpu.memory_space<vmem>> -> memref<1x80xi32, #tpu.memory_space<vmem>>
      %dma_start3A_78 = tpu.memref_squeeze %dma_start3A_77 : memref<1x80xi32, #tpu.memory_space<vmem>> -> memref<80xi32, #tpu.memory_space<vmem>>
      %dma_start3A_79 = arith.constant 0 : i32
      %dma_start3A_80 = tpu.memref_slice %arg7[%dma_start3A_79] : memref<10240xf32, #tpu.memory_space<vmem_shared>> -> memref<10240xf32, #tpu.memory_space<vmem_shared>>
      tpu.enqueue_indirect_dma source(%arg5 : memref<80xf32, #tpu.memory_space<vmem>>) target(%dma_start3A_80 : memref<10240xf32, #tpu.memory_space<vmem_shared>>) offsets(%dma_start3A_78 : memref<80xi32, #tpu.memory_space<vmem>>) semaphore(%arg9 : memref<!tpu.dma_semaphore, #tpu.memory_space<semaphore_mem>>) {add = true}
      %add3A_81 = arith.constant 2 : i32
      %add3A_82 = arith.addi %mul3A_66, %add3A_81 : i32
      %dma_start3A_83 = arith.constant 0 : i32
      %dma_start3A_84 = tpu.memref_slice %arg4[%add3A_82, %dma_start3A_83] : memref<125x80xi32, #tpu.memory_space<vmem>> -> memref<1x80xi32, #tpu.memory_space<vmem>>
      %dma_start3A_85 = tpu.memref_squeeze %dma_start3A_84 : memref<1x80xi32, #tpu.memory_space<vmem>> -> memref<80xi32, #tpu.memory_space<vmem>>
      %dma_start3A_86 = arith.constant 0 : i32
      %dma_start3A_87 = tpu.memref_slice %arg7[%dma_start3A_86] : memref<10240xf32, #tpu.memory_space<vmem_shared>> -> memref<10240xf32, #tpu.memory_space<vmem_shared>>
      tpu.enqueue_indirect_dma source(%arg5 : memref<80xf32, #tpu.memory_space<vmem>>) target(%dma_start3A_87 : memref<10240xf32, #tpu.memory_space<vmem_shared>>) offsets(%dma_start3A_85 : memref<80xi32, #tpu.memory_space<vmem>>) semaphore(%arg9 : memref<!tpu.dma_semaphore, #tpu.memory_space<semaphore_mem>>) {add = true}
      %add3A_88 = arith.constant 3 : i32
      %add3A_89 = arith.addi %mul3A_66, %add3A_88 : i32
      %dma_start3A_90 = arith.constant 0 : i32
      %dma_start3A_91 = tpu.memref_slice %arg4[%add3A_89, %dma_start3A_90] : memref<125x80xi32, #tpu.memory_space<vmem>> -> memref<1x80xi32, #tpu.memory_space<vmem>>
      %dma_start3A_92 = tpu.memref_squeeze %dma_start3A_91 : memref<1x80xi32, #tpu.memory_space<vmem>> -> memref<80xi32, #tpu.memory_space<vmem>>
      %dma_start3A_93 = arith.constant 0 : i32
      %dma_start3A_94 = tpu.memref_slice %arg7[%dma_start3A_93] : memref<10240xf32, #tpu.memory_space<vmem_shared>> -> memref<10240xf32, #tpu.memory_space<vmem_shared>>
      tpu.enqueue_indirect_dma source(%arg5 : memref<80xf32, #tpu.memory_space<vmem>>) target(%dma_start3A_94 : memref<10240xf32, #tpu.memory_space<vmem_shared>>) offsets(%dma_start3A_92 : memref<80xi32, #tpu.memory_space<vmem>>) semaphore(%arg9 : memref<!tpu.dma_semaphore, #tpu.memory_space<semaphore_mem>>) {add = true}
      %add3A_95 = arith.constant 4 : i32
      %add3A_96 = arith.addi %mul3A_66, %add3A_95 : i32
      %dma_start3A_97 = arith.constant 0 : i32
      %dma_start3A_98 = tpu.memref_slice %arg4[%add3A_96, %dma_start3A_97] : memref<125x80xi32, #tpu.memory_space<vmem>> -> memref<1x80xi32, #tpu.memory_space<vmem>>
      %dma_start3A_99 = tpu.memref_squeeze %dma_start3A_98 : memref<1x80xi32, #tpu.memory_space<vmem>> -> memref<80xi32, #tpu.memory_space<vmem>>
      %dma_start3A_100 = arith.constant 0 : i32
      %dma_start3A_101 = tpu.memref_slice %arg7[%dma_start3A_100] : memref<10240xf32, #tpu.memory_space<vmem_shared>> -> memref<10240xf32, #tpu.memory_space<vmem_shared>>
      tpu.enqueue_indirect_dma source(%arg5 : memref<80xf32, #tpu.memory_space<vmem>>) target(%dma_start3A_101 : memref<10240xf32, #tpu.memory_space<vmem_shared>>) offsets(%dma_start3A_99 : memref<80xi32, #tpu.memory_space<vmem>>) semaphore(%arg9 : memref<!tpu.dma_semaphore, #tpu.memory_space<semaphore_mem>>) {add = true}
      %dma_wait3A_102 = arith.constant 0 : i32
      %dma_wait3A_103 = tpu.memref_slice %arg4[%add3A_68, %dma_wait3A_102] : memref<125x80xi32, #tpu.memory_space<vmem>> -> memref<1x80xi32, #tpu.memory_space<vmem>>
      %dma_wait3A_104 = tpu.memref_squeeze %dma_wait3A_103 : memref<1x80xi32, #tpu.memory_space<vmem>> -> memref<80xi32, #tpu.memory_space<vmem>>
      %dma_wait3A_105 = arith.constant 0 : i32
      %dma_wait3A_106 = tpu.memref_slice %arg7[%dma_wait3A_105] : memref<10240xf32, #tpu.memory_space<vmem_shared>> -> memref<10240xf32, #tpu.memory_space<vmem_shared>>
      tpu.wait_indirect_dma semaphore(%arg9 : memref<!tpu.dma_semaphore, #tpu.memory_space<semaphore_mem>>) src(%arg5 : memref<80xf32, #tpu.memory_space<vmem>>) dst(%dma_wait3A_106 : memref<10240xf32, #tpu.memory_space<vmem_shared>>)
      %dma_wait3A_107 = arith.constant 0 : i32
      %dma_wait3A_108 = tpu.memref_slice %arg4[%add3A_75, %dma_wait3A_107] : memref<125x80xi32, #tpu.memory_space<vmem>> -> memref<1x80xi32, #tpu.memory_space<vmem>>
      %dma_wait3A_109 = tpu.memref_squeeze %dma_wait3A_108 : memref<1x80xi32, #tpu.memory_space<vmem>> -> memref<80xi32, #tpu.memory_space<vmem>>
      %dma_wait3A_110 = arith.constant 0 : i32
      %dma_wait3A_111 = tpu.memref_slice %arg7[%dma_wait3A_110] : memref<10240xf32, #tpu.memory_space<vmem_shared>> -> memref<10240xf32, #tpu.memory_space<vmem_shared>>
      tpu.wait_indirect_dma semaphore(%arg9 : memref<!tpu.dma_semaphore, #tpu.memory_space<semaphore_mem>>) src(%arg5 : memref<80xf32, #tpu.memory_space<vmem>>) dst(%dma_wait3A_111 : memref<10240xf32, #tpu.memory_space<vmem_shared>>)
      %dma_wait3A_112 = arith.constant 0 : i32
      %dma_wait3A_113 = tpu.memref_slice %arg4[%add3A_82, %dma_wait3A_112] : memref<125x80xi32, #tpu.memory_space<vmem>> -> memref<1x80xi32, #tpu.memory_space<vmem>>
      %dma_wait3A_114 = tpu.memref_squeeze %dma_wait3A_113 : memref<1x80xi32, #tpu.memory_space<vmem>> -> memref<80xi32, #tpu.memory_space<vmem>>
      %dma_wait3A_115 = arith.constant 0 : i32
      %dma_wait3A_116 = tpu.memref_slice %arg7[%dma_wait3A_115] : memref<10240xf32, #tpu.memory_space<vmem_shared>> -> memref<10240xf32, #tpu.memory_space<vmem_shared>>
      tpu.wait_indirect_dma semaphore(%arg9 : memref<!tpu.dma_semaphore, #tpu.memory_space<semaphore_mem>>) src(%arg5 : memref<80xf32, #tpu.memory_space<vmem>>) dst(%dma_wait3A_116 : memref<10240xf32, #tpu.memory_space<vmem_shared>>)
      %dma_wait3A_117 = arith.constant 0 : i32
      %dma_wait3A_118 = tpu.memref_slice %arg4[%add3A_89, %dma_wait3A_117] : memref<125x80xi32, #tpu.memory_space<vmem>> -> memref<1x80xi32, #tpu.memory_space<vmem>>
      %dma_wait3A_119 = tpu.memref_squeeze %dma_wait3A_118 : memref<1x80xi32, #tpu.memory_space<vmem>> -> memref<80xi32, #tpu.memory_space<vmem>>
      %dma_wait3A_120 = arith.constant 0 : i32
      %dma_wait3A_121 = tpu.memref_slice %arg7[%dma_wait3A_120] : memref<10240xf32, #tpu.memory_space<vmem_shared>> -> memref<10240xf32, #tpu.memory_space<vmem_shared>>
      tpu.wait_indirect_dma semaphore(%arg9 : memref<!tpu.dma_semaphore, #tpu.memory_space<semaphore_mem>>) src(%arg5 : memref<80xf32, #tpu.memory_space<vmem>>) dst(%dma_wait3A_121 : memref<10240xf32, #tpu.memory_space<vmem_shared>>)
      %dma_wait3A_122 = arith.constant 0 : i32
      %dma_wait3A_123 = tpu.memref_slice %arg4[%add3A_96, %dma_wait3A_122] : memref<125x80xi32, #tpu.memory_space<vmem>> -> memref<1x80xi32, #tpu.memory_space<vmem>>
      %dma_wait3A_124 = tpu.memref_squeeze %dma_wait3A_123 : memref<1x80xi32, #tpu.memory_space<vmem>> -> memref<80xi32, #tpu.memory_space<vmem>>
      %dma_wait3A_125 = arith.constant 0 : i32
      %dma_wait3A_126 = tpu.memref_slice %arg7[%dma_wait3A_125] : memref<10240xf32, #tpu.memory_space<vmem_shared>> -> memref<10240xf32, #tpu.memory_space<vmem_shared>>
      tpu.wait_indirect_dma semaphore(%arg9 : memref<!tpu.dma_semaphore, #tpu.memory_space<semaphore_mem>>) src(%arg5 : memref<80xf32, #tpu.memory_space<vmem>>) dst(%dma_wait3A_126 : memref<10240xf32, #tpu.memory_space<vmem_shared>>)
      %scan3A_127 = arith.constant 0 : i32
      scf.yield %scan3A_127 : i32
    }
    %scan3A_57 = arith.constant 25 : i32
    %barrier3A_58 = arith.constant 0 : index
    tpu.barrier barrier_id(%barrier3A_58)
    %mul3A_59 = arith.constant 640 : i32
    %mul3A_60 = arith.muli %arg1, %mul3A_59 : i32
    %mul3A_61 = arith.constant 640 : i32
    %mul3A_62 = arith.muli %arg1, %mul3A_61 : i32
    "tpu.region"() ({
      %run_scoped3A = tpu.sem_alloc : memref<!tpu.dma_semaphore, #tpu.memory_space<semaphore_mem>>
      %dma_start3A_63 = tpu.memref_slice %arg3[%arg0, %mul3A_62] : memref<2x10240xf32, #tpu.memory_space<hbm>> -> memref<1x640xf32, #tpu.memory_space<hbm>>
      %dma_start3A_64 = tpu.memref_squeeze %dma_start3A_63 : memref<1x640xf32, #tpu.memory_space<hbm>> -> memref<640xf32, #tpu.memory_space<hbm>>
      %dma_start3A_65 = tpu.memref_slice %arg7[%mul3A_60] : memref<10240xf32, #tpu.memory_space<vmem_shared>> -> memref<640xf32, #tpu.memory_space<vmem_shared>>
      tpu.enqueue_dma source(%dma_start3A_65 : memref<640xf32, #tpu.memory_space<vmem_shared>>) target(%dma_start3A_64 : memref<640xf32, #tpu.memory_space<hbm>>) target_semaphore(%run_scoped3A : memref<!tpu.dma_semaphore, #tpu.memory_space<semaphore_mem>>)
      %dma_wait3A_66 = tpu.memref_slice %arg3[%arg0, %mul3A_62] : memref<2x10240xf32, #tpu.memory_space<hbm>> -> memref<1x640xf32, #tpu.memory_space<hbm>>
      %dma_wait3A_67 = tpu.memref_squeeze %dma_wait3A_66 : memref<1x640xf32, #tpu.memory_space<hbm>> -> memref<640xf32, #tpu.memory_space<hbm>>
      %dma_wait3A_68 = tpu.memref_slice %arg7[%mul3A_60] : memref<10240xf32, #tpu.memory_space<vmem_shared>> -> memref<640xf32, #tpu.memory_space<vmem_shared>>
      tpu.wait_dma2 semaphore(%run_scoped3A : memref<!tpu.dma_semaphore, #tpu.memory_space<semaphore_mem>>) src(%dma_wait3A_68 : memref<640xf32, #tpu.memory_space<vmem_shared>>) dst(%dma_wait3A_67 : memref<640xf32, #tpu.memory_space<hbm>>)
      tpu.yield
    }) : () -> ()
    return
  }
}

#map = affine_map<(d0, d1) -> (0, 0)>
#map1 = affine_map<(d0, d1) -> (0, 0, 0)>
module attributes {stable_mosaic.version = 14 : i64} {
  func.func @_prop_body(%arg0: i32, %arg1: i32, %arg2: memref<10000x64xf32, #tpu.memory_space<hbm>>, %arg3: memref<32x125x80xi32, #tpu.memory_space<hbm>>, %arg4: memref<32x125x80xi32, #tpu.memory_space<hbm>>, %arg5: memref<2x10240x64xf32, #tpu.memory_space<hbm>>, %arg6: memref<125x80xi32, #tpu.memory_space<vmem>>, %arg7: memref<125x80xi32, #tpu.memory_space<vmem>>, %arg8: memref<5x80x64xf32, #tpu.memory_space<vmem>>, %arg9: memref<10240x64xf32, #tpu.memory_space<vmem_shared>>, %arg10: memref<!tpu.dma_semaphore, #tpu.memory_space<semaphore_mem>>, %arg11: memref<!tpu.dma_semaphore, #tpu.memory_space<semaphore_mem>>, %arg12: memref<!tpu.dma_semaphore, #tpu.memory_space<semaphore_mem>>, %arg13: memref<!tpu.dma_semaphore, #tpu.memory_space<semaphore_mem>>, %arg14: memref<!tpu.dma_semaphore, #tpu.memory_space<semaphore_mem>>, %arg15: memref<!tpu.dma_semaphore, #tpu.memory_space<semaphore_mem>>, %arg16: memref<!tpu.dma_semaphore, #tpu.memory_space<semaphore_mem>>, %arg17: memref<!tpu.dma_semaphore, #tpu.memory_space<semaphore_mem>>, %arg18: memref<!tpu.dma_semaphore, #tpu.memory_space<semaphore_mem>>, %arg19: memref<!tpu.dma_semaphore, #tpu.memory_space<semaphore_mem>>, %arg20: memref<!tpu.dma_semaphore, #tpu.memory_space<semaphore_mem>>) attributes {dimension_semantics = [#tpu.dimension_semantics<core_parallel>, #tpu.dimension_semantics<subcore_parallel>], iteration_bounds = array<i64: 2, 16>, scalar_prefetch = 0 : i64, scratch_operands = 15 : i64, tpu.core_type = #tpu.core_type<sc_vector_subcore>, window_params = [{transform_indices = #map}, {transform_indices = #map1}, {transform_indices = #map1}, {transform_indices = #map1}]} {
    %mul3A = arith.constant 2 : i32
    %mul3A_0 = arith.muli %arg1, %mul3A : i32
    %add3A = arith.addi %mul3A_0, %arg0 : i32
    %dma_start3A = arith.constant 0 : i32
    %dma_start3A_1 = arith.constant 0 : i32
    %dma_start3A_2 = tpu.memref_slice %arg3[%add3A, %dma_start3A, %dma_start3A_1] : memref<32x125x80xi32, #tpu.memory_space<hbm>> -> memref<1x125x80xi32, #tpu.memory_space<hbm>>
    %dma_start3A_3 = tpu.memref_squeeze %dma_start3A_2 : memref<1x125x80xi32, #tpu.memory_space<hbm>> -> memref<125x80xi32, #tpu.memory_space<hbm>>
    %dma_start3A_4 = arith.constant 0 : i32
    %dma_start3A_5 = arith.constant 0 : i32
    %dma_start3A_6 = tpu.memref_slice %arg3[%add3A, %dma_start3A_4, %dma_start3A_5] : memref<32x125x80xi32, #tpu.memory_space<hbm>> -> memref<1x125x80xi32, #tpu.memory_space<hbm>>
    %dma_start3A_7 = tpu.memref_squeeze %dma_start3A_6 : memref<1x125x80xi32, #tpu.memory_space<hbm>> -> memref<125x80xi32, #tpu.memory_space<hbm>>
    tpu.enqueue_dma source(%dma_start3A_7 : memref<125x80xi32, #tpu.memory_space<hbm>>) target(%arg6 : memref<125x80xi32, #tpu.memory_space<vmem>>) target_semaphore(%arg10 : memref<!tpu.dma_semaphore, #tpu.memory_space<semaphore_mem>>)
    %dma_start3A_8 = arith.constant 0 : i32
    %dma_start3A_9 = arith.constant 0 : i32
    %dma_start3A_10 = tpu.memref_slice %arg4[%add3A, %dma_start3A_8, %dma_start3A_9] : memref<32x125x80xi32, #tpu.memory_space<hbm>> -> memref<1x125x80xi32, #tpu.memory_space<hbm>>
    %dma_start3A_11 = tpu.memref_squeeze %dma_start3A_10 : memref<1x125x80xi32, #tpu.memory_space<hbm>> -> memref<125x80xi32, #tpu.memory_space<hbm>>
    %dma_start3A_12 = arith.constant 0 : i32
    %dma_start3A_13 = arith.constant 0 : i32
    %dma_start3A_14 = tpu.memref_slice %arg4[%add3A, %dma_start3A_12, %dma_start3A_13] : memref<32x125x80xi32, #tpu.memory_space<hbm>> -> memref<1x125x80xi32, #tpu.memory_space<hbm>>
    %dma_start3A_15 = tpu.memref_squeeze %dma_start3A_14 : memref<1x125x80xi32, #tpu.memory_space<hbm>> -> memref<125x80xi32, #tpu.memory_space<hbm>>
    tpu.enqueue_dma source(%dma_start3A_15 : memref<125x80xi32, #tpu.memory_space<hbm>>) target(%arg7 : memref<125x80xi32, #tpu.memory_space<vmem>>) target_semaphore(%arg10 : memref<!tpu.dma_semaphore, #tpu.memory_space<semaphore_mem>>)
    %scan3A = arith.constant 0 : i32
    %scan3A_16 = arith.constant 0 : i32
    %scan3A_17 = arith.constant 1600 : i32
    %scan3A_18 = arith.addi %scan3A_16, %scan3A_17 : i32
    %scan3A_19 = arith.constant 1 : i32
    %scan3A_20 = scf.for %scan3A_88 = %scan3A_16 to %scan3A_18 step %scan3A_19 iter_args(%scan3A_89 = %scan3A) -> (i32)  : i32 {
      %jit3A = arith.constant 320 : i32
      %div3A = arith.divsi %scan3A_88, %jit3A : i32
      %sign3A = arith.constant 0 : i32
      %sign3A_90 = arith.cmpi sgt, %scan3A_88, %sign3A : i32
      %sign3A_91 = arith.extui %sign3A_90 : i1 to i32
      %sign3A_92 = arith.constant 0 : i32
      %sign3A_93 = arith.cmpi slt, %scan3A_88, %sign3A_92 : i32
      %sign3A_94 = arith.extui %sign3A_93 : i1 to i32
      %sign3A_95 = arith.subi %sign3A_91, %sign3A_94 : i32
      %sign3A_96 = arith.constant 0 : i32
      %sign3A_97 = arith.cmpi sgt, %jit3A, %sign3A_96 : i32
      %sign3A_98 = arith.extui %sign3A_97 : i1 to i32
      %sign3A_99 = arith.constant 0 : i32
      %sign3A_100 = arith.cmpi slt, %jit3A, %sign3A_99 : i32
      %sign3A_101 = arith.extui %sign3A_100 : i1 to i32
      %sign3A_102 = arith.subi %sign3A_98, %sign3A_101 : i32
      %ne3A = arith.cmpi ne, %sign3A_95, %sign3A_102 : i32
      %rem3A = arith.remsi %scan3A_88, %jit3A : i32
      %ne3A_103 = arith.constant 0 : i32
      %ne3A_104 = arith.cmpi ne, %rem3A, %ne3A_103 : i32
      %and3A = arith.andi %ne3A, %ne3A_104 : i1
      %sub3A = arith.constant 1 : i32
      %sub3A_105 = arith.subi %div3A, %sub3A : i32
      %select_n3A = arith.select %and3A, %sub3A_105, %div3A : i32
      %jit3A_106 = arith.constant 4 : i32
      %div3A_107 = arith.divsi %scan3A_88, %jit3A_106 : i32
      %sign3A_108 = arith.constant 0 : i32
      %sign3A_109 = arith.cmpi sgt, %scan3A_88, %sign3A_108 : i32
      %sign3A_110 = arith.extui %sign3A_109 : i1 to i32
      %sign3A_111 = arith.constant 0 : i32
      %sign3A_112 = arith.cmpi slt, %scan3A_88, %sign3A_111 : i32
      %sign3A_113 = arith.extui %sign3A_112 : i1 to i32
      %sign3A_114 = arith.subi %sign3A_110, %sign3A_113 : i32
      %sign3A_115 = arith.constant 0 : i32
      %sign3A_116 = arith.cmpi sgt, %jit3A_106, %sign3A_115 : i32
      %sign3A_117 = arith.extui %sign3A_116 : i1 to i32
      %sign3A_118 = arith.constant 0 : i32
      %sign3A_119 = arith.cmpi slt, %jit3A_106, %sign3A_118 : i32
      %sign3A_120 = arith.extui %sign3A_119 : i1 to i32
      %sign3A_121 = arith.subi %sign3A_117, %sign3A_120 : i32
      %ne3A_122 = arith.cmpi ne, %sign3A_114, %sign3A_121 : i32
      %rem3A_123 = arith.remsi %scan3A_88, %jit3A_106 : i32
      %ne3A_124 = arith.constant 0 : i32
      %ne3A_125 = arith.cmpi ne, %rem3A_123, %ne3A_124 : i32
      %and3A_126 = arith.andi %ne3A_122, %ne3A_125 : i1
      %sub3A_127 = arith.constant 1 : i32
      %sub3A_128 = arith.subi %div3A_107, %sub3A_127 : i32
      %select_n3A_129 = arith.select %and3A_126, %sub3A_128, %div3A_107 : i32
      %jit3A_130 = arith.constant 80 : i32
      %eq3A = arith.constant 0 : i32
      %eq3A_131 = arith.cmpi eq, %jit3A_130, %eq3A : i32
      %jit3A_132 = arith.constant 1 : i32
      %select_n3A_133 = arith.select %eq3A_131, %jit3A_132, %jit3A_130 : i32
      %rem3A_134 = arith.remsi %select_n3A_129, %select_n3A_133 : i32
      %ne3A_135 = arith.constant 0 : i32
      %ne3A_136 = arith.cmpi ne, %rem3A_134, %ne3A_135 : i32
      %lt3A = arith.constant 0 : i32
      %lt3A_137 = arith.cmpi slt, %rem3A_134, %lt3A : i32
      %lt3A_138 = arith.constant 0 : i32
      %lt3A_139 = arith.cmpi slt, %select_n3A_133, %lt3A_138 : i32
      %ne3A_140 = arith.xori %lt3A_137, %lt3A_139 : i1
      %and3A_141 = arith.andi %ne3A_140, %ne3A_136 : i1
      %add3A_142 = arith.addi %rem3A_134, %select_n3A_133 : i32
      %select_n3A_143 = arith.select %and3A_141, %add3A_142, %rem3A_134 : i32
      %jit3A_144 = arith.constant 4 : i32
      %eq3A_145 = arith.constant 0 : i32
      %eq3A_146 = arith.cmpi eq, %jit3A_144, %eq3A_145 : i32
      %jit3A_147 = arith.constant 1 : i32
      %select_n3A_148 = arith.select %eq3A_146, %jit3A_147, %jit3A_144 : i32
      %rem3A_149 = arith.remsi %scan3A_88, %select_n3A_148 : i32
      %ne3A_150 = arith.constant 0 : i32
      %ne3A_151 = arith.cmpi ne, %rem3A_149, %ne3A_150 : i32
      %lt3A_152 = arith.constant 0 : i32
      %lt3A_153 = arith.cmpi slt, %rem3A_149, %lt3A_152 : i32
      %lt3A_154 = arith.constant 0 : i32
      %lt3A_155 = arith.cmpi slt, %select_n3A_148, %lt3A_154 : i32
      %ne3A_156 = arith.xori %lt3A_153, %lt3A_155 : i1
      %and3A_157 = arith.andi %ne3A_156, %ne3A_151 : i1
      %add3A_158 = arith.addi %rem3A_149, %select_n3A_148 : i32
      %select_n3A_159 = arith.select %and3A_157, %add3A_158, %rem3A_149 : i32
      %broadcast_in_dim3A = arith.constant 0.000000e+00 : f32
      %broadcast_in_dim3A_160 = vector.broadcast %broadcast_in_dim3A : f32 to vector<16xf32>
      %mul3A_161 = arith.constant 16 : i32
      %mul3A_162 = arith.muli %select_n3A_159, %mul3A_161 : i32
      %swap3A = arith.index_cast %select_n3A : i32 to index
      %swap3A_163 = arith.index_cast %select_n3A_143 : i32 to index
      %swap3A_164 = arith.index_cast %mul3A_162 : i32 to index
      %swap3A_165 = tpu.vector_load %arg8[%swap3A, %swap3A_163, %swap3A_164] {strides = array<i32>} : memref<5x80x64xf32, #tpu.memory_space<vmem>>, vector<1x1x16xf32>,
      %swap3A_166 = vector.shape_cast %swap3A_165 : vector<1x1x16xf32> to vector<16xf32>
      %swap3A_167 = vector.shape_cast %broadcast_in_dim3A_160 : vector<16xf32> to vector<1x1x16xf32>
      tpu.vector_store %arg8[%swap3A, %swap3A_163, %swap3A_164], %swap3A_167 {strides = array<i32>} : memref<5x80x64xf32, #tpu.memory_space<vmem>>, vector<1x1x16xf32>,
      %scan3A_168 = arith.constant 0 : i32
      scf.yield %scan3A_168 : i32
    }
    %scan3A_21 = arith.constant 1600 : i32
    %mul3A_22 = arith.constant 640 : i32
    %mul3A_23 = arith.muli %arg1, %mul3A_22 : i32
    %add3A_24 = arith.constant 0 : i32
    %add3A_25 = arith.addi %mul3A_23, %add3A_24 : i32
    %run_scoped3A = arith.constant 0 : i32
    "tpu.region"() ({
      %run_scoped3A_88 = tpu.sem_alloc : memref<!tpu.dma_semaphore, #tpu.memory_space<semaphore_mem>>
      %dma_start3A_89 = arith.constant 0 : i32
      %dma_start3A_90 = arith.constant 0 : i32
      %dma_start3A_91 = tpu.memref_slice %arg8[%run_scoped3A, %dma_start3A_89, %dma_start3A_90] : memref<5x80x64xf32, #tpu.memory_space<vmem>> -> memref<1x80x64xf32, #tpu.memory_space<vmem>>
      %dma_start3A_92 = tpu.memref_squeeze %dma_start3A_91 : memref<1x80x64xf32, #tpu.memory_space<vmem>> -> memref<80x64xf32, #tpu.memory_space<vmem>>
      %dma_start3A_93 = arith.constant 0 : i32
      %dma_start3A_94 = tpu.memref_slice %arg9[%add3A_25, %dma_start3A_93] : memref<10240x64xf32, #tpu.memory_space<vmem_shared>> -> memref<80x64xf32, #tpu.memory_space<vmem_shared>>
      %dma_start3A_95 = arith.constant 0 : i32
      %dma_start3A_96 = tpu.memref_slice %arg9[%add3A_25, %dma_start3A_95] : memref<10240x64xf32, #tpu.memory_space<vmem_shared>> -> memref<80x64xf32, #tpu.memory_space<vmem_shared>>
      %dma_start3A_97 = arith.constant 0 : i32
      %dma_start3A_98 = arith.constant 0 : i32
      %dma_start3A_99 = tpu.memref_slice %arg8[%run_scoped3A, %dma_start3A_97, %dma_start3A_98] : memref<5x80x64xf32, #tpu.memory_space<vmem>> -> memref<1x80x64xf32, #tpu.memory_space<vmem>>
      %dma_start3A_100 = tpu.memref_squeeze %dma_start3A_99 : memref<1x80x64xf32, #tpu.memory_space<vmem>> -> memref<80x64xf32, #tpu.memory_space<vmem>>
      tpu.enqueue_dma source(%dma_start3A_100 : memref<80x64xf32, #tpu.memory_space<vmem>>) target(%dma_start3A_96 : memref<80x64xf32, #tpu.memory_space<vmem_shared>>) target_semaphore(%run_scoped3A_88 : memref<!tpu.dma_semaphore, #tpu.memory_space<semaphore_mem>>)
      %dma_wait3A_101 = arith.constant 0 : i32
      %dma_wait3A_102 = arith.constant 0 : i32
      %dma_wait3A_103 = tpu.memref_slice %arg8[%run_scoped3A, %dma_wait3A_101, %dma_wait3A_102] : memref<5x80x64xf32, #tpu.memory_space<vmem>> -> memref<1x80x64xf32, #tpu.memory_space<vmem>>
      %dma_wait3A_104 = tpu.memref_squeeze %dma_wait3A_103 : memref<1x80x64xf32, #tpu.memory_space<vmem>> -> memref<80x64xf32, #tpu.memory_space<vmem>>
      %dma_wait3A_105 = arith.constant 0 : i32
      %dma_wait3A_106 = tpu.memref_slice %arg9[%add3A_25, %dma_wait3A_105] : memref<10240x64xf32, #tpu.memory_space<vmem_shared>> -> memref<80x64xf32, #tpu.memory_space<vmem_shared>>
      %dma_wait3A_107 = arith.constant 0 : i32
      %dma_wait3A_108 = tpu.memref_slice %arg9[%add3A_25, %dma_wait3A_107] : memref<10240x64xf32, #tpu.memory_space<vmem_shared>> -> memref<80x64xf32, #tpu.memory_space<vmem_shared>>
      %dma_wait3A_109 = arith.constant 0 : i32
      %dma_wait3A_110 = arith.constant 0 : i32
      %dma_wait3A_111 = tpu.memref_slice %arg8[%run_scoped3A, %dma_wait3A_109, %dma_wait3A_110] : memref<5x80x64xf32, #tpu.memory_space<vmem>> -> memref<1x80x64xf32, #tpu.memory_space<vmem>>
      %dma_wait3A_112 = tpu.memref_squeeze %dma_wait3A_111 : memref<1x80x64xf32, #tpu.memory_space<vmem>> -> memref<80x64xf32, #tpu.memory_space<vmem>>
      tpu.wait_dma2 semaphore(%run_scoped3A_88 : memref<!tpu.dma_semaphore, #tpu.memory_space<semaphore_mem>>) src(%dma_wait3A_112 : memref<80x64xf32, #tpu.memory_space<vmem>>) dst(%dma_wait3A_108 : memref<80x64xf32, #tpu.memory_space<vmem_shared>>)
      tpu.yield
    }) : () -> ()
    %mul3A_26 = arith.constant 640 : i32
    %mul3A_27 = arith.muli %arg1, %mul3A_26 : i32
    %add3A_28 = arith.constant 80 : i32
    %add3A_29 = arith.addi %mul3A_27, %add3A_28 : i32
    %run_scoped3A_30 = arith.constant 0 : i32
    "tpu.region"() ({
      %run_scoped3A_88 = tpu.sem_alloc : memref<!tpu.dma_semaphore, #tpu.memory_space<semaphore_mem>>
      %dma_start3A_89 = arith.constant 0 : i32
      %dma_start3A_90 = arith.constant 0 : i32
      %dma_start3A_91 = tpu.memref_slice %arg8[%run_scoped3A_30, %dma_start3A_89, %dma_start3A_90] : memref<5x80x64xf32, #tpu.memory_space<vmem>> -> memref<1x80x64xf32, #tpu.memory_space<vmem>>
      %dma_start3A_92 = tpu.memref_squeeze %dma_start3A_91 : memref<1x80x64xf32, #tpu.memory_space<vmem>> -> memref<80x64xf32, #tpu.memory_space<vmem>>
      %dma_start3A_93 = arith.constant 0 : i32
      %dma_start3A_94 = tpu.memref_slice %arg9[%add3A_29, %dma_start3A_93] : memref<10240x64xf32, #tpu.memory_space<vmem_shared>> -> memref<80x64xf32, #tpu.memory_space<vmem_shared>>
      %dma_start3A_95 = arith.constant 0 : i32
      %dma_start3A_96 = tpu.memref_slice %arg9[%add3A_29, %dma_start3A_95] : memref<10240x64xf32, #tpu.memory_space<vmem_shared>> -> memref<80x64xf32, #tpu.memory_space<vmem_shared>>
      %dma_start3A_97 = arith.constant 0 : i32
      %dma_start3A_98 = arith.constant 0 : i32
      %dma_start3A_99 = tpu.memref_slice %arg8[%run_scoped3A_30, %dma_start3A_97, %dma_start3A_98] : memref<5x80x64xf32, #tpu.memory_space<vmem>> -> memref<1x80x64xf32, #tpu.memory_space<vmem>>
      %dma_start3A_100 = tpu.memref_squeeze %dma_start3A_99 : memref<1x80x64xf32, #tpu.memory_space<vmem>> -> memref<80x64xf32, #tpu.memory_space<vmem>>
      tpu.enqueue_dma source(%dma_start3A_100 : memref<80x64xf32, #tpu.memory_space<vmem>>) target(%dma_start3A_96 : memref<80x64xf32, #tpu.memory_space<vmem_shared>>) target_semaphore(%run_scoped3A_88 : memref<!tpu.dma_semaphore, #tpu.memory_space<semaphore_mem>>)
      %dma_wait3A_101 = arith.constant 0 : i32
      %dma_wait3A_102 = arith.constant 0 : i32
      %dma_wait3A_103 = tpu.memref_slice %arg8[%run_scoped3A_30, %dma_wait3A_101, %dma_wait3A_102] : memref<5x80x64xf32, #tpu.memory_space<vmem>> -> memref<1x80x64xf32, #tpu.memory_space<vmem>>
      %dma_wait3A_104 = tpu.memref_squeeze %dma_wait3A_103 : memref<1x80x64xf32, #tpu.memory_space<vmem>> -> memref<80x64xf32, #tpu.memory_space<vmem>>
      %dma_wait3A_105 = arith.constant 0 : i32
      %dma_wait3A_106 = tpu.memref_slice %arg9[%add3A_29, %dma_wait3A_105] : memref<10240x64xf32, #tpu.memory_space<vmem_shared>> -> memref<80x64xf32, #tpu.memory_space<vmem_shared>>
      %dma_wait3A_107 = arith.constant 0 : i32
      %dma_wait3A_108 = tpu.memref_slice %arg9[%add3A_29, %dma_wait3A_107] : memref<10240x64xf32, #tpu.memory_space<vmem_shared>> -> memref<80x64xf32, #tpu.memory_space<vmem_shared>>
      %dma_wait3A_109 = arith.constant 0 : i32
      %dma_wait3A_110 = arith.constant 0 : i32
      %dma_wait3A_111 = tpu.memref_slice %arg8[%run_scoped3A_30, %dma_wait3A_109, %dma_wait3A_110] : memref<5x80x64xf32, #tpu.memory_space<vmem>> -> memref<1x80x64xf32, #tpu.memory_space<vmem>>
      %dma_wait3A_112 = tpu.memref_squeeze %dma_wait3A_111 : memref<1x80x64xf32, #tpu.memory_space<vmem>> -> memref<80x64xf32, #tpu.memory_space<vmem>>
      tpu.wait_dma2 semaphore(%run_scoped3A_88 : memref<!tpu.dma_semaphore, #tpu.memory_space<semaphore_mem>>) src(%dma_wait3A_112 : memref<80x64xf32, #tpu.memory_space<vmem>>) dst(%dma_wait3A_108 : memref<80x64xf32, #tpu.memory_space<vmem_shared>>)
      tpu.yield
    }) : () -> ()
    %mul3A_31 = arith.constant 640 : i32
    %mul3A_32 = arith.muli %arg1, %mul3A_31 : i32
    %add3A_33 = arith.constant 160 : i32
    %add3A_34 = arith.addi %mul3A_32, %add3A_33 : i32
    %run_scoped3A_35 = arith.constant 0 : i32
    "tpu.region"() ({
      %run_scoped3A_88 = tpu.sem_alloc : memref<!tpu.dma_semaphore, #tpu.memory_space<semaphore_mem>>
      %dma_start3A_89 = arith.constant 0 : i32
      %dma_start3A_90 = arith.constant 0 : i32
      %dma_start3A_91 = tpu.memref_slice %arg8[%run_scoped3A_35, %dma_start3A_89, %dma_start3A_90] : memref<5x80x64xf32, #tpu.memory_space<vmem>> -> memref<1x80x64xf32, #tpu.memory_space<vmem>>
      %dma_start3A_92 = tpu.memref_squeeze %dma_start3A_91 : memref<1x80x64xf32, #tpu.memory_space<vmem>> -> memref<80x64xf32, #tpu.memory_space<vmem>>
      %dma_start3A_93 = arith.constant 0 : i32
      %dma_start3A_94 = tpu.memref_slice %arg9[%add3A_34, %dma_start3A_93] : memref<10240x64xf32, #tpu.memory_space<vmem_shared>> -> memref<80x64xf32, #tpu.memory_space<vmem_shared>>
      %dma_start3A_95 = arith.constant 0 : i32
      %dma_start3A_96 = tpu.memref_slice %arg9[%add3A_34, %dma_start3A_95] : memref<10240x64xf32, #tpu.memory_space<vmem_shared>> -> memref<80x64xf32, #tpu.memory_space<vmem_shared>>
      %dma_start3A_97 = arith.constant 0 : i32
      %dma_start3A_98 = arith.constant 0 : i32
      %dma_start3A_99 = tpu.memref_slice %arg8[%run_scoped3A_35, %dma_start3A_97, %dma_start3A_98] : memref<5x80x64xf32, #tpu.memory_space<vmem>> -> memref<1x80x64xf32, #tpu.memory_space<vmem>>
      %dma_start3A_100 = tpu.memref_squeeze %dma_start3A_99 : memref<1x80x64xf32, #tpu.memory_space<vmem>> -> memref<80x64xf32, #tpu.memory_space<vmem>>
      tpu.enqueue_dma source(%dma_start3A_100 : memref<80x64xf32, #tpu.memory_space<vmem>>) target(%dma_start3A_96 : memref<80x64xf32, #tpu.memory_space<vmem_shared>>) target_semaphore(%run_scoped3A_88 : memref<!tpu.dma_semaphore, #tpu.memory_space<semaphore_mem>>)
      %dma_wait3A_101 = arith.constant 0 : i32
      %dma_wait3A_102 = arith.constant 0 : i32
      %dma_wait3A_103 = tpu.memref_slice %arg8[%run_scoped3A_35, %dma_wait3A_101, %dma_wait3A_102] : memref<5x80x64xf32, #tpu.memory_space<vmem>> -> memref<1x80x64xf32, #tpu.memory_space<vmem>>
      %dma_wait3A_104 = tpu.memref_squeeze %dma_wait3A_103 : memref<1x80x64xf32, #tpu.memory_space<vmem>> -> memref<80x64xf32, #tpu.memory_space<vmem>>
      %dma_wait3A_105 = arith.constant 0 : i32
      %dma_wait3A_106 = tpu.memref_slice %arg9[%add3A_34, %dma_wait3A_105] : memref<10240x64xf32, #tpu.memory_space<vmem_shared>> -> memref<80x64xf32, #tpu.memory_space<vmem_shared>>
      %dma_wait3A_107 = arith.constant 0 : i32
      %dma_wait3A_108 = tpu.memref_slice %arg9[%add3A_34, %dma_wait3A_107] : memref<10240x64xf32, #tpu.memory_space<vmem_shared>> -> memref<80x64xf32, #tpu.memory_space<vmem_shared>>
      %dma_wait3A_109 = arith.constant 0 : i32
      %dma_wait3A_110 = arith.constant 0 : i32
      %dma_wait3A_111 = tpu.memref_slice %arg8[%run_scoped3A_35, %dma_wait3A_109, %dma_wait3A_110] : memref<5x80x64xf32, #tpu.memory_space<vmem>> -> memref<1x80x64xf32, #tpu.memory_space<vmem>>
      %dma_wait3A_112 = tpu.memref_squeeze %dma_wait3A_111 : memref<1x80x64xf32, #tpu.memory_space<vmem>> -> memref<80x64xf32, #tpu.memory_space<vmem>>
      tpu.wait_dma2 semaphore(%run_scoped3A_88 : memref<!tpu.dma_semaphore, #tpu.memory_space<semaphore_mem>>) src(%dma_wait3A_112 : memref<80x64xf32, #tpu.memory_space<vmem>>) dst(%dma_wait3A_108 : memref<80x64xf32, #tpu.memory_space<vmem_shared>>)
      tpu.yield
    }) : () -> ()
    %mul3A_36 = arith.constant 640 : i32
    %mul3A_37 = arith.muli %arg1, %mul3A_36 : i32
    %add3A_38 = arith.constant 240 : i32
    %add3A_39 = arith.addi %mul3A_37, %add3A_38 : i32
    %run_scoped3A_40 = arith.constant 0 : i32
    "tpu.region"() ({
      %run_scoped3A_88 = tpu.sem_alloc : memref<!tpu.dma_semaphore, #tpu.memory_space<semaphore_mem>>
      %dma_start3A_89 = arith.constant 0 : i32
      %dma_start3A_90 = arith.constant 0 : i32
      %dma_start3A_91 = tpu.memref_slice %arg8[%run_scoped3A_40, %dma_start3A_89, %dma_start3A_90] : memref<5x80x64xf32, #tpu.memory_space<vmem>> -> memref<1x80x64xf32, #tpu.memory_space<vmem>>
      %dma_start3A_92 = tpu.memref_squeeze %dma_start3A_91 : memref<1x80x64xf32, #tpu.memory_space<vmem>> -> memref<80x64xf32, #tpu.memory_space<vmem>>
      %dma_start3A_93 = arith.constant 0 : i32
      %dma_start3A_94 = tpu.memref_slice %arg9[%add3A_39, %dma_start3A_93] : memref<10240x64xf32, #tpu.memory_space<vmem_shared>> -> memref<80x64xf32, #tpu.memory_space<vmem_shared>>
      %dma_start3A_95 = arith.constant 0 : i32
      %dma_start3A_96 = tpu.memref_slice %arg9[%add3A_39, %dma_start3A_95] : memref<10240x64xf32, #tpu.memory_space<vmem_shared>> -> memref<80x64xf32, #tpu.memory_space<vmem_shared>>
      %dma_start3A_97 = arith.constant 0 : i32
      %dma_start3A_98 = arith.constant 0 : i32
      %dma_start3A_99 = tpu.memref_slice %arg8[%run_scoped3A_40, %dma_start3A_97, %dma_start3A_98] : memref<5x80x64xf32, #tpu.memory_space<vmem>> -> memref<1x80x64xf32, #tpu.memory_space<vmem>>
      %dma_start3A_100 = tpu.memref_squeeze %dma_start3A_99 : memref<1x80x64xf32, #tpu.memory_space<vmem>> -> memref<80x64xf32, #tpu.memory_space<vmem>>
      tpu.enqueue_dma source(%dma_start3A_100 : memref<80x64xf32, #tpu.memory_space<vmem>>) target(%dma_start3A_96 : memref<80x64xf32, #tpu.memory_space<vmem_shared>>) target_semaphore(%run_scoped3A_88 : memref<!tpu.dma_semaphore, #tpu.memory_space<semaphore_mem>>)
      %dma_wait3A_101 = arith.constant 0 : i32
      %dma_wait3A_102 = arith.constant 0 : i32
      %dma_wait3A_103 = tpu.memref_slice %arg8[%run_scoped3A_40, %dma_wait3A_101, %dma_wait3A_102] : memref<5x80x64xf32, #tpu.memory_space<vmem>> -> memref<1x80x64xf32, #tpu.memory_space<vmem>>
      %dma_wait3A_104 = tpu.memref_squeeze %dma_wait3A_103 : memref<1x80x64xf32, #tpu.memory_space<vmem>> -> memref<80x64xf32, #tpu.memory_space<vmem>>
      %dma_wait3A_105 = arith.constant 0 : i32
      %dma_wait3A_106 = tpu.memref_slice %arg9[%add3A_39, %dma_wait3A_105] : memref<10240x64xf32, #tpu.memory_space<vmem_shared>> -> memref<80x64xf32, #tpu.memory_space<vmem_shared>>
      %dma_wait3A_107 = arith.constant 0 : i32
      %dma_wait3A_108 = tpu.memref_slice %arg9[%add3A_39, %dma_wait3A_107] : memref<10240x64xf32, #tpu.memory_space<vmem_shared>> -> memref<80x64xf32, #tpu.memory_space<vmem_shared>>
      %dma_wait3A_109 = arith.constant 0 : i32
      %dma_wait3A_110 = arith.constant 0 : i32
      %dma_wait3A_111 = tpu.memref_slice %arg8[%run_scoped3A_40, %dma_wait3A_109, %dma_wait3A_110] : memref<5x80x64xf32, #tpu.memory_space<vmem>> -> memref<1x80x64xf32, #tpu.memory_space<vmem>>
      %dma_wait3A_112 = tpu.memref_squeeze %dma_wait3A_111 : memref<1x80x64xf32, #tpu.memory_space<vmem>> -> memref<80x64xf32, #tpu.memory_space<vmem>>
      tpu.wait_dma2 semaphore(%run_scoped3A_88 : memref<!tpu.dma_semaphore, #tpu.memory_space<semaphore_mem>>) src(%dma_wait3A_112 : memref<80x64xf32, #tpu.memory_space<vmem>>) dst(%dma_wait3A_108 : memref<80x64xf32, #tpu.memory_space<vmem_shared>>)
      tpu.yield
    }) : () -> ()
    %mul3A_41 = arith.constant 640 : i32
    %mul3A_42 = arith.muli %arg1, %mul3A_41 : i32
    %add3A_43 = arith.constant 320 : i32
    %add3A_44 = arith.addi %mul3A_42, %add3A_43 : i32
    %run_scoped3A_45 = arith.constant 0 : i32
    "tpu.region"() ({
      %run_scoped3A_88 = tpu.sem_alloc : memref<!tpu.dma_semaphore, #tpu.memory_space<semaphore_mem>>
      %dma_start3A_89 = arith.constant 0 : i32
      %dma_start3A_90 = arith.constant 0 : i32
      %dma_start3A_91 = tpu.memref_slice %arg8[%run_scoped3A_45, %dma_start3A_89, %dma_start3A_90] : memref<5x80x64xf32, #tpu.memory_space<vmem>> -> memref<1x80x64xf32, #tpu.memory_space<vmem>>
      %dma_start3A_92 = tpu.memref_squeeze %dma_start3A_91 : memref<1x80x64xf32, #tpu.memory_space<vmem>> -> memref<80x64xf32, #tpu.memory_space<vmem>>
      %dma_start3A_93 = arith.constant 0 : i32
      %dma_start3A_94 = tpu.memref_slice %arg9[%add3A_44, %dma_start3A_93] : memref<10240x64xf32, #tpu.memory_space<vmem_shared>> -> memref<80x64xf32, #tpu.memory_space<vmem_shared>>
      %dma_start3A_95 = arith.constant 0 : i32
      %dma_start3A_96 = tpu.memref_slice %arg9[%add3A_44, %dma_start3A_95] : memref<10240x64xf32, #tpu.memory_space<vmem_shared>> -> memref<80x64xf32, #tpu.memory_space<vmem_shared>>
      %dma_start3A_97 = arith.constant 0 : i32
      %dma_start3A_98 = arith.constant 0 : i32
      %dma_start3A_99 = tpu.memref_slice %arg8[%run_scoped3A_45, %dma_start3A_97, %dma_start3A_98] : memref<5x80x64xf32, #tpu.memory_space<vmem>> -> memref<1x80x64xf32, #tpu.memory_space<vmem>>
      %dma_start3A_100 = tpu.memref_squeeze %dma_start3A_99 : memref<1x80x64xf32, #tpu.memory_space<vmem>> -> memref<80x64xf32, #tpu.memory_space<vmem>>
      tpu.enqueue_dma source(%dma_start3A_100 : memref<80x64xf32, #tpu.memory_space<vmem>>) target(%dma_start3A_96 : memref<80x64xf32, #tpu.memory_space<vmem_shared>>) target_semaphore(%run_scoped3A_88 : memref<!tpu.dma_semaphore, #tpu.memory_space<semaphore_mem>>)
      %dma_wait3A_101 = arith.constant 0 : i32
      %dma_wait3A_102 = arith.constant 0 : i32
      %dma_wait3A_103 = tpu.memref_slice %arg8[%run_scoped3A_45, %dma_wait3A_101, %dma_wait3A_102] : memref<5x80x64xf32, #tpu.memory_space<vmem>> -> memref<1x80x64xf32, #tpu.memory_space<vmem>>
      %dma_wait3A_104 = tpu.memref_squeeze %dma_wait3A_103 : memref<1x80x64xf32, #tpu.memory_space<vmem>> -> memref<80x64xf32, #tpu.memory_space<vmem>>
      %dma_wait3A_105 = arith.constant 0 : i32
      %dma_wait3A_106 = tpu.memref_slice %arg9[%add3A_44, %dma_wait3A_105] : memref<10240x64xf32, #tpu.memory_space<vmem_shared>> -> memref<80x64xf32, #tpu.memory_space<vmem_shared>>
      %dma_wait3A_107 = arith.constant 0 : i32
      %dma_wait3A_108 = tpu.memref_slice %arg9[%add3A_44, %dma_wait3A_107] : memref<10240x64xf32, #tpu.memory_space<vmem_shared>> -> memref<80x64xf32, #tpu.memory_space<vmem_shared>>
      %dma_wait3A_109 = arith.constant 0 : i32
      %dma_wait3A_110 = arith.constant 0 : i32
      %dma_wait3A_111 = tpu.memref_slice %arg8[%run_scoped3A_45, %dma_wait3A_109, %dma_wait3A_110] : memref<5x80x64xf32, #tpu.memory_space<vmem>> -> memref<1x80x64xf32, #tpu.memory_space<vmem>>
      %dma_wait3A_112 = tpu.memref_squeeze %dma_wait3A_111 : memref<1x80x64xf32, #tpu.memory_space<vmem>> -> memref<80x64xf32, #tpu.memory_space<vmem>>
      tpu.wait_dma2 semaphore(%run_scoped3A_88 : memref<!tpu.dma_semaphore, #tpu.memory_space<semaphore_mem>>) src(%dma_wait3A_112 : memref<80x64xf32, #tpu.memory_space<vmem>>) dst(%dma_wait3A_108 : memref<80x64xf32, #tpu.memory_space<vmem_shared>>)
      tpu.yield
    }) : () -> ()
    %mul3A_46 = arith.constant 640 : i32
    %mul3A_47 = arith.muli %arg1, %mul3A_46 : i32
    %add3A_48 = arith.constant 400 : i32
    %add3A_49 = arith.addi %mul3A_47, %add3A_48 : i32
    %run_scoped3A_50 = arith.constant 0 : i32
    "tpu.region"() ({
      %run_scoped3A_88 = tpu.sem_alloc : memref<!tpu.dma_semaphore, #tpu.memory_space<semaphore_mem>>
      %dma_start3A_89 = arith.constant 0 : i32
      %dma_start3A_90 = arith.constant 0 : i32
      %dma_start3A_91 = tpu.memref_slice %arg8[%run_scoped3A_50, %dma_start3A_89, %dma_start3A_90] : memref<5x80x64xf32, #tpu.memory_space<vmem>> -> memref<1x80x64xf32, #tpu.memory_space<vmem>>
      %dma_start3A_92 = tpu.memref_squeeze %dma_start3A_91 : memref<1x80x64xf32, #tpu.memory_space<vmem>> -> memref<80x64xf32, #tpu.memory_space<vmem>>
      %dma_start3A_93 = arith.constant 0 : i32
      %dma_start3A_94 = tpu.memref_slice %arg9[%add3A_49, %dma_start3A_93] : memref<10240x64xf32, #tpu.memory_space<vmem_shared>> -> memref<80x64xf32, #tpu.memory_space<vmem_shared>>
      %dma_start3A_95 = arith.constant 0 : i32
      %dma_start3A_96 = tpu.memref_slice %arg9[%add3A_49, %dma_start3A_95] : memref<10240x64xf32, #tpu.memory_space<vmem_shared>> -> memref<80x64xf32, #tpu.memory_space<vmem_shared>>
      %dma_start3A_97 = arith.constant 0 : i32
      %dma_start3A_98 = arith.constant 0 : i32
      %dma_start3A_99 = tpu.memref_slice %arg8[%run_scoped3A_50, %dma_start3A_97, %dma_start3A_98] : memref<5x80x64xf32, #tpu.memory_space<vmem>> -> memref<1x80x64xf32, #tpu.memory_space<vmem>>
      %dma_start3A_100 = tpu.memref_squeeze %dma_start3A_99 : memref<1x80x64xf32, #tpu.memory_space<vmem>> -> memref<80x64xf32, #tpu.memory_space<vmem>>
      tpu.enqueue_dma source(%dma_start3A_100 : memref<80x64xf32, #tpu.memory_space<vmem>>) target(%dma_start3A_96 : memref<80x64xf32, #tpu.memory_space<vmem_shared>>) target_semaphore(%run_scoped3A_88 : memref<!tpu.dma_semaphore, #tpu.memory_space<semaphore_mem>>)
      %dma_wait3A_101 = arith.constant 0 : i32
      %dma_wait3A_102 = arith.constant 0 : i32
      %dma_wait3A_103 = tpu.memref_slice %arg8[%run_scoped3A_50, %dma_wait3A_101, %dma_wait3A_102] : memref<5x80x64xf32, #tpu.memory_space<vmem>> -> memref<1x80x64xf32, #tpu.memory_space<vmem>>
      %dma_wait3A_104 = tpu.memref_squeeze %dma_wait3A_103 : memref<1x80x64xf32, #tpu.memory_space<vmem>> -> memref<80x64xf32, #tpu.memory_space<vmem>>
      %dma_wait3A_105 = arith.constant 0 : i32
      %dma_wait3A_106 = tpu.memref_slice %arg9[%add3A_49, %dma_wait3A_105] : memref<10240x64xf32, #tpu.memory_space<vmem_shared>> -> memref<80x64xf32, #tpu.memory_space<vmem_shared>>
      %dma_wait3A_107 = arith.constant 0 : i32
      %dma_wait3A_108 = tpu.memref_slice %arg9[%add3A_49, %dma_wait3A_107] : memref<10240x64xf32, #tpu.memory_space<vmem_shared>> -> memref<80x64xf32, #tpu.memory_space<vmem_shared>>
      %dma_wait3A_109 = arith.constant 0 : i32
      %dma_wait3A_110 = arith.constant 0 : i32
      %dma_wait3A_111 = tpu.memref_slice %arg8[%run_scoped3A_50, %dma_wait3A_109, %dma_wait3A_110] : memref<5x80x64xf32, #tpu.memory_space<vmem>> -> memref<1x80x64xf32, #tpu.memory_space<vmem>>
      %dma_wait3A_112 = tpu.memref_squeeze %dma_wait3A_111 : memref<1x80x64xf32, #tpu.memory_space<vmem>> -> memref<80x64xf32, #tpu.memory_space<vmem>>
      tpu.wait_dma2 semaphore(%run_scoped3A_88 : memref<!tpu.dma_semaphore, #tpu.memory_space<semaphore_mem>>) src(%dma_wait3A_112 : memref<80x64xf32, #tpu.memory_space<vmem>>) dst(%dma_wait3A_108 : memref<80x64xf32, #tpu.memory_space<vmem_shared>>)
      tpu.yield
    }) : () -> ()
    %mul3A_51 = arith.constant 640 : i32
    %mul3A_52 = arith.muli %arg1, %mul3A_51 : i32
    %add3A_53 = arith.constant 480 : i32
    %add3A_54 = arith.addi %mul3A_52, %add3A_53 : i32
    %run_scoped3A_55 = arith.constant 0 : i32
    "tpu.region"() ({
      %run_scoped3A_88 = tpu.sem_alloc : memref<!tpu.dma_semaphore, #tpu.memory_space<semaphore_mem>>
      %dma_start3A_89 = arith.constant 0 : i32
      %dma_start3A_90 = arith.constant 0 : i32
      %dma_start3A_91 = tpu.memref_slice %arg8[%run_scoped3A_55, %dma_start3A_89, %dma_start3A_90] : memref<5x80x64xf32, #tpu.memory_space<vmem>> -> memref<1x80x64xf32, #tpu.memory_space<vmem>>
      %dma_start3A_92 = tpu.memref_squeeze %dma_start3A_91 : memref<1x80x64xf32, #tpu.memory_space<vmem>> -> memref<80x64xf32, #tpu.memory_space<vmem>>
      %dma_start3A_93 = arith.constant 0 : i32
      %dma_start3A_94 = tpu.memref_slice %arg9[%add3A_54, %dma_start3A_93] : memref<10240x64xf32, #tpu.memory_space<vmem_shared>> -> memref<80x64xf32, #tpu.memory_space<vmem_shared>>
      %dma_start3A_95 = arith.constant 0 : i32
      %dma_start3A_96 = tpu.memref_slice %arg9[%add3A_54, %dma_start3A_95] : memref<10240x64xf32, #tpu.memory_space<vmem_shared>> -> memref<80x64xf32, #tpu.memory_space<vmem_shared>>
      %dma_start3A_97 = arith.constant 0 : i32
      %dma_start3A_98 = arith.constant 0 : i32
      %dma_start3A_99 = tpu.memref_slice %arg8[%run_scoped3A_55, %dma_start3A_97, %dma_start3A_98] : memref<5x80x64xf32, #tpu.memory_space<vmem>> -> memref<1x80x64xf32, #tpu.memory_space<vmem>>
      %dma_start3A_100 = tpu.memref_squeeze %dma_start3A_99 : memref<1x80x64xf32, #tpu.memory_space<vmem>> -> memref<80x64xf32, #tpu.memory_space<vmem>>
      tpu.enqueue_dma source(%dma_start3A_100 : memref<80x64xf32, #tpu.memory_space<vmem>>) target(%dma_start3A_96 : memref<80x64xf32, #tpu.memory_space<vmem_shared>>) target_semaphore(%run_scoped3A_88 : memref<!tpu.dma_semaphore, #tpu.memory_space<semaphore_mem>>)
      %dma_wait3A_101 = arith.constant 0 : i32
      %dma_wait3A_102 = arith.constant 0 : i32
      %dma_wait3A_103 = tpu.memref_slice %arg8[%run_scoped3A_55, %dma_wait3A_101, %dma_wait3A_102] : memref<5x80x64xf32, #tpu.memory_space<vmem>> -> memref<1x80x64xf32, #tpu.memory_space<vmem>>
      %dma_wait3A_104 = tpu.memref_squeeze %dma_wait3A_103 : memref<1x80x64xf32, #tpu.memory_space<vmem>> -> memref<80x64xf32, #tpu.memory_space<vmem>>
      %dma_wait3A_105 = arith.constant 0 : i32
      %dma_wait3A_106 = tpu.memref_slice %arg9[%add3A_54, %dma_wait3A_105] : memref<10240x64xf32, #tpu.memory_space<vmem_shared>> -> memref<80x64xf32, #tpu.memory_space<vmem_shared>>
      %dma_wait3A_107 = arith.constant 0 : i32
      %dma_wait3A_108 = tpu.memref_slice %arg9[%add3A_54, %dma_wait3A_107] : memref<10240x64xf32, #tpu.memory_space<vmem_shared>> -> memref<80x64xf32, #tpu.memory_space<vmem_shared>>
      %dma_wait3A_109 = arith.constant 0 : i32
      %dma_wait3A_110 = arith.constant 0 : i32
      %dma_wait3A_111 = tpu.memref_slice %arg8[%run_scoped3A_55, %dma_wait3A_109, %dma_wait3A_110] : memref<5x80x64xf32, #tpu.memory_space<vmem>> -> memref<1x80x64xf32, #tpu.memory_space<vmem>>
      %dma_wait3A_112 = tpu.memref_squeeze %dma_wait3A_111 : memref<1x80x64xf32, #tpu.memory_space<vmem>> -> memref<80x64xf32, #tpu.memory_space<vmem>>
      tpu.wait_dma2 semaphore(%run_scoped3A_88 : memref<!tpu.dma_semaphore, #tpu.memory_space<semaphore_mem>>) src(%dma_wait3A_112 : memref<80x64xf32, #tpu.memory_space<vmem>>) dst(%dma_wait3A_108 : memref<80x64xf32, #tpu.memory_space<vmem_shared>>)
      tpu.yield
    }) : () -> ()
    %mul3A_56 = arith.constant 640 : i32
    %mul3A_57 = arith.muli %arg1, %mul3A_56 : i32
    %add3A_58 = arith.constant 560 : i32
    %add3A_59 = arith.addi %mul3A_57, %add3A_58 : i32
    %run_scoped3A_60 = arith.constant 0 : i32
    "tpu.region"() ({
      %run_scoped3A_88 = tpu.sem_alloc : memref<!tpu.dma_semaphore, #tpu.memory_space<semaphore_mem>>
      %dma_start3A_89 = arith.constant 0 : i32
      %dma_start3A_90 = arith.constant 0 : i32
      %dma_start3A_91 = tpu.memref_slice %arg8[%run_scoped3A_60, %dma_start3A_89, %dma_start3A_90] : memref<5x80x64xf32, #tpu.memory_space<vmem>> -> memref<1x80x64xf32, #tpu.memory_space<vmem>>
      %dma_start3A_92 = tpu.memref_squeeze %dma_start3A_91 : memref<1x80x64xf32, #tpu.memory_space<vmem>> -> memref<80x64xf32, #tpu.memory_space<vmem>>
      %dma_start3A_93 = arith.constant 0 : i32
      %dma_start3A_94 = tpu.memref_slice %arg9[%add3A_59, %dma_start3A_93] : memref<10240x64xf32, #tpu.memory_space<vmem_shared>> -> memref<80x64xf32, #tpu.memory_space<vmem_shared>>
      %dma_start3A_95 = arith.constant 0 : i32
      %dma_start3A_96 = tpu.memref_slice %arg9[%add3A_59, %dma_start3A_95] : memref<10240x64xf32, #tpu.memory_space<vmem_shared>> -> memref<80x64xf32, #tpu.memory_space<vmem_shared>>
      %dma_start3A_97 = arith.constant 0 : i32
      %dma_start3A_98 = arith.constant 0 : i32
      %dma_start3A_99 = tpu.memref_slice %arg8[%run_scoped3A_60, %dma_start3A_97, %dma_start3A_98] : memref<5x80x64xf32, #tpu.memory_space<vmem>> -> memref<1x80x64xf32, #tpu.memory_space<vmem>>
      %dma_start3A_100 = tpu.memref_squeeze %dma_start3A_99 : memref<1x80x64xf32, #tpu.memory_space<vmem>> -> memref<80x64xf32, #tpu.memory_space<vmem>>
      tpu.enqueue_dma source(%dma_start3A_100 : memref<80x64xf32, #tpu.memory_space<vmem>>) target(%dma_start3A_96 : memref<80x64xf32, #tpu.memory_space<vmem_shared>>) target_semaphore(%run_scoped3A_88 : memref<!tpu.dma_semaphore, #tpu.memory_space<semaphore_mem>>)
      %dma_wait3A_101 = arith.constant 0 : i32
      %dma_wait3A_102 = arith.constant 0 : i32
      %dma_wait3A_103 = tpu.memref_slice %arg8[%run_scoped3A_60, %dma_wait3A_101, %dma_wait3A_102] : memref<5x80x64xf32, #tpu.memory_space<vmem>> -> memref<1x80x64xf32, #tpu.memory_space<vmem>>
      %dma_wait3A_104 = tpu.memref_squeeze %dma_wait3A_103 : memref<1x80x64xf32, #tpu.memory_space<vmem>> -> memref<80x64xf32, #tpu.memory_space<vmem>>
      %dma_wait3A_105 = arith.constant 0 : i32
      %dma_wait3A_106 = tpu.memref_slice %arg9[%add3A_59, %dma_wait3A_105] : memref<10240x64xf32, #tpu.memory_space<vmem_shared>> -> memref<80x64xf32, #tpu.memory_space<vmem_shared>>
      %dma_wait3A_107 = arith.constant 0 : i32
      %dma_wait3A_108 = tpu.memref_slice %arg9[%add3A_59, %dma_wait3A_107] : memref<10240x64xf32, #tpu.memory_space<vmem_shared>> -> memref<80x64xf32, #tpu.memory_space<vmem_shared>>
      %dma_wait3A_109 = arith.constant 0 : i32
      %dma_wait3A_110 = arith.constant 0 : i32
      %dma_wait3A_111 = tpu.memref_slice %arg8[%run_scoped3A_60, %dma_wait3A_109, %dma_wait3A_110] : memref<5x80x64xf32, #tpu.memory_space<vmem>> -> memref<1x80x64xf32, #tpu.memory_space<vmem>>
      %dma_wait3A_112 = tpu.memref_squeeze %dma_wait3A_111 : memref<1x80x64xf32, #tpu.memory_space<vmem>> -> memref<80x64xf32, #tpu.memory_space<vmem>>
      tpu.wait_dma2 semaphore(%run_scoped3A_88 : memref<!tpu.dma_semaphore, #tpu.memory_space<semaphore_mem>>) src(%dma_wait3A_112 : memref<80x64xf32, #tpu.memory_space<vmem>>) dst(%dma_wait3A_108 : memref<80x64xf32, #tpu.memory_space<vmem_shared>>)
      tpu.yield
    }) : () -> ()
    %dma_wait3A = arith.constant 0 : i32
    %dma_wait3A_61 = arith.constant 0 : i32
    %dma_wait3A_62 = tpu.memref_slice %arg3[%add3A, %dma_wait3A, %dma_wait3A_61] : memref<32x125x80xi32, #tpu.memory_space<hbm>> -> memref<1x125x80xi32, #tpu.memory_space<hbm>>
    %dma_wait3A_63 = tpu.memref_squeeze %dma_wait3A_62 : memref<1x125x80xi32, #tpu.memory_space<hbm>> -> memref<125x80xi32, #tpu.memory_space<hbm>>
    %dma_wait3A_64 = arith.constant 0 : i32
    %dma_wait3A_65 = arith.constant 0 : i32
    %dma_wait3A_66 = tpu.memref_slice %arg3[%add3A, %dma_wait3A_64, %dma_wait3A_65] : memref<32x125x80xi32, #tpu.memory_space<hbm>> -> memref<1x125x80xi32, #tpu.memory_space<hbm>>
    %dma_wait3A_67 = tpu.memref_squeeze %dma_wait3A_66 : memref<1x125x80xi32, #tpu.memory_space<hbm>> -> memref<125x80xi32, #tpu.memory_space<hbm>>
    tpu.wait_dma2 semaphore(%arg10 : memref<!tpu.dma_semaphore, #tpu.memory_space<semaphore_mem>>) src(%dma_wait3A_67 : memref<125x80xi32, #tpu.memory_space<hbm>>) dst(%arg6 : memref<125x80xi32, #tpu.memory_space<vmem>>)
    %dma_wait3A_68 = arith.constant 0 : i32
    %dma_wait3A_69 = arith.constant 0 : i32
    %dma_wait3A_70 = tpu.memref_slice %arg4[%add3A, %dma_wait3A_68, %dma_wait3A_69] : memref<32x125x80xi32, #tpu.memory_space<hbm>> -> memref<1x125x80xi32, #tpu.memory_space<hbm>>
    %dma_wait3A_71 = tpu.memref_squeeze %dma_wait3A_70 : memref<1x125x80xi32, #tpu.memory_space<hbm>> -> memref<125x80xi32, #tpu.memory_space<hbm>>
    %dma_wait3A_72 = arith.constant 0 : i32
    %dma_wait3A_73 = arith.constant 0 : i32
    %dma_wait3A_74 = tpu.memref_slice %arg4[%add3A, %dma_wait3A_72, %dma_wait3A_73] : memref<32x125x80xi32, #tpu.memory_space<hbm>> -> memref<1x125x80xi32, #tpu.memory_space<hbm>>
    %dma_wait3A_75 = tpu.memref_squeeze %dma_wait3A_74 : memref<1x125x80xi32, #tpu.memory_space<hbm>> -> memref<125x80xi32, #tpu.memory_space<hbm>>
    tpu.wait_dma2 semaphore(%arg10 : memref<!tpu.dma_semaphore, #tpu.memory_space<semaphore_mem>>) src(%dma_wait3A_75 : memref<125x80xi32, #tpu.memory_space<hbm>>) dst(%arg7 : memref<125x80xi32, #tpu.memory_space<vmem>>)
    %barrier3A = arith.constant 0 : index
    tpu.barrier barrier_id(%barrier3A)
    %scan3A_76 = arith.constant 0 : i32
    %scan3A_77 = arith.constant 0 : i32
    %scan3A_78 = arith.constant 25 : i32
    %scan3A_79 = arith.addi %scan3A_77, %scan3A_78 : i32
    %scan3A_80 = arith.constant 1 : i32
    %scan3A_81 = scf.for %scan3A_88 = %scan3A_77 to %scan3A_79 step %scan3A_80 iter_args(%scan3A_89 = %scan3A_76) -> (i32)  : i32 {
      %mul3A_90 = arith.constant 5 : i32
      %mul3A_91 = arith.muli %scan3A_88, %mul3A_90 : i32
      %add3A_92 = arith.constant 0 : i32
      %add3A_93 = arith.addi %mul3A_91, %add3A_92 : i32
      %dma_start3A_94 = arith.constant 0 : i32
      %dma_start3A_95 = arith.constant 0 : i32
      %dma_start3A_96 = arith.constant 0 : i32
      %dma_start3A_97 = tpu.memref_slice %arg8[%dma_start3A_94, %dma_start3A_95, %dma_start3A_96] : memref<5x80x64xf32, #tpu.memory_space<vmem>> -> memref<1x80x64xf32, #tpu.memory_space<vmem>>
      %dma_start3A_98 = tpu.memref_squeeze %dma_start3A_97 : memref<1x80x64xf32, #tpu.memory_space<vmem>> -> memref<80x64xf32, #tpu.memory_space<vmem>>
      %dma_start3A_99 = arith.constant 0 : i32
      %dma_start3A_100 = tpu.memref_slice %arg6[%add3A_93, %dma_start3A_99] : memref<125x80xi32, #tpu.memory_space<vmem>> -> memref<1x80xi32, #tpu.memory_space<vmem>>
      %dma_start3A_101 = tpu.memref_squeeze %dma_start3A_100 : memref<1x80xi32, #tpu.memory_space<vmem>> -> memref<80xi32, #tpu.memory_space<vmem>>
      %dma_start3A_102 = arith.constant 0 : i32
      %dma_start3A_103 = arith.constant 0 : i32
      %dma_start3A_104 = tpu.memref_slice %arg2[%dma_start3A_102, %dma_start3A_103] : memref<10000x64xf32, #tpu.memory_space<hbm>> -> memref<10000x64xf32, #tpu.memory_space<hbm>>
      tpu.enqueue_indirect_dma source(%dma_start3A_104 : memref<10000x64xf32, #tpu.memory_space<hbm>>) target(%dma_start3A_98 : memref<80x64xf32, #tpu.memory_space<vmem>>) offsets(%dma_start3A_101 : memref<80xi32, #tpu.memory_space<vmem>>) semaphore(%arg11 : memref<!tpu.dma_semaphore, #tpu.memory_space<semaphore_mem>>)
      %add3A_105 = arith.constant 1 : i32
      %add3A_106 = arith.addi %mul3A_91, %add3A_105 : i32
      %dma_start3A_107 = arith.constant 1 : i32
      %dma_start3A_108 = arith.constant 0 : i32
      %dma_start3A_109 = arith.constant 0 : i32
      %dma_start3A_110 = tpu.memref_slice %arg8[%dma_start3A_107, %dma_start3A_108, %dma_start3A_109] : memref<5x80x64xf32, #tpu.memory_space<vmem>> -> memref<1x80x64xf32, #tpu.memory_space<vmem>>
      %dma_start3A_111 = tpu.memref_squeeze %dma_start3A_110 : memref<1x80x64xf32, #tpu.memory_space<vmem>> -> memref<80x64xf32, #tpu.memory_space<vmem>>
      %dma_start3A_112 = arith.constant 0 : i32
      %dma_start3A_113 = tpu.memref_slice %arg6[%add3A_106, %dma_start3A_112] : memref<125x80xi32, #tpu.memory_space<vmem>> -> memref<1x80xi32, #tpu.memory_space<vmem>>
      %dma_start3A_114 = tpu.memref_squeeze %dma_start3A_113 : memref<1x80xi32, #tpu.memory_space<vmem>> -> memref<80xi32, #tpu.memory_space<vmem>>
      %dma_start3A_115 = arith.constant 0 : i32
      %dma_start3A_116 = arith.constant 0 : i32
      %dma_start3A_117 = tpu.memref_slice %arg2[%dma_start3A_115, %dma_start3A_116] : memref<10000x64xf32, #tpu.memory_space<hbm>> -> memref<10000x64xf32, #tpu.memory_space<hbm>>
      tpu.enqueue_indirect_dma source(%dma_start3A_117 : memref<10000x64xf32, #tpu.memory_space<hbm>>) target(%dma_start3A_111 : memref<80x64xf32, #tpu.memory_space<vmem>>) offsets(%dma_start3A_114 : memref<80xi32, #tpu.memory_space<vmem>>) semaphore(%arg12 : memref<!tpu.dma_semaphore, #tpu.memory_space<semaphore_mem>>)
      %add3A_118 = arith.constant 2 : i32
      %add3A_119 = arith.addi %mul3A_91, %add3A_118 : i32
      %dma_start3A_120 = arith.constant 2 : i32
      %dma_start3A_121 = arith.constant 0 : i32
      %dma_start3A_122 = arith.constant 0 : i32
      %dma_start3A_123 = tpu.memref_slice %arg8[%dma_start3A_120, %dma_start3A_121, %dma_start3A_122] : memref<5x80x64xf32, #tpu.memory_space<vmem>> -> memref<1x80x64xf32, #tpu.memory_space<vmem>>
      %dma_start3A_124 = tpu.memref_squeeze %dma_start3A_123 : memref<1x80x64xf32, #tpu.memory_space<vmem>> -> memref<80x64xf32, #tpu.memory_space<vmem>>
      %dma_start3A_125 = arith.constant 0 : i32
      %dma_start3A_126 = tpu.memref_slice %arg6[%add3A_119, %dma_start3A_125] : memref<125x80xi32, #tpu.memory_space<vmem>> -> memref<1x80xi32, #tpu.memory_space<vmem>>
      %dma_start3A_127 = tpu.memref_squeeze %dma_start3A_126 : memref<1x80xi32, #tpu.memory_space<vmem>> -> memref<80xi32, #tpu.memory_space<vmem>>
      %dma_start3A_128 = arith.constant 0 : i32
      %dma_start3A_129 = arith.constant 0 : i32
      %dma_start3A_130 = tpu.memref_slice %arg2[%dma_start3A_128, %dma_start3A_129] : memref<10000x64xf32, #tpu.memory_space<hbm>> -> memref<10000x64xf32, #tpu.memory_space<hbm>>
      tpu.enqueue_indirect_dma source(%dma_start3A_130 : memref<10000x64xf32, #tpu.memory_space<hbm>>) target(%dma_start3A_124 : memref<80x64xf32, #tpu.memory_space<vmem>>) offsets(%dma_start3A_127 : memref<80xi32, #tpu.memory_space<vmem>>) semaphore(%arg13 : memref<!tpu.dma_semaphore, #tpu.memory_space<semaphore_mem>>)
      %add3A_131 = arith.constant 3 : i32
      %add3A_132 = arith.addi %mul3A_91, %add3A_131 : i32
      %dma_start3A_133 = arith.constant 3 : i32
      %dma_start3A_134 = arith.constant 0 : i32
      %dma_start3A_135 = arith.constant 0 : i32
      %dma_start3A_136 = tpu.memref_slice %arg8[%dma_start3A_133, %dma_start3A_134, %dma_start3A_135] : memref<5x80x64xf32, #tpu.memory_space<vmem>> -> memref<1x80x64xf32, #tpu.memory_space<vmem>>
      %dma_start3A_137 = tpu.memref_squeeze %dma_start3A_136 : memref<1x80x64xf32, #tpu.memory_space<vmem>> -> memref<80x64xf32, #tpu.memory_space<vmem>>
      %dma_start3A_138 = arith.constant 0 : i32
      %dma_start3A_139 = tpu.memref_slice %arg6[%add3A_132, %dma_start3A_138] : memref<125x80xi32, #tpu.memory_space<vmem>> -> memref<1x80xi32, #tpu.memory_space<vmem>>
      %dma_start3A_140 = tpu.memref_squeeze %dma_start3A_139 : memref<1x80xi32, #tpu.memory_space<vmem>> -> memref<80xi32, #tpu.memory_space<vmem>>
      %dma_start3A_141 = arith.constant 0 : i32
      %dma_start3A_142 = arith.constant 0 : i32
      %dma_start3A_143 = tpu.memref_slice %arg2[%dma_start3A_141, %dma_start3A_142] : memref<10000x64xf32, #tpu.memory_space<hbm>> -> memref<10000x64xf32, #tpu.memory_space<hbm>>
      tpu.enqueue_indirect_dma source(%dma_start3A_143 : memref<10000x64xf32, #tpu.memory_space<hbm>>) target(%dma_start3A_137 : memref<80x64xf32, #tpu.memory_space<vmem>>) offsets(%dma_start3A_140 : memref<80xi32, #tpu.memory_space<vmem>>) semaphore(%arg14 : memref<!tpu.dma_semaphore, #tpu.memory_space<semaphore_mem>>)
      %add3A_144 = arith.constant 4 : i32
      %add3A_145 = arith.addi %mul3A_91, %add3A_144 : i32
      %dma_start3A_146 = arith.constant 4 : i32
      %dma_start3A_147 = arith.constant 0 : i32
      %dma_start3A_148 = arith.constant 0 : i32
      %dma_start3A_149 = tpu.memref_slice %arg8[%dma_start3A_146, %dma_start3A_147, %dma_start3A_148] : memref<5x80x64xf32, #tpu.memory_space<vmem>> -> memref<1x80x64xf32, #tpu.memory_space<vmem>>
      %dma_start3A_150 = tpu.memref_squeeze %dma_start3A_149 : memref<1x80x64xf32, #tpu.memory_space<vmem>> -> memref<80x64xf32, #tpu.memory_space<vmem>>
      %dma_start3A_151 = arith.constant 0 : i32
      %dma_start3A_152 = tpu.memref_slice %arg6[%add3A_145, %dma_start3A_151] : memref<125x80xi32, #tpu.memory_space<vmem>> -> memref<1x80xi32, #tpu.memory_space<vmem>>
      %dma_start3A_153 = tpu.memref_squeeze %dma_start3A_152 : memref<1x80xi32, #tpu.memory_space<vmem>> -> memref<80xi32, #tpu.memory_space<vmem>>
      %dma_start3A_154 = arith.constant 0 : i32
      %dma_start3A_155 = arith.constant 0 : i32
      %dma_start3A_156 = tpu.memref_slice %arg2[%dma_start3A_154, %dma_start3A_155] : memref<10000x64xf32, #tpu.memory_space<hbm>> -> memref<10000x64xf32, #tpu.memory_space<hbm>>
      tpu.enqueue_indirect_dma source(%dma_start3A_156 : memref<10000x64xf32, #tpu.memory_space<hbm>>) target(%dma_start3A_150 : memref<80x64xf32, #tpu.memory_space<vmem>>) offsets(%dma_start3A_153 : memref<80xi32, #tpu.memory_space<vmem>>) semaphore(%arg15 : memref<!tpu.dma_semaphore, #tpu.memory_space<semaphore_mem>>)
      %dma_wait3A_157 = arith.constant 0 : i32
      %dma_wait3A_158 = arith.constant 0 : i32
      %dma_wait3A_159 = arith.constant 0 : i32
      %dma_wait3A_160 = tpu.memref_slice %arg8[%dma_wait3A_157, %dma_wait3A_158, %dma_wait3A_159] : memref<5x80x64xf32, #tpu.memory_space<vmem>> -> memref<1x80x64xf32, #tpu.memory_space<vmem>>
      %dma_wait3A_161 = tpu.memref_squeeze %dma_wait3A_160 : memref<1x80x64xf32, #tpu.memory_space<vmem>> -> memref<80x64xf32, #tpu.memory_space<vmem>>
      %dma_wait3A_162 = arith.constant 0 : i32
      %dma_wait3A_163 = tpu.memref_slice %arg6[%add3A_93, %dma_wait3A_162] : memref<125x80xi32, #tpu.memory_space<vmem>> -> memref<1x80xi32, #tpu.memory_space<vmem>>
      %dma_wait3A_164 = tpu.memref_squeeze %dma_wait3A_163 : memref<1x80xi32, #tpu.memory_space<vmem>> -> memref<80xi32, #tpu.memory_space<vmem>>
      %dma_wait3A_165 = arith.constant 0 : i32
      %dma_wait3A_166 = arith.constant 0 : i32
      %dma_wait3A_167 = tpu.memref_slice %arg2[%dma_wait3A_165, %dma_wait3A_166] : memref<10000x64xf32, #tpu.memory_space<hbm>> -> memref<10000x64xf32, #tpu.memory_space<hbm>>
      tpu.wait_indirect_dma semaphore(%arg11 : memref<!tpu.dma_semaphore, #tpu.memory_space<semaphore_mem>>) src(%dma_wait3A_167 : memref<10000x64xf32, #tpu.memory_space<hbm>>) dst(%dma_wait3A_161 : memref<80x64xf32, #tpu.memory_space<vmem>>)
      %add3A_168 = arith.constant 0 : i32
      %add3A_169 = arith.addi %mul3A_91, %add3A_168 : i32
      %dma_start3A_170 = arith.constant 0 : i32
      %dma_start3A_171 = arith.constant 0 : i32
      %dma_start3A_172 = arith.constant 0 : i32
      %dma_start3A_173 = tpu.memref_slice %arg8[%dma_start3A_170, %dma_start3A_171, %dma_start3A_172] : memref<5x80x64xf32, #tpu.memory_space<vmem>> -> memref<1x80x64xf32, #tpu.memory_space<vmem>>
      %dma_start3A_174 = tpu.memref_squeeze %dma_start3A_173 : memref<1x80x64xf32, #tpu.memory_space<vmem>> -> memref<80x64xf32, #tpu.memory_space<vmem>>
      %dma_start3A_175 = arith.constant 0 : i32
      %dma_start3A_176 = tpu.memref_slice %arg7[%add3A_169, %dma_start3A_175] : memref<125x80xi32, #tpu.memory_space<vmem>> -> memref<1x80xi32, #tpu.memory_space<vmem>>
      %dma_start3A_177 = tpu.memref_squeeze %dma_start3A_176 : memref<1x80xi32, #tpu.memory_space<vmem>> -> memref<80xi32, #tpu.memory_space<vmem>>
      %dma_start3A_178 = arith.constant 0 : i32
      %dma_start3A_179 = arith.constant 0 : i32
      %dma_start3A_180 = tpu.memref_slice %arg9[%dma_start3A_178, %dma_start3A_179] : memref<10240x64xf32, #tpu.memory_space<vmem_shared>> -> memref<10240x64xf32, #tpu.memory_space<vmem_shared>>
      tpu.enqueue_indirect_dma source(%dma_start3A_174 : memref<80x64xf32, #tpu.memory_space<vmem>>) target(%dma_start3A_180 : memref<10240x64xf32, #tpu.memory_space<vmem_shared>>) offsets(%dma_start3A_177 : memref<80xi32, #tpu.memory_space<vmem>>) semaphore(%arg16 : memref<!tpu.dma_semaphore, #tpu.memory_space<semaphore_mem>>) {add = true}
      %dma_wait3A_181 = arith.constant 1 : i32
      %dma_wait3A_182 = arith.constant 0 : i32
      %dma_wait3A_183 = arith.constant 0 : i32
      %dma_wait3A_184 = tpu.memref_slice %arg8[%dma_wait3A_181, %dma_wait3A_182, %dma_wait3A_183] : memref<5x80x64xf32, #tpu.memory_space<vmem>> -> memref<1x80x64xf32, #tpu.memory_space<vmem>>
      %dma_wait3A_185 = tpu.memref_squeeze %dma_wait3A_184 : memref<1x80x64xf32, #tpu.memory_space<vmem>> -> memref<80x64xf32, #tpu.memory_space<vmem>>
      %dma_wait3A_186 = arith.constant 0 : i32
      %dma_wait3A_187 = tpu.memref_slice %arg6[%add3A_106, %dma_wait3A_186] : memref<125x80xi32, #tpu.memory_space<vmem>> -> memref<1x80xi32, #tpu.memory_space<vmem>>
      %dma_wait3A_188 = tpu.memref_squeeze %dma_wait3A_187 : memref<1x80xi32, #tpu.memory_space<vmem>> -> memref<80xi32, #tpu.memory_space<vmem>>
      %dma_wait3A_189 = arith.constant 0 : i32
      %dma_wait3A_190 = arith.constant 0 : i32
      %dma_wait3A_191 = tpu.memref_slice %arg2[%dma_wait3A_189, %dma_wait3A_190] : memref<10000x64xf32, #tpu.memory_space<hbm>> -> memref<10000x64xf32, #tpu.memory_space<hbm>>
      tpu.wait_indirect_dma semaphore(%arg12 : memref<!tpu.dma_semaphore, #tpu.memory_space<semaphore_mem>>) src(%dma_wait3A_191 : memref<10000x64xf32, #tpu.memory_space<hbm>>) dst(%dma_wait3A_185 : memref<80x64xf32, #tpu.memory_space<vmem>>)
      %add3A_192 = arith.constant 1 : i32
      %add3A_193 = arith.addi %mul3A_91, %add3A_192 : i32
      %dma_start3A_194 = arith.constant 1 : i32
      %dma_start3A_195 = arith.constant 0 : i32
      %dma_start3A_196 = arith.constant 0 : i32
      %dma_start3A_197 = tpu.memref_slice %arg8[%dma_start3A_194, %dma_start3A_195, %dma_start3A_196] : memref<5x80x64xf32, #tpu.memory_space<vmem>> -> memref<1x80x64xf32, #tpu.memory_space<vmem>>
      %dma_start3A_198 = tpu.memref_squeeze %dma_start3A_197 : memref<1x80x64xf32, #tpu.memory_space<vmem>> -> memref<80x64xf32, #tpu.memory_space<vmem>>
      %dma_start3A_199 = arith.constant 0 : i32
      %dma_start3A_200 = tpu.memref_slice %arg7[%add3A_193, %dma_start3A_199] : memref<125x80xi32, #tpu.memory_space<vmem>> -> memref<1x80xi32, #tpu.memory_space<vmem>>
      %dma_start3A_201 = tpu.memref_squeeze %dma_start3A_200 : memref<1x80xi32, #tpu.memory_space<vmem>> -> memref<80xi32, #tpu.memory_space<vmem>>
      %dma_start3A_202 = arith.constant 0 : i32
      %dma_start3A_203 = arith.constant 0 : i32
      %dma_start3A_204 = tpu.memref_slice %arg9[%dma_start3A_202, %dma_start3A_203] : memref<10240x64xf32, #tpu.memory_space<vmem_shared>> -> memref<10240x64xf32, #tpu.memory_space<vmem_shared>>
      tpu.enqueue_indirect_dma source(%dma_start3A_198 : memref<80x64xf32, #tpu.memory_space<vmem>>) target(%dma_start3A_204 : memref<10240x64xf32, #tpu.memory_space<vmem_shared>>) offsets(%dma_start3A_201 : memref<80xi32, #tpu.memory_space<vmem>>) semaphore(%arg17 : memref<!tpu.dma_semaphore, #tpu.memory_space<semaphore_mem>>) {add = true}
      %dma_wait3A_205 = arith.constant 2 : i32
      %dma_wait3A_206 = arith.constant 0 : i32
      %dma_wait3A_207 = arith.constant 0 : i32
      %dma_wait3A_208 = tpu.memref_slice %arg8[%dma_wait3A_205, %dma_wait3A_206, %dma_wait3A_207] : memref<5x80x64xf32, #tpu.memory_space<vmem>> -> memref<1x80x64xf32, #tpu.memory_space<vmem>>
      %dma_wait3A_209 = tpu.memref_squeeze %dma_wait3A_208 : memref<1x80x64xf32, #tpu.memory_space<vmem>> -> memref<80x64xf32, #tpu.memory_space<vmem>>
      %dma_wait3A_210 = arith.constant 0 : i32
      %dma_wait3A_211 = tpu.memref_slice %arg6[%add3A_119, %dma_wait3A_210] : memref<125x80xi32, #tpu.memory_space<vmem>> -> memref<1x80xi32, #tpu.memory_space<vmem>>
      %dma_wait3A_212 = tpu.memref_squeeze %dma_wait3A_211 : memref<1x80xi32, #tpu.memory_space<vmem>> -> memref<80xi32, #tpu.memory_space<vmem>>
      %dma_wait3A_213 = arith.constant 0 : i32
      %dma_wait3A_214 = arith.constant 0 : i32
      %dma_wait3A_215 = tpu.memref_slice %arg2[%dma_wait3A_213, %dma_wait3A_214] : memref<10000x64xf32, #tpu.memory_space<hbm>> -> memref<10000x64xf32, #tpu.memory_space<hbm>>
      tpu.wait_indirect_dma semaphore(%arg13 : memref<!tpu.dma_semaphore, #tpu.memory_space<semaphore_mem>>) src(%dma_wait3A_215 : memref<10000x64xf32, #tpu.memory_space<hbm>>) dst(%dma_wait3A_209 : memref<80x64xf32, #tpu.memory_space<vmem>>)
      %add3A_216 = arith.constant 2 : i32
      %add3A_217 = arith.addi %mul3A_91, %add3A_216 : i32
      %dma_start3A_218 = arith.constant 2 : i32
      %dma_start3A_219 = arith.constant 0 : i32
      %dma_start3A_220 = arith.constant 0 : i32
      %dma_start3A_221 = tpu.memref_slice %arg8[%dma_start3A_218, %dma_start3A_219, %dma_start3A_220] : memref<5x80x64xf32, #tpu.memory_space<vmem>> -> memref<1x80x64xf32, #tpu.memory_space<vmem>>
      %dma_start3A_222 = tpu.memref_squeeze %dma_start3A_221 : memref<1x80x64xf32, #tpu.memory_space<vmem>> -> memref<80x64xf32, #tpu.memory_space<vmem>>
      %dma_start3A_223 = arith.constant 0 : i32
      %dma_start3A_224 = tpu.memref_slice %arg7[%add3A_217, %dma_start3A_223] : memref<125x80xi32, #tpu.memory_space<vmem>> -> memref<1x80xi32, #tpu.memory_space<vmem>>
      %dma_start3A_225 = tpu.memref_squeeze %dma_start3A_224 : memref<1x80xi32, #tpu.memory_space<vmem>> -> memref<80xi32, #tpu.memory_space<vmem>>
      %dma_start3A_226 = arith.constant 0 : i32
      %dma_start3A_227 = arith.constant 0 : i32
      %dma_start3A_228 = tpu.memref_slice %arg9[%dma_start3A_226, %dma_start3A_227] : memref<10240x64xf32, #tpu.memory_space<vmem_shared>> -> memref<10240x64xf32, #tpu.memory_space<vmem_shared>>
      tpu.enqueue_indirect_dma source(%dma_start3A_222 : memref<80x64xf32, #tpu.memory_space<vmem>>) target(%dma_start3A_228 : memref<10240x64xf32, #tpu.memory_space<vmem_shared>>) offsets(%dma_start3A_225 : memref<80xi32, #tpu.memory_space<vmem>>) semaphore(%arg18 : memref<!tpu.dma_semaphore, #tpu.memory_space<semaphore_mem>>) {add = true}
      %dma_wait3A_229 = arith.constant 3 : i32
      %dma_wait3A_230 = arith.constant 0 : i32
      %dma_wait3A_231 = arith.constant 0 : i32
      %dma_wait3A_232 = tpu.memref_slice %arg8[%dma_wait3A_229, %dma_wait3A_230, %dma_wait3A_231] : memref<5x80x64xf32, #tpu.memory_space<vmem>> -> memref<1x80x64xf32, #tpu.memory_space<vmem>>
      %dma_wait3A_233 = tpu.memref_squeeze %dma_wait3A_232 : memref<1x80x64xf32, #tpu.memory_space<vmem>> -> memref<80x64xf32, #tpu.memory_space<vmem>>
      %dma_wait3A_234 = arith.constant 0 : i32
      %dma_wait3A_235 = tpu.memref_slice %arg6[%add3A_132, %dma_wait3A_234] : memref<125x80xi32, #tpu.memory_space<vmem>> -> memref<1x80xi32, #tpu.memory_space<vmem>>
      %dma_wait3A_236 = tpu.memref_squeeze %dma_wait3A_235 : memref<1x80xi32, #tpu.memory_space<vmem>> -> memref<80xi32, #tpu.memory_space<vmem>>
      %dma_wait3A_237 = arith.constant 0 : i32
      %dma_wait3A_238 = arith.constant 0 : i32
      %dma_wait3A_239 = tpu.memref_slice %arg2[%dma_wait3A_237, %dma_wait3A_238] : memref<10000x64xf32, #tpu.memory_space<hbm>> -> memref<10000x64xf32, #tpu.memory_space<hbm>>
      tpu.wait_indirect_dma semaphore(%arg14 : memref<!tpu.dma_semaphore, #tpu.memory_space<semaphore_mem>>) src(%dma_wait3A_239 : memref<10000x64xf32, #tpu.memory_space<hbm>>) dst(%dma_wait3A_233 : memref<80x64xf32, #tpu.memory_space<vmem>>)
      %add3A_240 = arith.constant 3 : i32
      %add3A_241 = arith.addi %mul3A_91, %add3A_240 : i32
      %dma_start3A_242 = arith.constant 3 : i32
      %dma_start3A_243 = arith.constant 0 : i32
      %dma_start3A_244 = arith.constant 0 : i32
      %dma_start3A_245 = tpu.memref_slice %arg8[%dma_start3A_242, %dma_start3A_243, %dma_start3A_244] : memref<5x80x64xf32, #tpu.memory_space<vmem>> -> memref<1x80x64xf32, #tpu.memory_space<vmem>>
      %dma_start3A_246 = tpu.memref_squeeze %dma_start3A_245 : memref<1x80x64xf32, #tpu.memory_space<vmem>> -> memref<80x64xf32, #tpu.memory_space<vmem>>
      %dma_start3A_247 = arith.constant 0 : i32
      %dma_start3A_248 = tpu.memref_slice %arg7[%add3A_241, %dma_start3A_247] : memref<125x80xi32, #tpu.memory_space<vmem>> -> memref<1x80xi32, #tpu.memory_space<vmem>>
      %dma_start3A_249 = tpu.memref_squeeze %dma_start3A_248 : memref<1x80xi32, #tpu.memory_space<vmem>> -> memref<80xi32, #tpu.memory_space<vmem>>
      %dma_start3A_250 = arith.constant 0 : i32
      %dma_start3A_251 = arith.constant 0 : i32
      %dma_start3A_252 = tpu.memref_slice %arg9[%dma_start3A_250, %dma_start3A_251] : memref<10240x64xf32, #tpu.memory_space<vmem_shared>> -> memref<10240x64xf32, #tpu.memory_space<vmem_shared>>
      tpu.enqueue_indirect_dma source(%dma_start3A_246 : memref<80x64xf32, #tpu.memory_space<vmem>>) target(%dma_start3A_252 : memref<10240x64xf32, #tpu.memory_space<vmem_shared>>) offsets(%dma_start3A_249 : memref<80xi32, #tpu.memory_space<vmem>>) semaphore(%arg19 : memref<!tpu.dma_semaphore, #tpu.memory_space<semaphore_mem>>) {add = true}
      %dma_wait3A_253 = arith.constant 4 : i32
      %dma_wait3A_254 = arith.constant 0 : i32
      %dma_wait3A_255 = arith.constant 0 : i32
      %dma_wait3A_256 = tpu.memref_slice %arg8[%dma_wait3A_253, %dma_wait3A_254, %dma_wait3A_255] : memref<5x80x64xf32, #tpu.memory_space<vmem>> -> memref<1x80x64xf32, #tpu.memory_space<vmem>>
      %dma_wait3A_257 = tpu.memref_squeeze %dma_wait3A_256 : memref<1x80x64xf32, #tpu.memory_space<vmem>> -> memref<80x64xf32, #tpu.memory_space<vmem>>
      %dma_wait3A_258 = arith.constant 0 : i32
      %dma_wait3A_259 = tpu.memref_slice %arg6[%add3A_145, %dma_wait3A_258] : memref<125x80xi32, #tpu.memory_space<vmem>> -> memref<1x80xi32, #tpu.memory_space<vmem>>
      %dma_wait3A_260 = tpu.memref_squeeze %dma_wait3A_259 : memref<1x80xi32, #tpu.memory_space<vmem>> -> memref<80xi32, #tpu.memory_space<vmem>>
      %dma_wait3A_261 = arith.constant 0 : i32
      %dma_wait3A_262 = arith.constant 0 : i32
      %dma_wait3A_263 = tpu.memref_slice %arg2[%dma_wait3A_261, %dma_wait3A_262] : memref<10000x64xf32, #tpu.memory_space<hbm>> -> memref<10000x64xf32, #tpu.memory_space<hbm>>
      tpu.wait_indirect_dma semaphore(%arg15 : memref<!tpu.dma_semaphore, #tpu.memory_space<semaphore_mem>>) src(%dma_wait3A_263 : memref<10000x64xf32, #tpu.memory_space<hbm>>) dst(%dma_wait3A_257 : memref<80x64xf32, #tpu.memory_space<vmem>>)
      %add3A_264 = arith.constant 4 : i32
      %add3A_265 = arith.addi %mul3A_91, %add3A_264 : i32
      %dma_start3A_266 = arith.constant 4 : i32
      %dma_start3A_267 = arith.constant 0 : i32
      %dma_start3A_268 = arith.constant 0 : i32
      %dma_start3A_269 = tpu.memref_slice %arg8[%dma_start3A_266, %dma_start3A_267, %dma_start3A_268] : memref<5x80x64xf32, #tpu.memory_space<vmem>> -> memref<1x80x64xf32, #tpu.memory_space<vmem>>
      %dma_start3A_270 = tpu.memref_squeeze %dma_start3A_269 : memref<1x80x64xf32, #tpu.memory_space<vmem>> -> memref<80x64xf32, #tpu.memory_space<vmem>>
      %dma_start3A_271 = arith.constant 0 : i32
      %dma_start3A_272 = tpu.memref_slice %arg7[%add3A_265, %dma_start3A_271] : memref<125x80xi32, #tpu.memory_space<vmem>> -> memref<1x80xi32, #tpu.memory_space<vmem>>
      %dma_start3A_273 = tpu.memref_squeeze %dma_start3A_272 : memref<1x80xi32, #tpu.memory_space<vmem>> -> memref<80xi32, #tpu.memory_space<vmem>>
      %dma_start3A_274 = arith.constant 0 : i32
      %dma_start3A_275 = arith.constant 0 : i32
      %dma_start3A_276 = tpu.memref_slice %arg9[%dma_start3A_274, %dma_start3A_275] : memref<10240x64xf32, #tpu.memory_space<vmem_shared>> -> memref<10240x64xf32, #tpu.memory_space<vmem_shared>>
      tpu.enqueue_indirect_dma source(%dma_start3A_270 : memref<80x64xf32, #tpu.memory_space<vmem>>) target(%dma_start3A_276 : memref<10240x64xf32, #tpu.memory_space<vmem_shared>>) offsets(%dma_start3A_273 : memref<80xi32, #tpu.memory_space<vmem>>) semaphore(%arg20 : memref<!tpu.dma_semaphore, #tpu.memory_space<semaphore_mem>>) {add = true}
      %dma_wait3A_277 = arith.constant 0 : i32
      %dma_wait3A_278 = arith.constant 0 : i32
      %dma_wait3A_279 = arith.constant 0 : i32
      %dma_wait3A_280 = tpu.memref_slice %arg8[%dma_wait3A_277, %dma_wait3A_278, %dma_wait3A_279] : memref<5x80x64xf32, #tpu.memory_space<vmem>> -> memref<1x80x64xf32, #tpu.memory_space<vmem>>
      %dma_wait3A_281 = tpu.memref_squeeze %dma_wait3A_280 : memref<1x80x64xf32, #tpu.memory_space<vmem>> -> memref<80x64xf32, #tpu.memory_space<vmem>>
      %dma_wait3A_282 = arith.constant 0 : i32
      %dma_wait3A_283 = tpu.memref_slice %arg7[%add3A_169, %dma_wait3A_282] : memref<125x80xi32, #tpu.memory_space<vmem>> -> memref<1x80xi32, #tpu.memory_space<vmem>>
      %dma_wait3A_284 = tpu.memref_squeeze %dma_wait3A_283 : memref<1x80xi32, #tpu.memory_space<vmem>> -> memref<80xi32, #tpu.memory_space<vmem>>
      %dma_wait3A_285 = arith.constant 0 : i32
      %dma_wait3A_286 = arith.constant 0 : i32
      %dma_wait3A_287 = tpu.memref_slice %arg9[%dma_wait3A_285, %dma_wait3A_286] : memref<10240x64xf32, #tpu.memory_space<vmem_shared>> -> memref<10240x64xf32, #tpu.memory_space<vmem_shared>>
      tpu.wait_indirect_dma semaphore(%arg16 : memref<!tpu.dma_semaphore, #tpu.memory_space<semaphore_mem>>) src(%dma_wait3A_281 : memref<80x64xf32, #tpu.memory_space<vmem>>) dst(%dma_wait3A_287 : memref<10240x64xf32, #tpu.memory_space<vmem_shared>>)
      %dma_wait3A_288 = arith.constant 1 : i32
      %dma_wait3A_289 = arith.constant 0 : i32
      %dma_wait3A_290 = arith.constant 0 : i32
      %dma_wait3A_291 = tpu.memref_slice %arg8[%dma_wait3A_288, %dma_wait3A_289, %dma_wait3A_290] : memref<5x80x64xf32, #tpu.memory_space<vmem>> -> memref<1x80x64xf32, #tpu.memory_space<vmem>>
      %dma_wait3A_292 = tpu.memref_squeeze %dma_wait3A_291 : memref<1x80x64xf32, #tpu.memory_space<vmem>> -> memref<80x64xf32, #tpu.memory_space<vmem>>
      %dma_wait3A_293 = arith.constant 0 : i32
      %dma_wait3A_294 = tpu.memref_slice %arg7[%add3A_193, %dma_wait3A_293] : memref<125x80xi32, #tpu.memory_space<vmem>> -> memref<1x80xi32, #tpu.memory_space<vmem>>
      %dma_wait3A_295 = tpu.memref_squeeze %dma_wait3A_294 : memref<1x80xi32, #tpu.memory_space<vmem>> -> memref<80xi32, #tpu.memory_space<vmem>>
      %dma_wait3A_296 = arith.constant 0 : i32
      %dma_wait3A_297 = arith.constant 0 : i32
      %dma_wait3A_298 = tpu.memref_slice %arg9[%dma_wait3A_296, %dma_wait3A_297] : memref<10240x64xf32, #tpu.memory_space<vmem_shared>> -> memref<10240x64xf32, #tpu.memory_space<vmem_shared>>
      tpu.wait_indirect_dma semaphore(%arg17 : memref<!tpu.dma_semaphore, #tpu.memory_space<semaphore_mem>>) src(%dma_wait3A_292 : memref<80x64xf32, #tpu.memory_space<vmem>>) dst(%dma_wait3A_298 : memref<10240x64xf32, #tpu.memory_space<vmem_shared>>)
      %dma_wait3A_299 = arith.constant 2 : i32
      %dma_wait3A_300 = arith.constant 0 : i32
      %dma_wait3A_301 = arith.constant 0 : i32
      %dma_wait3A_302 = tpu.memref_slice %arg8[%dma_wait3A_299, %dma_wait3A_300, %dma_wait3A_301] : memref<5x80x64xf32, #tpu.memory_space<vmem>> -> memref<1x80x64xf32, #tpu.memory_space<vmem>>
      %dma_wait3A_303 = tpu.memref_squeeze %dma_wait3A_302 : memref<1x80x64xf32, #tpu.memory_space<vmem>> -> memref<80x64xf32, #tpu.memory_space<vmem>>
      %dma_wait3A_304 = arith.constant 0 : i32
      %dma_wait3A_305 = tpu.memref_slice %arg7[%add3A_217, %dma_wait3A_304] : memref<125x80xi32, #tpu.memory_space<vmem>> -> memref<1x80xi32, #tpu.memory_space<vmem>>
      %dma_wait3A_306 = tpu.memref_squeeze %dma_wait3A_305 : memref<1x80xi32, #tpu.memory_space<vmem>> -> memref<80xi32, #tpu.memory_space<vmem>>
      %dma_wait3A_307 = arith.constant 0 : i32
      %dma_wait3A_308 = arith.constant 0 : i32
      %dma_wait3A_309 = tpu.memref_slice %arg9[%dma_wait3A_307, %dma_wait3A_308] : memref<10240x64xf32, #tpu.memory_space<vmem_shared>> -> memref<10240x64xf32, #tpu.memory_space<vmem_shared>>
      tpu.wait_indirect_dma semaphore(%arg18 : memref<!tpu.dma_semaphore, #tpu.memory_space<semaphore_mem>>) src(%dma_wait3A_303 : memref<80x64xf32, #tpu.memory_space<vmem>>) dst(%dma_wait3A_309 : memref<10240x64xf32, #tpu.memory_space<vmem_shared>>)
      %dma_wait3A_310 = arith.constant 3 : i32
      %dma_wait3A_311 = arith.constant 0 : i32
      %dma_wait3A_312 = arith.constant 0 : i32
      %dma_wait3A_313 = tpu.memref_slice %arg8[%dma_wait3A_310, %dma_wait3A_311, %dma_wait3A_312] : memref<5x80x64xf32, #tpu.memory_space<vmem>> -> memref<1x80x64xf32, #tpu.memory_space<vmem>>
      %dma_wait3A_314 = tpu.memref_squeeze %dma_wait3A_313 : memref<1x80x64xf32, #tpu.memory_space<vmem>> -> memref<80x64xf32, #tpu.memory_space<vmem>>
      %dma_wait3A_315 = arith.constant 0 : i32
      %dma_wait3A_316 = tpu.memref_slice %arg7[%add3A_241, %dma_wait3A_315] : memref<125x80xi32, #tpu.memory_space<vmem>> -> memref<1x80xi32, #tpu.memory_space<vmem>>
      %dma_wait3A_317 = tpu.memref_squeeze %dma_wait3A_316 : memref<1x80xi32, #tpu.memory_space<vmem>> -> memref<80xi32, #tpu.memory_space<vmem>>
      %dma_wait3A_318 = arith.constant 0 : i32
      %dma_wait3A_319 = arith.constant 0 : i32
      %dma_wait3A_320 = tpu.memref_slice %arg9[%dma_wait3A_318, %dma_wait3A_319] : memref<10240x64xf32, #tpu.memory_space<vmem_shared>> -> memref<10240x64xf32, #tpu.memory_space<vmem_shared>>
      tpu.wait_indirect_dma semaphore(%arg19 : memref<!tpu.dma_semaphore, #tpu.memory_space<semaphore_mem>>) src(%dma_wait3A_314 : memref<80x64xf32, #tpu.memory_space<vmem>>) dst(%dma_wait3A_320 : memref<10240x64xf32, #tpu.memory_space<vmem_shared>>)
      %dma_wait3A_321 = arith.constant 4 : i32
      %dma_wait3A_322 = arith.constant 0 : i32
      %dma_wait3A_323 = arith.constant 0 : i32
      %dma_wait3A_324 = tpu.memref_slice %arg8[%dma_wait3A_321, %dma_wait3A_322, %dma_wait3A_323] : memref<5x80x64xf32, #tpu.memory_space<vmem>> -> memref<1x80x64xf32, #tpu.memory_space<vmem>>
      %dma_wait3A_325 = tpu.memref_squeeze %dma_wait3A_324 : memref<1x80x64xf32, #tpu.memory_space<vmem>> -> memref<80x64xf32, #tpu.memory_space<vmem>>
      %dma_wait3A_326 = arith.constant 0 : i32
      %dma_wait3A_327 = tpu.memref_slice %arg7[%add3A_265, %dma_wait3A_326] : memref<125x80xi32, #tpu.memory_space<vmem>> -> memref<1x80xi32, #tpu.memory_space<vmem>>
      %dma_wait3A_328 = tpu.memref_squeeze %dma_wait3A_327 : memref<1x80xi32, #tpu.memory_space<vmem>> -> memref<80xi32, #tpu.memory_space<vmem>>
      %dma_wait3A_329 = arith.constant 0 : i32
      %dma_wait3A_330 = arith.constant 0 : i32
      %dma_wait3A_331 = tpu.memref_slice %arg9[%dma_wait3A_329, %dma_wait3A_330] : memref<10240x64xf32, #tpu.memory_space<vmem_shared>> -> memref<10240x64xf32, #tpu.memory_space<vmem_shared>>
      tpu.wait_indirect_dma semaphore(%arg20 : memref<!tpu.dma_semaphore, #tpu.memory_space<semaphore_mem>>) src(%dma_wait3A_325 : memref<80x64xf32, #tpu.memory_space<vmem>>) dst(%dma_wait3A_331 : memref<10240x64xf32, #tpu.memory_space<vmem_shared>>)
      %scan3A_332 = arith.constant 0 : i32
      scf.yield %scan3A_332 : i32
    }
    %scan3A_82 = arith.constant 25 : i32
    %barrier3A_83 = arith.constant 0 : index
    tpu.barrier barrier_id(%barrier3A_83)
    %mul3A_84 = arith.constant 640 : i32
    %mul3A_85 = arith.muli %arg1, %mul3A_84 : i32
    %mul3A_86 = arith.constant 640 : i32
    %mul3A_87 = arith.muli %arg1, %mul3A_86 : i32
    "tpu.region"() ({
      %run_scoped3A_88 = tpu.sem_alloc : memref<!tpu.dma_semaphore, #tpu.memory_space<semaphore_mem>>
      %dma_start3A_89 = arith.constant 0 : i32
      %dma_start3A_90 = tpu.memref_slice %arg5[%arg0, %mul3A_87, %dma_start3A_89] : memref<2x10240x64xf32, #tpu.memory_space<hbm>> -> memref<1x640x64xf32, #tpu.memory_space<hbm>>
      %dma_start3A_91 = tpu.memref_squeeze %dma_start3A_90 : memref<1x640x64xf32, #tpu.memory_space<hbm>> -> memref<640x64xf32, #tpu.memory_space<hbm>>
      %dma_start3A_92 = arith.constant 0 : i32
      %dma_start3A_93 = tpu.memref_slice %arg9[%mul3A_85, %dma_start3A_92] : memref<10240x64xf32, #tpu.memory_space<vmem_shared>> -> memref<640x64xf32, #tpu.memory_space<vmem_shared>>
      tpu.enqueue_dma source(%dma_start3A_93 : memref<640x64xf32, #tpu.memory_space<vmem_shared>>) target(%dma_start3A_91 : memref<640x64xf32, #tpu.memory_space<hbm>>) target_semaphore(%run_scoped3A_88 : memref<!tpu.dma_semaphore, #tpu.memory_space<semaphore_mem>>)
      %dma_wait3A_94 = arith.constant 0 : i32
      %dma_wait3A_95 = tpu.memref_slice %arg5[%arg0, %mul3A_87, %dma_wait3A_94] : memref<2x10240x64xf32, #tpu.memory_space<hbm>> -> memref<1x640x64xf32, #tpu.memory_space<hbm>>
      %dma_wait3A_96 = tpu.memref_squeeze %dma_wait3A_95 : memref<1x640x64xf32, #tpu.memory_space<hbm>> -> memref<640x64xf32, #tpu.memory_space<hbm>>
      %dma_wait3A_97 = arith.constant 0 : i32
      %dma_wait3A_98 = tpu.memref_slice %arg9[%mul3A_85, %dma_wait3A_97] : memref<10240x64xf32, #tpu.memory_space<vmem_shared>> -> memref<640x64xf32, #tpu.memory_space<vmem_shared>>
      tpu.wait_dma2 semaphore(%run_scoped3A_88 : memref<!tpu.dma_semaphore, #tpu.memory_space<semaphore_mem>>) src(%dma_wait3A_98 : memref<640x64xf32, #tpu.memory_space<vmem_shared>>) dst(%dma_wait3A_96 : memref<640x64xf32, #tpu.memory_space<hbm>>)
      tpu.yield
    }) : () -> ()
    return
  }
}

#map = affine_map<(d0, d1) -> (0, 0)>
#map1 = affine_map<(d0, d1) -> (0, 0, 0)>
module attributes {stable_mosaic.version = 14 : i64} {
  func.func @_prop_body(%arg0: i32, %arg1: i32, %arg2: memref<10000x128xf32, #tpu.memory_space<hbm>>, %arg3: memref<32x250x40xi32, #tpu.memory_space<hbm>>, %arg4: memref<32x250x40xi32, #tpu.memory_space<hbm>>, %arg5: memref<2x10240x128xf32, #tpu.memory_space<hbm>>, %arg6: memref<250x40xi32, #tpu.memory_space<vmem>>, %arg7: memref<250x40xi32, #tpu.memory_space<vmem>>, %arg8: memref<5x40x128xf32, #tpu.memory_space<vmem>>, %arg9: memref<10240x128xf32, #tpu.memory_space<vmem_shared>>, %arg10: memref<!tpu.dma_semaphore, #tpu.memory_space<semaphore_mem>>, %arg11: memref<!tpu.dma_semaphore, #tpu.memory_space<semaphore_mem>>, %arg12: memref<!tpu.dma_semaphore, #tpu.memory_space<semaphore_mem>>, %arg13: memref<!tpu.dma_semaphore, #tpu.memory_space<semaphore_mem>>, %arg14: memref<!tpu.dma_semaphore, #tpu.memory_space<semaphore_mem>>, %arg15: memref<!tpu.dma_semaphore, #tpu.memory_space<semaphore_mem>>, %arg16: memref<!tpu.dma_semaphore, #tpu.memory_space<semaphore_mem>>, %arg17: memref<!tpu.dma_semaphore, #tpu.memory_space<semaphore_mem>>, %arg18: memref<!tpu.dma_semaphore, #tpu.memory_space<semaphore_mem>>, %arg19: memref<!tpu.dma_semaphore, #tpu.memory_space<semaphore_mem>>, %arg20: memref<!tpu.dma_semaphore, #tpu.memory_space<semaphore_mem>>) attributes {dimension_semantics = [#tpu.dimension_semantics<core_parallel>, #tpu.dimension_semantics<subcore_parallel>], iteration_bounds = array<i64: 2, 16>, scalar_prefetch = 0 : i64, scratch_operands = 15 : i64, tpu.core_type = #tpu.core_type<sc_vector_subcore>, window_params = [{transform_indices = #map}, {transform_indices = #map1}, {transform_indices = #map1}, {transform_indices = #map1}]} {
    %mul3A = arith.constant 2 : i32
    %mul3A_0 = arith.muli %arg1, %mul3A : i32
    %add3A = arith.addi %mul3A_0, %arg0 : i32
    %dma_start3A = arith.constant 0 : i32
    %dma_start3A_1 = arith.constant 0 : i32
    %dma_start3A_2 = tpu.memref_slice %arg3[%add3A, %dma_start3A, %dma_start3A_1] : memref<32x250x40xi32, #tpu.memory_space<hbm>> -> memref<1x250x40xi32, #tpu.memory_space<hbm>>
    %dma_start3A_3 = tpu.memref_squeeze %dma_start3A_2 : memref<1x250x40xi32, #tpu.memory_space<hbm>> -> memref<250x40xi32, #tpu.memory_space<hbm>>
    %dma_start3A_4 = arith.constant 0 : i32
    %dma_start3A_5 = arith.constant 0 : i32
    %dma_start3A_6 = tpu.memref_slice %arg3[%add3A, %dma_start3A_4, %dma_start3A_5] : memref<32x250x40xi32, #tpu.memory_space<hbm>> -> memref<1x250x40xi32, #tpu.memory_space<hbm>>
    %dma_start3A_7 = tpu.memref_squeeze %dma_start3A_6 : memref<1x250x40xi32, #tpu.memory_space<hbm>> -> memref<250x40xi32, #tpu.memory_space<hbm>>
    tpu.enqueue_dma source(%dma_start3A_7 : memref<250x40xi32, #tpu.memory_space<hbm>>) target(%arg6 : memref<250x40xi32, #tpu.memory_space<vmem>>) target_semaphore(%arg10 : memref<!tpu.dma_semaphore, #tpu.memory_space<semaphore_mem>>)
    %dma_start3A_8 = arith.constant 0 : i32
    %dma_start3A_9 = arith.constant 0 : i32
    %dma_start3A_10 = tpu.memref_slice %arg4[%add3A, %dma_start3A_8, %dma_start3A_9] : memref<32x250x40xi32, #tpu.memory_space<hbm>> -> memref<1x250x40xi32, #tpu.memory_space<hbm>>
    %dma_start3A_11 = tpu.memref_squeeze %dma_start3A_10 : memref<1x250x40xi32, #tpu.memory_space<hbm>> -> memref<250x40xi32, #tpu.memory_space<hbm>>
    %dma_start3A_12 = arith.constant 0 : i32
    %dma_start3A_13 = arith.constant 0 : i32
    %dma_start3A_14 = tpu.memref_slice %arg4[%add3A, %dma_start3A_12, %dma_start3A_13] : memref<32x250x40xi32, #tpu.memory_space<hbm>> -> memref<1x250x40xi32, #tpu.memory_space<hbm>>
    %dma_start3A_15 = tpu.memref_squeeze %dma_start3A_14 : memref<1x250x40xi32, #tpu.memory_space<hbm>> -> memref<250x40xi32, #tpu.memory_space<hbm>>
    tpu.enqueue_dma source(%dma_start3A_15 : memref<250x40xi32, #tpu.memory_space<hbm>>) target(%arg7 : memref<250x40xi32, #tpu.memory_space<vmem>>) target_semaphore(%arg10 : memref<!tpu.dma_semaphore, #tpu.memory_space<semaphore_mem>>)
    %scan3A = arith.constant 0 : i32
    %scan3A_16 = arith.constant 0 : i32
    %scan3A_17 = arith.constant 1600 : i32
    %scan3A_18 = arith.addi %scan3A_16, %scan3A_17 : i32
    %scan3A_19 = arith.constant 1 : i32
    %scan3A_20 = scf.for %scan3A_128 = %scan3A_16 to %scan3A_18 step %scan3A_19 iter_args(%scan3A_129 = %scan3A) -> (i32)  : i32 {
      %jit3A = arith.constant 320 : i32
      %div3A = arith.divsi %scan3A_128, %jit3A : i32
      %sign3A = arith.constant 0 : i32
      %sign3A_130 = arith.cmpi sgt, %scan3A_128, %sign3A : i32
      %sign3A_131 = arith.extui %sign3A_130 : i1 to i32
      %sign3A_132 = arith.constant 0 : i32
      %sign3A_133 = arith.cmpi slt, %scan3A_128, %sign3A_132 : i32
      %sign3A_134 = arith.extui %sign3A_133 : i1 to i32
      %sign3A_135 = arith.subi %sign3A_131, %sign3A_134 : i32
      %sign3A_136 = arith.constant 0 : i32
      %sign3A_137 = arith.cmpi sgt, %jit3A, %sign3A_136 : i32
      %sign3A_138 = arith.extui %sign3A_137 : i1 to i32
      %sign3A_139 = arith.constant 0 : i32
      %sign3A_140 = arith.cmpi slt, %jit3A, %sign3A_139 : i32
      %sign3A_141 = arith.extui %sign3A_140 : i1 to i32
      %sign3A_142 = arith.subi %sign3A_138, %sign3A_141 : i32
      %ne3A = arith.cmpi ne, %sign3A_135, %sign3A_142 : i32
      %rem3A = arith.remsi %scan3A_128, %jit3A : i32
      %ne3A_143 = arith.constant 0 : i32
      %ne3A_144 = arith.cmpi ne, %rem3A, %ne3A_143 : i32
      %and3A = arith.andi %ne3A, %ne3A_144 : i1
      %sub3A = arith.constant 1 : i32
      %sub3A_145 = arith.subi %div3A, %sub3A : i32
      %select_n3A = arith.select %and3A, %sub3A_145, %div3A : i32
      %jit3A_146 = arith.constant 8 : i32
      %div3A_147 = arith.divsi %scan3A_128, %jit3A_146 : i32
      %sign3A_148 = arith.constant 0 : i32
      %sign3A_149 = arith.cmpi sgt, %scan3A_128, %sign3A_148 : i32
      %sign3A_150 = arith.extui %sign3A_149 : i1 to i32
      %sign3A_151 = arith.constant 0 : i32
      %sign3A_152 = arith.cmpi slt, %scan3A_128, %sign3A_151 : i32
      %sign3A_153 = arith.extui %sign3A_152 : i1 to i32
      %sign3A_154 = arith.subi %sign3A_150, %sign3A_153 : i32
      %sign3A_155 = arith.constant 0 : i32
      %sign3A_156 = arith.cmpi sgt, %jit3A_146, %sign3A_155 : i32
      %sign3A_157 = arith.extui %sign3A_156 : i1 to i32
      %sign3A_158 = arith.constant 0 : i32
      %sign3A_159 = arith.cmpi slt, %jit3A_146, %sign3A_158 : i32
      %sign3A_160 = arith.extui %sign3A_159 : i1 to i32
      %sign3A_161 = arith.subi %sign3A_157, %sign3A_160 : i32
      %ne3A_162 = arith.cmpi ne, %sign3A_154, %sign3A_161 : i32
      %rem3A_163 = arith.remsi %scan3A_128, %jit3A_146 : i32
      %ne3A_164 = arith.constant 0 : i32
      %ne3A_165 = arith.cmpi ne, %rem3A_163, %ne3A_164 : i32
      %and3A_166 = arith.andi %ne3A_162, %ne3A_165 : i1
      %sub3A_167 = arith.constant 1 : i32
      %sub3A_168 = arith.subi %div3A_147, %sub3A_167 : i32
      %select_n3A_169 = arith.select %and3A_166, %sub3A_168, %div3A_147 : i32
      %jit3A_170 = arith.constant 40 : i32
      %eq3A = arith.constant 0 : i32
      %eq3A_171 = arith.cmpi eq, %jit3A_170, %eq3A : i32
      %jit3A_172 = arith.constant 1 : i32
      %select_n3A_173 = arith.select %eq3A_171, %jit3A_172, %jit3A_170 : i32
      %rem3A_174 = arith.remsi %select_n3A_169, %select_n3A_173 : i32
      %ne3A_175 = arith.constant 0 : i32
      %ne3A_176 = arith.cmpi ne, %rem3A_174, %ne3A_175 : i32
      %lt3A = arith.constant 0 : i32
      %lt3A_177 = arith.cmpi slt, %rem3A_174, %lt3A : i32
      %lt3A_178 = arith.constant 0 : i32
      %lt3A_179 = arith.cmpi slt, %select_n3A_173, %lt3A_178 : i32
      %ne3A_180 = arith.xori %lt3A_177, %lt3A_179 : i1
      %and3A_181 = arith.andi %ne3A_180, %ne3A_176 : i1
      %add3A_182 = arith.addi %rem3A_174, %select_n3A_173 : i32
      %select_n3A_183 = arith.select %and3A_181, %add3A_182, %rem3A_174 : i32
      %jit3A_184 = arith.constant 8 : i32
      %eq3A_185 = arith.constant 0 : i32
      %eq3A_186 = arith.cmpi eq, %jit3A_184, %eq3A_185 : i32
      %jit3A_187 = arith.constant 1 : i32
      %select_n3A_188 = arith.select %eq3A_186, %jit3A_187, %jit3A_184 : i32
      %rem3A_189 = arith.remsi %scan3A_128, %select_n3A_188 : i32
      %ne3A_190 = arith.constant 0 : i32
      %ne3A_191 = arith.cmpi ne, %rem3A_189, %ne3A_190 : i32
      %lt3A_192 = arith.constant 0 : i32
      %lt3A_193 = arith.cmpi slt, %rem3A_189, %lt3A_192 : i32
      %lt3A_194 = arith.constant 0 : i32
      %lt3A_195 = arith.cmpi slt, %select_n3A_188, %lt3A_194 : i32
      %ne3A_196 = arith.xori %lt3A_193, %lt3A_195 : i1
      %and3A_197 = arith.andi %ne3A_196, %ne3A_191 : i1
      %add3A_198 = arith.addi %rem3A_189, %select_n3A_188 : i32
      %select_n3A_199 = arith.select %and3A_197, %add3A_198, %rem3A_189 : i32
      %broadcast_in_dim3A = arith.constant 0.000000e+00 : f32
      %broadcast_in_dim3A_200 = vector.broadcast %broadcast_in_dim3A : f32 to vector<16xf32>
      %mul3A_201 = arith.constant 16 : i32
      %mul3A_202 = arith.muli %select_n3A_199, %mul3A_201 : i32
      %swap3A = arith.index_cast %select_n3A : i32 to index
      %swap3A_203 = arith.index_cast %select_n3A_183 : i32 to index
      %swap3A_204 = arith.index_cast %mul3A_202 : i32 to index
      %swap3A_205 = tpu.vector_load %arg8[%swap3A, %swap3A_203, %swap3A_204] {strides = array<i32>} : memref<5x40x128xf32, #tpu.memory_space<vmem>>, vector<1x1x16xf32>,
      %swap3A_206 = vector.shape_cast %swap3A_205 : vector<1x1x16xf32> to vector<16xf32>
      %swap3A_207 = vector.shape_cast %broadcast_in_dim3A_200 : vector<16xf32> to vector<1x1x16xf32>
      tpu.vector_store %arg8[%swap3A, %swap3A_203, %swap3A_204], %swap3A_207 {strides = array<i32>} : memref<5x40x128xf32, #tpu.memory_space<vmem>>, vector<1x1x16xf32>,
      %scan3A_208 = arith.constant 0 : i32
      scf.yield %scan3A_208 : i32
    }
    %scan3A_21 = arith.constant 1600 : i32
    %mul3A_22 = arith.constant 640 : i32
    %mul3A_23 = arith.muli %arg1, %mul3A_22 : i32
    %add3A_24 = arith.constant 0 : i32
    %add3A_25 = arith.addi %mul3A_23, %add3A_24 : i32
    %run_scoped3A = arith.constant 0 : i32
    "tpu.region"() ({
      %run_scoped3A_128 = tpu.sem_alloc : memref<!tpu.dma_semaphore, #tpu.memory_space<semaphore_mem>>
      %dma_start3A_129 = arith.constant 0 : i32
      %dma_start3A_130 = arith.constant 0 : i32
      %dma_start3A_131 = tpu.memref_slice %arg8[%run_scoped3A, %dma_start3A_129, %dma_start3A_130] : memref<5x40x128xf32, #tpu.memory_space<vmem>> -> memref<1x40x128xf32, #tpu.memory_space<vmem>>
      %dma_start3A_132 = tpu.memref_squeeze %dma_start3A_131 : memref<1x40x128xf32, #tpu.memory_space<vmem>> -> memref<40x128xf32, #tpu.memory_space<vmem>>
      %dma_start3A_133 = arith.constant 0 : i32
      %dma_start3A_134 = tpu.memref_slice %arg9[%add3A_25, %dma_start3A_133] : memref<10240x128xf32, #tpu.memory_space<vmem_shared>> -> memref<40x128xf32, #tpu.memory_space<vmem_shared>>
      %dma_start3A_135 = arith.constant 0 : i32
      %dma_start3A_136 = tpu.memref_slice %arg9[%add3A_25, %dma_start3A_135] : memref<10240x128xf32, #tpu.memory_space<vmem_shared>> -> memref<40x128xf32, #tpu.memory_space<vmem_shared>>
      %dma_start3A_137 = arith.constant 0 : i32
      %dma_start3A_138 = arith.constant 0 : i32
      %dma_start3A_139 = tpu.memref_slice %arg8[%run_scoped3A, %dma_start3A_137, %dma_start3A_138] : memref<5x40x128xf32, #tpu.memory_space<vmem>> -> memref<1x40x128xf32, #tpu.memory_space<vmem>>
      %dma_start3A_140 = tpu.memref_squeeze %dma_start3A_139 : memref<1x40x128xf32, #tpu.memory_space<vmem>> -> memref<40x128xf32, #tpu.memory_space<vmem>>
      tpu.enqueue_dma source(%dma_start3A_140 : memref<40x128xf32, #tpu.memory_space<vmem>>) target(%dma_start3A_136 : memref<40x128xf32, #tpu.memory_space<vmem_shared>>) target_semaphore(%run_scoped3A_128 : memref<!tpu.dma_semaphore, #tpu.memory_space<semaphore_mem>>)
      %dma_wait3A_141 = arith.constant 0 : i32
      %dma_wait3A_142 = arith.constant 0 : i32
      %dma_wait3A_143 = tpu.memref_slice %arg8[%run_scoped3A, %dma_wait3A_141, %dma_wait3A_142] : memref<5x40x128xf32, #tpu.memory_space<vmem>> -> memref<1x40x128xf32, #tpu.memory_space<vmem>>
      %dma_wait3A_144 = tpu.memref_squeeze %dma_wait3A_143 : memref<1x40x128xf32, #tpu.memory_space<vmem>> -> memref<40x128xf32, #tpu.memory_space<vmem>>
      %dma_wait3A_145 = arith.constant 0 : i32
      %dma_wait3A_146 = tpu.memref_slice %arg9[%add3A_25, %dma_wait3A_145] : memref<10240x128xf32, #tpu.memory_space<vmem_shared>> -> memref<40x128xf32, #tpu.memory_space<vmem_shared>>
      %dma_wait3A_147 = arith.constant 0 : i32
      %dma_wait3A_148 = tpu.memref_slice %arg9[%add3A_25, %dma_wait3A_147] : memref<10240x128xf32, #tpu.memory_space<vmem_shared>> -> memref<40x128xf32, #tpu.memory_space<vmem_shared>>
      %dma_wait3A_149 = arith.constant 0 : i32
      %dma_wait3A_150 = arith.constant 0 : i32
      %dma_wait3A_151 = tpu.memref_slice %arg8[%run_scoped3A, %dma_wait3A_149, %dma_wait3A_150] : memref<5x40x128xf32, #tpu.memory_space<vmem>> -> memref<1x40x128xf32, #tpu.memory_space<vmem>>
      %dma_wait3A_152 = tpu.memref_squeeze %dma_wait3A_151 : memref<1x40x128xf32, #tpu.memory_space<vmem>> -> memref<40x128xf32, #tpu.memory_space<vmem>>
      tpu.wait_dma2 semaphore(%run_scoped3A_128 : memref<!tpu.dma_semaphore, #tpu.memory_space<semaphore_mem>>) src(%dma_wait3A_152 : memref<40x128xf32, #tpu.memory_space<vmem>>) dst(%dma_wait3A_148 : memref<40x128xf32, #tpu.memory_space<vmem_shared>>)
      tpu.yield
    }) : () -> ()
    %mul3A_26 = arith.constant 640 : i32
    %mul3A_27 = arith.muli %arg1, %mul3A_26 : i32
    %add3A_28 = arith.constant 40 : i32
    %add3A_29 = arith.addi %mul3A_27, %add3A_28 : i32
    %run_scoped3A_30 = arith.constant 0 : i32
    "tpu.region"() ({
      %run_scoped3A_128 = tpu.sem_alloc : memref<!tpu.dma_semaphore, #tpu.memory_space<semaphore_mem>>
      %dma_start3A_129 = arith.constant 0 : i32
      %dma_start3A_130 = arith.constant 0 : i32
      %dma_start3A_131 = tpu.memref_slice %arg8[%run_scoped3A_30, %dma_start3A_129, %dma_start3A_130] : memref<5x40x128xf32, #tpu.memory_space<vmem>> -> memref<1x40x128xf32, #tpu.memory_space<vmem>>
      %dma_start3A_132 = tpu.memref_squeeze %dma_start3A_131 : memref<1x40x128xf32, #tpu.memory_space<vmem>> -> memref<40x128xf32, #tpu.memory_space<vmem>>
      %dma_start3A_133 = arith.constant 0 : i32
      %dma_start3A_134 = tpu.memref_slice %arg9[%add3A_29, %dma_start3A_133] : memref<10240x128xf32, #tpu.memory_space<vmem_shared>> -> memref<40x128xf32, #tpu.memory_space<vmem_shared>>
      %dma_start3A_135 = arith.constant 0 : i32
      %dma_start3A_136 = tpu.memref_slice %arg9[%add3A_29, %dma_start3A_135] : memref<10240x128xf32, #tpu.memory_space<vmem_shared>> -> memref<40x128xf32, #tpu.memory_space<vmem_shared>>
      %dma_start3A_137 = arith.constant 0 : i32
      %dma_start3A_138 = arith.constant 0 : i32
      %dma_start3A_139 = tpu.memref_slice %arg8[%run_scoped3A_30, %dma_start3A_137, %dma_start3A_138] : memref<5x40x128xf32, #tpu.memory_space<vmem>> -> memref<1x40x128xf32, #tpu.memory_space<vmem>>
      %dma_start3A_140 = tpu.memref_squeeze %dma_start3A_139 : memref<1x40x128xf32, #tpu.memory_space<vmem>> -> memref<40x128xf32, #tpu.memory_space<vmem>>
      tpu.enqueue_dma source(%dma_start3A_140 : memref<40x128xf32, #tpu.memory_space<vmem>>) target(%dma_start3A_136 : memref<40x128xf32, #tpu.memory_space<vmem_shared>>) target_semaphore(%run_scoped3A_128 : memref<!tpu.dma_semaphore, #tpu.memory_space<semaphore_mem>>)
      %dma_wait3A_141 = arith.constant 0 : i32
      %dma_wait3A_142 = arith.constant 0 : i32
      %dma_wait3A_143 = tpu.memref_slice %arg8[%run_scoped3A_30, %dma_wait3A_141, %dma_wait3A_142] : memref<5x40x128xf32, #tpu.memory_space<vmem>> -> memref<1x40x128xf32, #tpu.memory_space<vmem>>
      %dma_wait3A_144 = tpu.memref_squeeze %dma_wait3A_143 : memref<1x40x128xf32, #tpu.memory_space<vmem>> -> memref<40x128xf32, #tpu.memory_space<vmem>>
      %dma_wait3A_145 = arith.constant 0 : i32
      %dma_wait3A_146 = tpu.memref_slice %arg9[%add3A_29, %dma_wait3A_145] : memref<10240x128xf32, #tpu.memory_space<vmem_shared>> -> memref<40x128xf32, #tpu.memory_space<vmem_shared>>
      %dma_wait3A_147 = arith.constant 0 : i32
      %dma_wait3A_148 = tpu.memref_slice %arg9[%add3A_29, %dma_wait3A_147] : memref<10240x128xf32, #tpu.memory_space<vmem_shared>> -> memref<40x128xf32, #tpu.memory_space<vmem_shared>>
      %dma_wait3A_149 = arith.constant 0 : i32
      %dma_wait3A_150 = arith.constant 0 : i32
      %dma_wait3A_151 = tpu.memref_slice %arg8[%run_scoped3A_30, %dma_wait3A_149, %dma_wait3A_150] : memref<5x40x128xf32, #tpu.memory_space<vmem>> -> memref<1x40x128xf32, #tpu.memory_space<vmem>>
      %dma_wait3A_152 = tpu.memref_squeeze %dma_wait3A_151 : memref<1x40x128xf32, #tpu.memory_space<vmem>> -> memref<40x128xf32, #tpu.memory_space<vmem>>
      tpu.wait_dma2 semaphore(%run_scoped3A_128 : memref<!tpu.dma_semaphore, #tpu.memory_space<semaphore_mem>>) src(%dma_wait3A_152 : memref<40x128xf32, #tpu.memory_space<vmem>>) dst(%dma_wait3A_148 : memref<40x128xf32, #tpu.memory_space<vmem_shared>>)
      tpu.yield
    }) : () -> ()
    %mul3A_31 = arith.constant 640 : i32
    %mul3A_32 = arith.muli %arg1, %mul3A_31 : i32
    %add3A_33 = arith.constant 80 : i32
    %add3A_34 = arith.addi %mul3A_32, %add3A_33 : i32
    %run_scoped3A_35 = arith.constant 0 : i32
    "tpu.region"() ({
      %run_scoped3A_128 = tpu.sem_alloc : memref<!tpu.dma_semaphore, #tpu.memory_space<semaphore_mem>>
      %dma_start3A_129 = arith.constant 0 : i32
      %dma_start3A_130 = arith.constant 0 : i32
      %dma_start3A_131 = tpu.memref_slice %arg8[%run_scoped3A_35, %dma_start3A_129, %dma_start3A_130] : memref<5x40x128xf32, #tpu.memory_space<vmem>> -> memref<1x40x128xf32, #tpu.memory_space<vmem>>
      %dma_start3A_132 = tpu.memref_squeeze %dma_start3A_131 : memref<1x40x128xf32, #tpu.memory_space<vmem>> -> memref<40x128xf32, #tpu.memory_space<vmem>>
      %dma_start3A_133 = arith.constant 0 : i32
      %dma_start3A_134 = tpu.memref_slice %arg9[%add3A_34, %dma_start3A_133] : memref<10240x128xf32, #tpu.memory_space<vmem_shared>> -> memref<40x128xf32, #tpu.memory_space<vmem_shared>>
      %dma_start3A_135 = arith.constant 0 : i32
      %dma_start3A_136 = tpu.memref_slice %arg9[%add3A_34, %dma_start3A_135] : memref<10240x128xf32, #tpu.memory_space<vmem_shared>> -> memref<40x128xf32, #tpu.memory_space<vmem_shared>>
      %dma_start3A_137 = arith.constant 0 : i32
      %dma_start3A_138 = arith.constant 0 : i32
      %dma_start3A_139 = tpu.memref_slice %arg8[%run_scoped3A_35, %dma_start3A_137, %dma_start3A_138] : memref<5x40x128xf32, #tpu.memory_space<vmem>> -> memref<1x40x128xf32, #tpu.memory_space<vmem>>
      %dma_start3A_140 = tpu.memref_squeeze %dma_start3A_139 : memref<1x40x128xf32, #tpu.memory_space<vmem>> -> memref<40x128xf32, #tpu.memory_space<vmem>>
      tpu.enqueue_dma source(%dma_start3A_140 : memref<40x128xf32, #tpu.memory_space<vmem>>) target(%dma_start3A_136 : memref<40x128xf32, #tpu.memory_space<vmem_shared>>) target_semaphore(%run_scoped3A_128 : memref<!tpu.dma_semaphore, #tpu.memory_space<semaphore_mem>>)
      %dma_wait3A_141 = arith.constant 0 : i32
      %dma_wait3A_142 = arith.constant 0 : i32
      %dma_wait3A_143 = tpu.memref_slice %arg8[%run_scoped3A_35, %dma_wait3A_141, %dma_wait3A_142] : memref<5x40x128xf32, #tpu.memory_space<vmem>> -> memref<1x40x128xf32, #tpu.memory_space<vmem>>
      %dma_wait3A_144 = tpu.memref_squeeze %dma_wait3A_143 : memref<1x40x128xf32, #tpu.memory_space<vmem>> -> memref<40x128xf32, #tpu.memory_space<vmem>>
      %dma_wait3A_145 = arith.constant 0 : i32
      %dma_wait3A_146 = tpu.memref_slice %arg9[%add3A_34, %dma_wait3A_145] : memref<10240x128xf32, #tpu.memory_space<vmem_shared>> -> memref<40x128xf32, #tpu.memory_space<vmem_shared>>
      %dma_wait3A_147 = arith.constant 0 : i32
      %dma_wait3A_148 = tpu.memref_slice %arg9[%add3A_34, %dma_wait3A_147] : memref<10240x128xf32, #tpu.memory_space<vmem_shared>> -> memref<40x128xf32, #tpu.memory_space<vmem_shared>>
      %dma_wait3A_149 = arith.constant 0 : i32
      %dma_wait3A_150 = arith.constant 0 : i32
      %dma_wait3A_151 = tpu.memref_slice %arg8[%run_scoped3A_35, %dma_wait3A_149, %dma_wait3A_150] : memref<5x40x128xf32, #tpu.memory_space<vmem>> -> memref<1x40x128xf32, #tpu.memory_space<vmem>>
      %dma_wait3A_152 = tpu.memref_squeeze %dma_wait3A_151 : memref<1x40x128xf32, #tpu.memory_space<vmem>> -> memref<40x128xf32, #tpu.memory_space<vmem>>
      tpu.wait_dma2 semaphore(%run_scoped3A_128 : memref<!tpu.dma_semaphore, #tpu.memory_space<semaphore_mem>>) src(%dma_wait3A_152 : memref<40x128xf32, #tpu.memory_space<vmem>>) dst(%dma_wait3A_148 : memref<40x128xf32, #tpu.memory_space<vmem_shared>>)
      tpu.yield
    }) : () -> ()
    %mul3A_36 = arith.constant 640 : i32
    %mul3A_37 = arith.muli %arg1, %mul3A_36 : i32
    %add3A_38 = arith.constant 120 : i32
    %add3A_39 = arith.addi %mul3A_37, %add3A_38 : i32
    %run_scoped3A_40 = arith.constant 0 : i32
    "tpu.region"() ({
      %run_scoped3A_128 = tpu.sem_alloc : memref<!tpu.dma_semaphore, #tpu.memory_space<semaphore_mem>>
      %dma_start3A_129 = arith.constant 0 : i32
      %dma_start3A_130 = arith.constant 0 : i32
      %dma_start3A_131 = tpu.memref_slice %arg8[%run_scoped3A_40, %dma_start3A_129, %dma_start3A_130] : memref<5x40x128xf32, #tpu.memory_space<vmem>> -> memref<1x40x128xf32, #tpu.memory_space<vmem>>
      %dma_start3A_132 = tpu.memref_squeeze %dma_start3A_131 : memref<1x40x128xf32, #tpu.memory_space<vmem>> -> memref<40x128xf32, #tpu.memory_space<vmem>>
      %dma_start3A_133 = arith.constant 0 : i32
      %dma_start3A_134 = tpu.memref_slice %arg9[%add3A_39, %dma_start3A_133] : memref<10240x128xf32, #tpu.memory_space<vmem_shared>> -> memref<40x128xf32, #tpu.memory_space<vmem_shared>>
      %dma_start3A_135 = arith.constant 0 : i32
      %dma_start3A_136 = tpu.memref_slice %arg9[%add3A_39, %dma_start3A_135] : memref<10240x128xf32, #tpu.memory_space<vmem_shared>> -> memref<40x128xf32, #tpu.memory_space<vmem_shared>>
      %dma_start3A_137 = arith.constant 0 : i32
      %dma_start3A_138 = arith.constant 0 : i32
      %dma_start3A_139 = tpu.memref_slice %arg8[%run_scoped3A_40, %dma_start3A_137, %dma_start3A_138] : memref<5x40x128xf32, #tpu.memory_space<vmem>> -> memref<1x40x128xf32, #tpu.memory_space<vmem>>
      %dma_start3A_140 = tpu.memref_squeeze %dma_start3A_139 : memref<1x40x128xf32, #tpu.memory_space<vmem>> -> memref<40x128xf32, #tpu.memory_space<vmem>>
      tpu.enqueue_dma source(%dma_start3A_140 : memref<40x128xf32, #tpu.memory_space<vmem>>) target(%dma_start3A_136 : memref<40x128xf32, #tpu.memory_space<vmem_shared>>) target_semaphore(%run_scoped3A_128 : memref<!tpu.dma_semaphore, #tpu.memory_space<semaphore_mem>>)
      %dma_wait3A_141 = arith.constant 0 : i32
      %dma_wait3A_142 = arith.constant 0 : i32
      %dma_wait3A_143 = tpu.memref_slice %arg8[%run_scoped3A_40, %dma_wait3A_141, %dma_wait3A_142] : memref<5x40x128xf32, #tpu.memory_space<vmem>> -> memref<1x40x128xf32, #tpu.memory_space<vmem>>
      %dma_wait3A_144 = tpu.memref_squeeze %dma_wait3A_143 : memref<1x40x128xf32, #tpu.memory_space<vmem>> -> memref<40x128xf32, #tpu.memory_space<vmem>>
      %dma_wait3A_145 = arith.constant 0 : i32
      %dma_wait3A_146 = tpu.memref_slice %arg9[%add3A_39, %dma_wait3A_145] : memref<10240x128xf32, #tpu.memory_space<vmem_shared>> -> memref<40x128xf32, #tpu.memory_space<vmem_shared>>
      %dma_wait3A_147 = arith.constant 0 : i32
      %dma_wait3A_148 = tpu.memref_slice %arg9[%add3A_39, %dma_wait3A_147] : memref<10240x128xf32, #tpu.memory_space<vmem_shared>> -> memref<40x128xf32, #tpu.memory_space<vmem_shared>>
      %dma_wait3A_149 = arith.constant 0 : i32
      %dma_wait3A_150 = arith.constant 0 : i32
      %dma_wait3A_151 = tpu.memref_slice %arg8[%run_scoped3A_40, %dma_wait3A_149, %dma_wait3A_150] : memref<5x40x128xf32, #tpu.memory_space<vmem>> -> memref<1x40x128xf32, #tpu.memory_space<vmem>>
      %dma_wait3A_152 = tpu.memref_squeeze %dma_wait3A_151 : memref<1x40x128xf32, #tpu.memory_space<vmem>> -> memref<40x128xf32, #tpu.memory_space<vmem>>
      tpu.wait_dma2 semaphore(%run_scoped3A_128 : memref<!tpu.dma_semaphore, #tpu.memory_space<semaphore_mem>>) src(%dma_wait3A_152 : memref<40x128xf32, #tpu.memory_space<vmem>>) dst(%dma_wait3A_148 : memref<40x128xf32, #tpu.memory_space<vmem_shared>>)
      tpu.yield
    }) : () -> ()
    %mul3A_41 = arith.constant 640 : i32
    %mul3A_42 = arith.muli %arg1, %mul3A_41 : i32
    %add3A_43 = arith.constant 160 : i32
    %add3A_44 = arith.addi %mul3A_42, %add3A_43 : i32
    %run_scoped3A_45 = arith.constant 0 : i32
    "tpu.region"() ({
      %run_scoped3A_128 = tpu.sem_alloc : memref<!tpu.dma_semaphore, #tpu.memory_space<semaphore_mem>>
      %dma_start3A_129 = arith.constant 0 : i32
      %dma_start3A_130 = arith.constant 0 : i32
      %dma_start3A_131 = tpu.memref_slice %arg8[%run_scoped3A_45, %dma_start3A_129, %dma_start3A_130] : memref<5x40x128xf32, #tpu.memory_space<vmem>> -> memref<1x40x128xf32, #tpu.memory_space<vmem>>
      %dma_start3A_132 = tpu.memref_squeeze %dma_start3A_131 : memref<1x40x128xf32, #tpu.memory_space<vmem>> -> memref<40x128xf32, #tpu.memory_space<vmem>>
      %dma_start3A_133 = arith.constant 0 : i32
      %dma_start3A_134 = tpu.memref_slice %arg9[%add3A_44, %dma_start3A_133] : memref<10240x128xf32, #tpu.memory_space<vmem_shared>> -> memref<40x128xf32, #tpu.memory_space<vmem_shared>>
      %dma_start3A_135 = arith.constant 0 : i32
      %dma_start3A_136 = tpu.memref_slice %arg9[%add3A_44, %dma_start3A_135] : memref<10240x128xf32, #tpu.memory_space<vmem_shared>> -> memref<40x128xf32, #tpu.memory_space<vmem_shared>>
      %dma_start3A_137 = arith.constant 0 : i32
      %dma_start3A_138 = arith.constant 0 : i32
      %dma_start3A_139 = tpu.memref_slice %arg8[%run_scoped3A_45, %dma_start3A_137, %dma_start3A_138] : memref<5x40x128xf32, #tpu.memory_space<vmem>> -> memref<1x40x128xf32, #tpu.memory_space<vmem>>
      %dma_start3A_140 = tpu.memref_squeeze %dma_start3A_139 : memref<1x40x128xf32, #tpu.memory_space<vmem>> -> memref<40x128xf32, #tpu.memory_space<vmem>>
      tpu.enqueue_dma source(%dma_start3A_140 : memref<40x128xf32, #tpu.memory_space<vmem>>) target(%dma_start3A_136 : memref<40x128xf32, #tpu.memory_space<vmem_shared>>) target_semaphore(%run_scoped3A_128 : memref<!tpu.dma_semaphore, #tpu.memory_space<semaphore_mem>>)
      %dma_wait3A_141 = arith.constant 0 : i32
      %dma_wait3A_142 = arith.constant 0 : i32
      %dma_wait3A_143 = tpu.memref_slice %arg8[%run_scoped3A_45, %dma_wait3A_141, %dma_wait3A_142] : memref<5x40x128xf32, #tpu.memory_space<vmem>> -> memref<1x40x128xf32, #tpu.memory_space<vmem>>
      %dma_wait3A_144 = tpu.memref_squeeze %dma_wait3A_143 : memref<1x40x128xf32, #tpu.memory_space<vmem>> -> memref<40x128xf32, #tpu.memory_space<vmem>>
      %dma_wait3A_145 = arith.constant 0 : i32
      %dma_wait3A_146 = tpu.memref_slice %arg9[%add3A_44, %dma_wait3A_145] : memref<10240x128xf32, #tpu.memory_space<vmem_shared>> -> memref<40x128xf32, #tpu.memory_space<vmem_shared>>
      %dma_wait3A_147 = arith.constant 0 : i32
      %dma_wait3A_148 = tpu.memref_slice %arg9[%add3A_44, %dma_wait3A_147] : memref<10240x128xf32, #tpu.memory_space<vmem_shared>> -> memref<40x128xf32, #tpu.memory_space<vmem_shared>>
      %dma_wait3A_149 = arith.constant 0 : i32
      %dma_wait3A_150 = arith.constant 0 : i32
      %dma_wait3A_151 = tpu.memref_slice %arg8[%run_scoped3A_45, %dma_wait3A_149, %dma_wait3A_150] : memref<5x40x128xf32, #tpu.memory_space<vmem>> -> memref<1x40x128xf32, #tpu.memory_space<vmem>>
      %dma_wait3A_152 = tpu.memref_squeeze %dma_wait3A_151 : memref<1x40x128xf32, #tpu.memory_space<vmem>> -> memref<40x128xf32, #tpu.memory_space<vmem>>
      tpu.wait_dma2 semaphore(%run_scoped3A_128 : memref<!tpu.dma_semaphore, #tpu.memory_space<semaphore_mem>>) src(%dma_wait3A_152 : memref<40x128xf32, #tpu.memory_space<vmem>>) dst(%dma_wait3A_148 : memref<40x128xf32, #tpu.memory_space<vmem_shared>>)
      tpu.yield
    }) : () -> ()
    %mul3A_46 = arith.constant 640 : i32
    %mul3A_47 = arith.muli %arg1, %mul3A_46 : i32
    %add3A_48 = arith.constant 200 : i32
    %add3A_49 = arith.addi %mul3A_47, %add3A_48 : i32
    %run_scoped3A_50 = arith.constant 0 : i32
    "tpu.region"() ({
      %run_scoped3A_128 = tpu.sem_alloc : memref<!tpu.dma_semaphore, #tpu.memory_space<semaphore_mem>>
      %dma_start3A_129 = arith.constant 0 : i32
      %dma_start3A_130 = arith.constant 0 : i32
      %dma_start3A_131 = tpu.memref_slice %arg8[%run_scoped3A_50, %dma_start3A_129, %dma_start3A_130] : memref<5x40x128xf32, #tpu.memory_space<vmem>> -> memref<1x40x128xf32, #tpu.memory_space<vmem>>
      %dma_start3A_132 = tpu.memref_squeeze %dma_start3A_131 : memref<1x40x128xf32, #tpu.memory_space<vmem>> -> memref<40x128xf32, #tpu.memory_space<vmem>>
      %dma_start3A_133 = arith.constant 0 : i32
      %dma_start3A_134 = tpu.memref_slice %arg9[%add3A_49, %dma_start3A_133] : memref<10240x128xf32, #tpu.memory_space<vmem_shared>> -> memref<40x128xf32, #tpu.memory_space<vmem_shared>>
      %dma_start3A_135 = arith.constant 0 : i32
      %dma_start3A_136 = tpu.memref_slice %arg9[%add3A_49, %dma_start3A_135] : memref<10240x128xf32, #tpu.memory_space<vmem_shared>> -> memref<40x128xf32, #tpu.memory_space<vmem_shared>>
      %dma_start3A_137 = arith.constant 0 : i32
      %dma_start3A_138 = arith.constant 0 : i32
      %dma_start3A_139 = tpu.memref_slice %arg8[%run_scoped3A_50, %dma_start3A_137, %dma_start3A_138] : memref<5x40x128xf32, #tpu.memory_space<vmem>> -> memref<1x40x128xf32, #tpu.memory_space<vmem>>
      %dma_start3A_140 = tpu.memref_squeeze %dma_start3A_139 : memref<1x40x128xf32, #tpu.memory_space<vmem>> -> memref<40x128xf32, #tpu.memory_space<vmem>>
      tpu.enqueue_dma source(%dma_start3A_140 : memref<40x128xf32, #tpu.memory_space<vmem>>) target(%dma_start3A_136 : memref<40x128xf32, #tpu.memory_space<vmem_shared>>) target_semaphore(%run_scoped3A_128 : memref<!tpu.dma_semaphore, #tpu.memory_space<semaphore_mem>>)
      %dma_wait3A_141 = arith.constant 0 : i32
      %dma_wait3A_142 = arith.constant 0 : i32
      %dma_wait3A_143 = tpu.memref_slice %arg8[%run_scoped3A_50, %dma_wait3A_141, %dma_wait3A_142] : memref<5x40x128xf32, #tpu.memory_space<vmem>> -> memref<1x40x128xf32, #tpu.memory_space<vmem>>
      %dma_wait3A_144 = tpu.memref_squeeze %dma_wait3A_143 : memref<1x40x128xf32, #tpu.memory_space<vmem>> -> memref<40x128xf32, #tpu.memory_space<vmem>>
      %dma_wait3A_145 = arith.constant 0 : i32
      %dma_wait3A_146 = tpu.memref_slice %arg9[%add3A_49, %dma_wait3A_145] : memref<10240x128xf32, #tpu.memory_space<vmem_shared>> -> memref<40x128xf32, #tpu.memory_space<vmem_shared>>
      %dma_wait3A_147 = arith.constant 0 : i32
      %dma_wait3A_148 = tpu.memref_slice %arg9[%add3A_49, %dma_wait3A_147] : memref<10240x128xf32, #tpu.memory_space<vmem_shared>> -> memref<40x128xf32, #tpu.memory_space<vmem_shared>>
      %dma_wait3A_149 = arith.constant 0 : i32
      %dma_wait3A_150 = arith.constant 0 : i32
      %dma_wait3A_151 = tpu.memref_slice %arg8[%run_scoped3A_50, %dma_wait3A_149, %dma_wait3A_150] : memref<5x40x128xf32, #tpu.memory_space<vmem>> -> memref<1x40x128xf32, #tpu.memory_space<vmem>>
      %dma_wait3A_152 = tpu.memref_squeeze %dma_wait3A_151 : memref<1x40x128xf32, #tpu.memory_space<vmem>> -> memref<40x128xf32, #tpu.memory_space<vmem>>
      tpu.wait_dma2 semaphore(%run_scoped3A_128 : memref<!tpu.dma_semaphore, #tpu.memory_space<semaphore_mem>>) src(%dma_wait3A_152 : memref<40x128xf32, #tpu.memory_space<vmem>>) dst(%dma_wait3A_148 : memref<40x128xf32, #tpu.memory_space<vmem_shared>>)
      tpu.yield
    }) : () -> ()
    %mul3A_51 = arith.constant 640 : i32
    %mul3A_52 = arith.muli %arg1, %mul3A_51 : i32
    %add3A_53 = arith.constant 240 : i32
    %add3A_54 = arith.addi %mul3A_52, %add3A_53 : i32
    %run_scoped3A_55 = arith.constant 0 : i32
    "tpu.region"() ({
      %run_scoped3A_128 = tpu.sem_alloc : memref<!tpu.dma_semaphore, #tpu.memory_space<semaphore_mem>>
      %dma_start3A_129 = arith.constant 0 : i32
      %dma_start3A_130 = arith.constant 0 : i32
      %dma_start3A_131 = tpu.memref_slice %arg8[%run_scoped3A_55, %dma_start3A_129, %dma_start3A_130] : memref<5x40x128xf32, #tpu.memory_space<vmem>> -> memref<1x40x128xf32, #tpu.memory_space<vmem>>
      %dma_start3A_132 = tpu.memref_squeeze %dma_start3A_131 : memref<1x40x128xf32, #tpu.memory_space<vmem>> -> memref<40x128xf32, #tpu.memory_space<vmem>>
      %dma_start3A_133 = arith.constant 0 : i32
      %dma_start3A_134 = tpu.memref_slice %arg9[%add3A_54, %dma_start3A_133] : memref<10240x128xf32, #tpu.memory_space<vmem_shared>> -> memref<40x128xf32, #tpu.memory_space<vmem_shared>>
      %dma_start3A_135 = arith.constant 0 : i32
      %dma_start3A_136 = tpu.memref_slice %arg9[%add3A_54, %dma_start3A_135] : memref<10240x128xf32, #tpu.memory_space<vmem_shared>> -> memref<40x128xf32, #tpu.memory_space<vmem_shared>>
      %dma_start3A_137 = arith.constant 0 : i32
      %dma_start3A_138 = arith.constant 0 : i32
      %dma_start3A_139 = tpu.memref_slice %arg8[%run_scoped3A_55, %dma_start3A_137, %dma_start3A_138] : memref<5x40x128xf32, #tpu.memory_space<vmem>> -> memref<1x40x128xf32, #tpu.memory_space<vmem>>
      %dma_start3A_140 = tpu.memref_squeeze %dma_start3A_139 : memref<1x40x128xf32, #tpu.memory_space<vmem>> -> memref<40x128xf32, #tpu.memory_space<vmem>>
      tpu.enqueue_dma source(%dma_start3A_140 : memref<40x128xf32, #tpu.memory_space<vmem>>) target(%dma_start3A_136 : memref<40x128xf32, #tpu.memory_space<vmem_shared>>) target_semaphore(%run_scoped3A_128 : memref<!tpu.dma_semaphore, #tpu.memory_space<semaphore_mem>>)
      %dma_wait3A_141 = arith.constant 0 : i32
      %dma_wait3A_142 = arith.constant 0 : i32
      %dma_wait3A_143 = tpu.memref_slice %arg8[%run_scoped3A_55, %dma_wait3A_141, %dma_wait3A_142] : memref<5x40x128xf32, #tpu.memory_space<vmem>> -> memref<1x40x128xf32, #tpu.memory_space<vmem>>
      %dma_wait3A_144 = tpu.memref_squeeze %dma_wait3A_143 : memref<1x40x128xf32, #tpu.memory_space<vmem>> -> memref<40x128xf32, #tpu.memory_space<vmem>>
      %dma_wait3A_145 = arith.constant 0 : i32
      %dma_wait3A_146 = tpu.memref_slice %arg9[%add3A_54, %dma_wait3A_145] : memref<10240x128xf32, #tpu.memory_space<vmem_shared>> -> memref<40x128xf32, #tpu.memory_space<vmem_shared>>
      %dma_wait3A_147 = arith.constant 0 : i32
      %dma_wait3A_148 = tpu.memref_slice %arg9[%add3A_54, %dma_wait3A_147] : memref<10240x128xf32, #tpu.memory_space<vmem_shared>> -> memref<40x128xf32, #tpu.memory_space<vmem_shared>>
      %dma_wait3A_149 = arith.constant 0 : i32
      %dma_wait3A_150 = arith.constant 0 : i32
      %dma_wait3A_151 = tpu.memref_slice %arg8[%run_scoped3A_55, %dma_wait3A_149, %dma_wait3A_150] : memref<5x40x128xf32, #tpu.memory_space<vmem>> -> memref<1x40x128xf32, #tpu.memory_space<vmem>>
      %dma_wait3A_152 = tpu.memref_squeeze %dma_wait3A_151 : memref<1x40x128xf32, #tpu.memory_space<vmem>> -> memref<40x128xf32, #tpu.memory_space<vmem>>
      tpu.wait_dma2 semaphore(%run_scoped3A_128 : memref<!tpu.dma_semaphore, #tpu.memory_space<semaphore_mem>>) src(%dma_wait3A_152 : memref<40x128xf32, #tpu.memory_space<vmem>>) dst(%dma_wait3A_148 : memref<40x128xf32, #tpu.memory_space<vmem_shared>>)
      tpu.yield
    }) : () -> ()
    %mul3A_56 = arith.constant 640 : i32
    %mul3A_57 = arith.muli %arg1, %mul3A_56 : i32
    %add3A_58 = arith.constant 280 : i32
    %add3A_59 = arith.addi %mul3A_57, %add3A_58 : i32
    %run_scoped3A_60 = arith.constant 0 : i32
    "tpu.region"() ({
      %run_scoped3A_128 = tpu.sem_alloc : memref<!tpu.dma_semaphore, #tpu.memory_space<semaphore_mem>>
      %dma_start3A_129 = arith.constant 0 : i32
      %dma_start3A_130 = arith.constant 0 : i32
      %dma_start3A_131 = tpu.memref_slice %arg8[%run_scoped3A_60, %dma_start3A_129, %dma_start3A_130] : memref<5x40x128xf32, #tpu.memory_space<vmem>> -> memref<1x40x128xf32, #tpu.memory_space<vmem>>
      %dma_start3A_132 = tpu.memref_squeeze %dma_start3A_131 : memref<1x40x128xf32, #tpu.memory_space<vmem>> -> memref<40x128xf32, #tpu.memory_space<vmem>>
      %dma_start3A_133 = arith.constant 0 : i32
      %dma_start3A_134 = tpu.memref_slice %arg9[%add3A_59, %dma_start3A_133] : memref<10240x128xf32, #tpu.memory_space<vmem_shared>> -> memref<40x128xf32, #tpu.memory_space<vmem_shared>>
      %dma_start3A_135 = arith.constant 0 : i32
      %dma_start3A_136 = tpu.memref_slice %arg9[%add3A_59, %dma_start3A_135] : memref<10240x128xf32, #tpu.memory_space<vmem_shared>> -> memref<40x128xf32, #tpu.memory_space<vmem_shared>>
      %dma_start3A_137 = arith.constant 0 : i32
      %dma_start3A_138 = arith.constant 0 : i32
      %dma_start3A_139 = tpu.memref_slice %arg8[%run_scoped3A_60, %dma_start3A_137, %dma_start3A_138] : memref<5x40x128xf32, #tpu.memory_space<vmem>> -> memref<1x40x128xf32, #tpu.memory_space<vmem>>
      %dma_start3A_140 = tpu.memref_squeeze %dma_start3A_139 : memref<1x40x128xf32, #tpu.memory_space<vmem>> -> memref<40x128xf32, #tpu.memory_space<vmem>>
      tpu.enqueue_dma source(%dma_start3A_140 : memref<40x128xf32, #tpu.memory_space<vmem>>) target(%dma_start3A_136 : memref<40x128xf32, #tpu.memory_space<vmem_shared>>) target_semaphore(%run_scoped3A_128 : memref<!tpu.dma_semaphore, #tpu.memory_space<semaphore_mem>>)
      %dma_wait3A_141 = arith.constant 0 : i32
      %dma_wait3A_142 = arith.constant 0 : i32
      %dma_wait3A_143 = tpu.memref_slice %arg8[%run_scoped3A_60, %dma_wait3A_141, %dma_wait3A_142] : memref<5x40x128xf32, #tpu.memory_space<vmem>> -> memref<1x40x128xf32, #tpu.memory_space<vmem>>
      %dma_wait3A_144 = tpu.memref_squeeze %dma_wait3A_143 : memref<1x40x128xf32, #tpu.memory_space<vmem>> -> memref<40x128xf32, #tpu.memory_space<vmem>>
      %dma_wait3A_145 = arith.constant 0 : i32
      %dma_wait3A_146 = tpu.memref_slice %arg9[%add3A_59, %dma_wait3A_145] : memref<10240x128xf32, #tpu.memory_space<vmem_shared>> -> memref<40x128xf32, #tpu.memory_space<vmem_shared>>
      %dma_wait3A_147 = arith.constant 0 : i32
      %dma_wait3A_148 = tpu.memref_slice %arg9[%add3A_59, %dma_wait3A_147] : memref<10240x128xf32, #tpu.memory_space<vmem_shared>> -> memref<40x128xf32, #tpu.memory_space<vmem_shared>>
      %dma_wait3A_149 = arith.constant 0 : i32
      %dma_wait3A_150 = arith.constant 0 : i32
      %dma_wait3A_151 = tpu.memref_slice %arg8[%run_scoped3A_60, %dma_wait3A_149, %dma_wait3A_150] : memref<5x40x128xf32, #tpu.memory_space<vmem>> -> memref<1x40x128xf32, #tpu.memory_space<vmem>>
      %dma_wait3A_152 = tpu.memref_squeeze %dma_wait3A_151 : memref<1x40x128xf32, #tpu.memory_space<vmem>> -> memref<40x128xf32, #tpu.memory_space<vmem>>
      tpu.wait_dma2 semaphore(%run_scoped3A_128 : memref<!tpu.dma_semaphore, #tpu.memory_space<semaphore_mem>>) src(%dma_wait3A_152 : memref<40x128xf32, #tpu.memory_space<vmem>>) dst(%dma_wait3A_148 : memref<40x128xf32, #tpu.memory_space<vmem_shared>>)
      tpu.yield
    }) : () -> ()
    %mul3A_61 = arith.constant 640 : i32
    %mul3A_62 = arith.muli %arg1, %mul3A_61 : i32
    %add3A_63 = arith.constant 320 : i32
    %add3A_64 = arith.addi %mul3A_62, %add3A_63 : i32
    %run_scoped3A_65 = arith.constant 0 : i32
    "tpu.region"() ({
      %run_scoped3A_128 = tpu.sem_alloc : memref<!tpu.dma_semaphore, #tpu.memory_space<semaphore_mem>>
      %dma_start3A_129 = arith.constant 0 : i32
      %dma_start3A_130 = arith.constant 0 : i32
      %dma_start3A_131 = tpu.memref_slice %arg8[%run_scoped3A_65, %dma_start3A_129, %dma_start3A_130] : memref<5x40x128xf32, #tpu.memory_space<vmem>> -> memref<1x40x128xf32, #tpu.memory_space<vmem>>
      %dma_start3A_132 = tpu.memref_squeeze %dma_start3A_131 : memref<1x40x128xf32, #tpu.memory_space<vmem>> -> memref<40x128xf32, #tpu.memory_space<vmem>>
      %dma_start3A_133 = arith.constant 0 : i32
      %dma_start3A_134 = tpu.memref_slice %arg9[%add3A_64, %dma_start3A_133] : memref<10240x128xf32, #tpu.memory_space<vmem_shared>> -> memref<40x128xf32, #tpu.memory_space<vmem_shared>>
      %dma_start3A_135 = arith.constant 0 : i32
      %dma_start3A_136 = tpu.memref_slice %arg9[%add3A_64, %dma_start3A_135] : memref<10240x128xf32, #tpu.memory_space<vmem_shared>> -> memref<40x128xf32, #tpu.memory_space<vmem_shared>>
      %dma_start3A_137 = arith.constant 0 : i32
      %dma_start3A_138 = arith.constant 0 : i32
      %dma_start3A_139 = tpu.memref_slice %arg8[%run_scoped3A_65, %dma_start3A_137, %dma_start3A_138] : memref<5x40x128xf32, #tpu.memory_space<vmem>> -> memref<1x40x128xf32, #tpu.memory_space<vmem>>
      %dma_start3A_140 = tpu.memref_squeeze %dma_start3A_139 : memref<1x40x128xf32, #tpu.memory_space<vmem>> -> memref<40x128xf32, #tpu.memory_space<vmem>>
      tpu.enqueue_dma source(%dma_start3A_140 : memref<40x128xf32, #tpu.memory_space<vmem>>) target(%dma_start3A_136 : memref<40x128xf32, #tpu.memory_space<vmem_shared>>) target_semaphore(%run_scoped3A_128 : memref<!tpu.dma_semaphore, #tpu.memory_space<semaphore_mem>>)
      %dma_wait3A_141 = arith.constant 0 : i32
      %dma_wait3A_142 = arith.constant 0 : i32
      %dma_wait3A_143 = tpu.memref_slice %arg8[%run_scoped3A_65, %dma_wait3A_141, %dma_wait3A_142] : memref<5x40x128xf32, #tpu.memory_space<vmem>> -> memref<1x40x128xf32, #tpu.memory_space<vmem>>
      %dma_wait3A_144 = tpu.memref_squeeze %dma_wait3A_143 : memref<1x40x128xf32, #tpu.memory_space<vmem>> -> memref<40x128xf32, #tpu.memory_space<vmem>>
      %dma_wait3A_145 = arith.constant 0 : i32
      %dma_wait3A_146 = tpu.memref_slice %arg9[%add3A_64, %dma_wait3A_145] : memref<10240x128xf32, #tpu.memory_space<vmem_shared>> -> memref<40x128xf32, #tpu.memory_space<vmem_shared>>
      %dma_wait3A_147 = arith.constant 0 : i32
      %dma_wait3A_148 = tpu.memref_slice %arg9[%add3A_64, %dma_wait3A_147] : memref<10240x128xf32, #tpu.memory_space<vmem_shared>> -> memref<40x128xf32, #tpu.memory_space<vmem_shared>>
      %dma_wait3A_149 = arith.constant 0 : i32
      %dma_wait3A_150 = arith.constant 0 : i32
      %dma_wait3A_151 = tpu.memref_slice %arg8[%run_scoped3A_65, %dma_wait3A_149, %dma_wait3A_150] : memref<5x40x128xf32, #tpu.memory_space<vmem>> -> memref<1x40x128xf32, #tpu.memory_space<vmem>>
      %dma_wait3A_152 = tpu.memref_squeeze %dma_wait3A_151 : memref<1x40x128xf32, #tpu.memory_space<vmem>> -> memref<40x128xf32, #tpu.memory_space<vmem>>
      tpu.wait_dma2 semaphore(%run_scoped3A_128 : memref<!tpu.dma_semaphore, #tpu.memory_space<semaphore_mem>>) src(%dma_wait3A_152 : memref<40x128xf32, #tpu.memory_space<vmem>>) dst(%dma_wait3A_148 : memref<40x128xf32, #tpu.memory_space<vmem_shared>>)
      tpu.yield
    }) : () -> ()
    %mul3A_66 = arith.constant 640 : i32
    %mul3A_67 = arith.muli %arg1, %mul3A_66 : i32
    %add3A_68 = arith.constant 360 : i32
    %add3A_69 = arith.addi %mul3A_67, %add3A_68 : i32
    %run_scoped3A_70 = arith.constant 0 : i32
    "tpu.region"() ({
      %run_scoped3A_128 = tpu.sem_alloc : memref<!tpu.dma_semaphore, #tpu.memory_space<semaphore_mem>>
      %dma_start3A_129 = arith.constant 0 : i32
      %dma_start3A_130 = arith.constant 0 : i32
      %dma_start3A_131 = tpu.memref_slice %arg8[%run_scoped3A_70, %dma_start3A_129, %dma_start3A_130] : memref<5x40x128xf32, #tpu.memory_space<vmem>> -> memref<1x40x128xf32, #tpu.memory_space<vmem>>
      %dma_start3A_132 = tpu.memref_squeeze %dma_start3A_131 : memref<1x40x128xf32, #tpu.memory_space<vmem>> -> memref<40x128xf32, #tpu.memory_space<vmem>>
      %dma_start3A_133 = arith.constant 0 : i32
      %dma_start3A_134 = tpu.memref_slice %arg9[%add3A_69, %dma_start3A_133] : memref<10240x128xf32, #tpu.memory_space<vmem_shared>> -> memref<40x128xf32, #tpu.memory_space<vmem_shared>>
      %dma_start3A_135 = arith.constant 0 : i32
      %dma_start3A_136 = tpu.memref_slice %arg9[%add3A_69, %dma_start3A_135] : memref<10240x128xf32, #tpu.memory_space<vmem_shared>> -> memref<40x128xf32, #tpu.memory_space<vmem_shared>>
      %dma_start3A_137 = arith.constant 0 : i32
      %dma_start3A_138 = arith.constant 0 : i32
      %dma_start3A_139 = tpu.memref_slice %arg8[%run_scoped3A_70, %dma_start3A_137, %dma_start3A_138] : memref<5x40x128xf32, #tpu.memory_space<vmem>> -> memref<1x40x128xf32, #tpu.memory_space<vmem>>
      %dma_start3A_140 = tpu.memref_squeeze %dma_start3A_139 : memref<1x40x128xf32, #tpu.memory_space<vmem>> -> memref<40x128xf32, #tpu.memory_space<vmem>>
      tpu.enqueue_dma source(%dma_start3A_140 : memref<40x128xf32, #tpu.memory_space<vmem>>) target(%dma_start3A_136 : memref<40x128xf32, #tpu.memory_space<vmem_shared>>) target_semaphore(%run_scoped3A_128 : memref<!tpu.dma_semaphore, #tpu.memory_space<semaphore_mem>>)
      %dma_wait3A_141 = arith.constant 0 : i32
      %dma_wait3A_142 = arith.constant 0 : i32
      %dma_wait3A_143 = tpu.memref_slice %arg8[%run_scoped3A_70, %dma_wait3A_141, %dma_wait3A_142] : memref<5x40x128xf32, #tpu.memory_space<vmem>> -> memref<1x40x128xf32, #tpu.memory_space<vmem>>
      %dma_wait3A_144 = tpu.memref_squeeze %dma_wait3A_143 : memref<1x40x128xf32, #tpu.memory_space<vmem>> -> memref<40x128xf32, #tpu.memory_space<vmem>>
      %dma_wait3A_145 = arith.constant 0 : i32
      %dma_wait3A_146 = tpu.memref_slice %arg9[%add3A_69, %dma_wait3A_145] : memref<10240x128xf32, #tpu.memory_space<vmem_shared>> -> memref<40x128xf32, #tpu.memory_space<vmem_shared>>
      %dma_wait3A_147 = arith.constant 0 : i32
      %dma_wait3A_148 = tpu.memref_slice %arg9[%add3A_69, %dma_wait3A_147] : memref<10240x128xf32, #tpu.memory_space<vmem_shared>> -> memref<40x128xf32, #tpu.memory_space<vmem_shared>>
      %dma_wait3A_149 = arith.constant 0 : i32
      %dma_wait3A_150 = arith.constant 0 : i32
      %dma_wait3A_151 = tpu.memref_slice %arg8[%run_scoped3A_70, %dma_wait3A_149, %dma_wait3A_150] : memref<5x40x128xf32, #tpu.memory_space<vmem>> -> memref<1x40x128xf32, #tpu.memory_space<vmem>>
      %dma_wait3A_152 = tpu.memref_squeeze %dma_wait3A_151 : memref<1x40x128xf32, #tpu.memory_space<vmem>> -> memref<40x128xf32, #tpu.memory_space<vmem>>
      tpu.wait_dma2 semaphore(%run_scoped3A_128 : memref<!tpu.dma_semaphore, #tpu.memory_space<semaphore_mem>>) src(%dma_wait3A_152 : memref<40x128xf32, #tpu.memory_space<vmem>>) dst(%dma_wait3A_148 : memref<40x128xf32, #tpu.memory_space<vmem_shared>>)
      tpu.yield
    }) : () -> ()
    %mul3A_71 = arith.constant 640 : i32
    %mul3A_72 = arith.muli %arg1, %mul3A_71 : i32
    %add3A_73 = arith.constant 400 : i32
    %add3A_74 = arith.addi %mul3A_72, %add3A_73 : i32
    %run_scoped3A_75 = arith.constant 0 : i32
    "tpu.region"() ({
      %run_scoped3A_128 = tpu.sem_alloc : memref<!tpu.dma_semaphore, #tpu.memory_space<semaphore_mem>>
      %dma_start3A_129 = arith.constant 0 : i32
      %dma_start3A_130 = arith.constant 0 : i32
      %dma_start3A_131 = tpu.memref_slice %arg8[%run_scoped3A_75, %dma_start3A_129, %dma_start3A_130] : memref<5x40x128xf32, #tpu.memory_space<vmem>> -> memref<1x40x128xf32, #tpu.memory_space<vmem>>
      %dma_start3A_132 = tpu.memref_squeeze %dma_start3A_131 : memref<1x40x128xf32, #tpu.memory_space<vmem>> -> memref<40x128xf32, #tpu.memory_space<vmem>>
      %dma_start3A_133 = arith.constant 0 : i32
      %dma_start3A_134 = tpu.memref_slice %arg9[%add3A_74, %dma_start3A_133] : memref<10240x128xf32, #tpu.memory_space<vmem_shared>> -> memref<40x128xf32, #tpu.memory_space<vmem_shared>>
      %dma_start3A_135 = arith.constant 0 : i32
      %dma_start3A_136 = tpu.memref_slice %arg9[%add3A_74, %dma_start3A_135] : memref<10240x128xf32, #tpu.memory_space<vmem_shared>> -> memref<40x128xf32, #tpu.memory_space<vmem_shared>>
      %dma_start3A_137 = arith.constant 0 : i32
      %dma_start3A_138 = arith.constant 0 : i32
      %dma_start3A_139 = tpu.memref_slice %arg8[%run_scoped3A_75, %dma_start3A_137, %dma_start3A_138] : memref<5x40x128xf32, #tpu.memory_space<vmem>> -> memref<1x40x128xf32, #tpu.memory_space<vmem>>
      %dma_start3A_140 = tpu.memref_squeeze %dma_start3A_139 : memref<1x40x128xf32, #tpu.memory_space<vmem>> -> memref<40x128xf32, #tpu.memory_space<vmem>>
      tpu.enqueue_dma source(%dma_start3A_140 : memref<40x128xf32, #tpu.memory_space<vmem>>) target(%dma_start3A_136 : memref<40x128xf32, #tpu.memory_space<vmem_shared>>) target_semaphore(%run_scoped3A_128 : memref<!tpu.dma_semaphore, #tpu.memory_space<semaphore_mem>>)
      %dma_wait3A_141 = arith.constant 0 : i32
      %dma_wait3A_142 = arith.constant 0 : i32
      %dma_wait3A_143 = tpu.memref_slice %arg8[%run_scoped3A_75, %dma_wait3A_141, %dma_wait3A_142] : memref<5x40x128xf32, #tpu.memory_space<vmem>> -> memref<1x40x128xf32, #tpu.memory_space<vmem>>
      %dma_wait3A_144 = tpu.memref_squeeze %dma_wait3A_143 : memref<1x40x128xf32, #tpu.memory_space<vmem>> -> memref<40x128xf32, #tpu.memory_space<vmem>>
      %dma_wait3A_145 = arith.constant 0 : i32
      %dma_wait3A_146 = tpu.memref_slice %arg9[%add3A_74, %dma_wait3A_145] : memref<10240x128xf32, #tpu.memory_space<vmem_shared>> -> memref<40x128xf32, #tpu.memory_space<vmem_shared>>
      %dma_wait3A_147 = arith.constant 0 : i32
      %dma_wait3A_148 = tpu.memref_slice %arg9[%add3A_74, %dma_wait3A_147] : memref<10240x128xf32, #tpu.memory_space<vmem_shared>> -> memref<40x128xf32, #tpu.memory_space<vmem_shared>>
      %dma_wait3A_149 = arith.constant 0 : i32
      %dma_wait3A_150 = arith.constant 0 : i32
      %dma_wait3A_151 = tpu.memref_slice %arg8[%run_scoped3A_75, %dma_wait3A_149, %dma_wait3A_150] : memref<5x40x128xf32, #tpu.memory_space<vmem>> -> memref<1x40x128xf32, #tpu.memory_space<vmem>>
      %dma_wait3A_152 = tpu.memref_squeeze %dma_wait3A_151 : memref<1x40x128xf32, #tpu.memory_space<vmem>> -> memref<40x128xf32, #tpu.memory_space<vmem>>
      tpu.wait_dma2 semaphore(%run_scoped3A_128 : memref<!tpu.dma_semaphore, #tpu.memory_space<semaphore_mem>>) src(%dma_wait3A_152 : memref<40x128xf32, #tpu.memory_space<vmem>>) dst(%dma_wait3A_148 : memref<40x128xf32, #tpu.memory_space<vmem_shared>>)
      tpu.yield
    }) : () -> ()
    %mul3A_76 = arith.constant 640 : i32
    %mul3A_77 = arith.muli %arg1, %mul3A_76 : i32
    %add3A_78 = arith.constant 440 : i32
    %add3A_79 = arith.addi %mul3A_77, %add3A_78 : i32
    %run_scoped3A_80 = arith.constant 0 : i32
    "tpu.region"() ({
      %run_scoped3A_128 = tpu.sem_alloc : memref<!tpu.dma_semaphore, #tpu.memory_space<semaphore_mem>>
      %dma_start3A_129 = arith.constant 0 : i32
      %dma_start3A_130 = arith.constant 0 : i32
      %dma_start3A_131 = tpu.memref_slice %arg8[%run_scoped3A_80, %dma_start3A_129, %dma_start3A_130] : memref<5x40x128xf32, #tpu.memory_space<vmem>> -> memref<1x40x128xf32, #tpu.memory_space<vmem>>
      %dma_start3A_132 = tpu.memref_squeeze %dma_start3A_131 : memref<1x40x128xf32, #tpu.memory_space<vmem>> -> memref<40x128xf32, #tpu.memory_space<vmem>>
      %dma_start3A_133 = arith.constant 0 : i32
      %dma_start3A_134 = tpu.memref_slice %arg9[%add3A_79, %dma_start3A_133] : memref<10240x128xf32, #tpu.memory_space<vmem_shared>> -> memref<40x128xf32, #tpu.memory_space<vmem_shared>>
      %dma_start3A_135 = arith.constant 0 : i32
      %dma_start3A_136 = tpu.memref_slice %arg9[%add3A_79, %dma_start3A_135] : memref<10240x128xf32, #tpu.memory_space<vmem_shared>> -> memref<40x128xf32, #tpu.memory_space<vmem_shared>>
      %dma_start3A_137 = arith.constant 0 : i32
      %dma_start3A_138 = arith.constant 0 : i32
      %dma_start3A_139 = tpu.memref_slice %arg8[%run_scoped3A_80, %dma_start3A_137, %dma_start3A_138] : memref<5x40x128xf32, #tpu.memory_space<vmem>> -> memref<1x40x128xf32, #tpu.memory_space<vmem>>
      %dma_start3A_140 = tpu.memref_squeeze %dma_start3A_139 : memref<1x40x128xf32, #tpu.memory_space<vmem>> -> memref<40x128xf32, #tpu.memory_space<vmem>>
      tpu.enqueue_dma source(%dma_start3A_140 : memref<40x128xf32, #tpu.memory_space<vmem>>) target(%dma_start3A_136 : memref<40x128xf32, #tpu.memory_space<vmem_shared>>) target_semaphore(%run_scoped3A_128 : memref<!tpu.dma_semaphore, #tpu.memory_space<semaphore_mem>>)
      %dma_wait3A_141 = arith.constant 0 : i32
      %dma_wait3A_142 = arith.constant 0 : i32
      %dma_wait3A_143 = tpu.memref_slice %arg8[%run_scoped3A_80, %dma_wait3A_141, %dma_wait3A_142] : memref<5x40x128xf32, #tpu.memory_space<vmem>> -> memref<1x40x128xf32, #tpu.memory_space<vmem>>
      %dma_wait3A_144 = tpu.memref_squeeze %dma_wait3A_143 : memref<1x40x128xf32, #tpu.memory_space<vmem>> -> memref<40x128xf32, #tpu.memory_space<vmem>>
      %dma_wait3A_145 = arith.constant 0 : i32
      %dma_wait3A_146 = tpu.memref_slice %arg9[%add3A_79, %dma_wait3A_145] : memref<10240x128xf32, #tpu.memory_space<vmem_shared>> -> memref<40x128xf32, #tpu.memory_space<vmem_shared>>
      %dma_wait3A_147 = arith.constant 0 : i32
      %dma_wait3A_148 = tpu.memref_slice %arg9[%add3A_79, %dma_wait3A_147] : memref<10240x128xf32, #tpu.memory_space<vmem_shared>> -> memref<40x128xf32, #tpu.memory_space<vmem_shared>>
      %dma_wait3A_149 = arith.constant 0 : i32
      %dma_wait3A_150 = arith.constant 0 : i32
      %dma_wait3A_151 = tpu.memref_slice %arg8[%run_scoped3A_80, %dma_wait3A_149, %dma_wait3A_150] : memref<5x40x128xf32, #tpu.memory_space<vmem>> -> memref<1x40x128xf32, #tpu.memory_space<vmem>>
      %dma_wait3A_152 = tpu.memref_squeeze %dma_wait3A_151 : memref<1x40x128xf32, #tpu.memory_space<vmem>> -> memref<40x128xf32, #tpu.memory_space<vmem>>
      tpu.wait_dma2 semaphore(%run_scoped3A_128 : memref<!tpu.dma_semaphore, #tpu.memory_space<semaphore_mem>>) src(%dma_wait3A_152 : memref<40x128xf32, #tpu.memory_space<vmem>>) dst(%dma_wait3A_148 : memref<40x128xf32, #tpu.memory_space<vmem_shared>>)
      tpu.yield
    }) : () -> ()
    %mul3A_81 = arith.constant 640 : i32
    %mul3A_82 = arith.muli %arg1, %mul3A_81 : i32
    %add3A_83 = arith.constant 480 : i32
    %add3A_84 = arith.addi %mul3A_82, %add3A_83 : i32
    %run_scoped3A_85 = arith.constant 0 : i32
    "tpu.region"() ({
      %run_scoped3A_128 = tpu.sem_alloc : memref<!tpu.dma_semaphore, #tpu.memory_space<semaphore_mem>>
      %dma_start3A_129 = arith.constant 0 : i32
      %dma_start3A_130 = arith.constant 0 : i32
      %dma_start3A_131 = tpu.memref_slice %arg8[%run_scoped3A_85, %dma_start3A_129, %dma_start3A_130] : memref<5x40x128xf32, #tpu.memory_space<vmem>> -> memref<1x40x128xf32, #tpu.memory_space<vmem>>
      %dma_start3A_132 = tpu.memref_squeeze %dma_start3A_131 : memref<1x40x128xf32, #tpu.memory_space<vmem>> -> memref<40x128xf32, #tpu.memory_space<vmem>>
      %dma_start3A_133 = arith.constant 0 : i32
      %dma_start3A_134 = tpu.memref_slice %arg9[%add3A_84, %dma_start3A_133] : memref<10240x128xf32, #tpu.memory_space<vmem_shared>> -> memref<40x128xf32, #tpu.memory_space<vmem_shared>>
      %dma_start3A_135 = arith.constant 0 : i32
      %dma_start3A_136 = tpu.memref_slice %arg9[%add3A_84, %dma_start3A_135] : memref<10240x128xf32, #tpu.memory_space<vmem_shared>> -> memref<40x128xf32, #tpu.memory_space<vmem_shared>>
      %dma_start3A_137 = arith.constant 0 : i32
      %dma_start3A_138 = arith.constant 0 : i32
      %dma_start3A_139 = tpu.memref_slice %arg8[%run_scoped3A_85, %dma_start3A_137, %dma_start3A_138] : memref<5x40x128xf32, #tpu.memory_space<vmem>> -> memref<1x40x128xf32, #tpu.memory_space<vmem>>
      %dma_start3A_140 = tpu.memref_squeeze %dma_start3A_139 : memref<1x40x128xf32, #tpu.memory_space<vmem>> -> memref<40x128xf32, #tpu.memory_space<vmem>>
      tpu.enqueue_dma source(%dma_start3A_140 : memref<40x128xf32, #tpu.memory_space<vmem>>) target(%dma_start3A_136 : memref<40x128xf32, #tpu.memory_space<vmem_shared>>) target_semaphore(%run_scoped3A_128 : memref<!tpu.dma_semaphore, #tpu.memory_space<semaphore_mem>>)
      %dma_wait3A_141 = arith.constant 0 : i32
      %dma_wait3A_142 = arith.constant 0 : i32
      %dma_wait3A_143 = tpu.memref_slice %arg8[%run_scoped3A_85, %dma_wait3A_141, %dma_wait3A_142] : memref<5x40x128xf32, #tpu.memory_space<vmem>> -> memref<1x40x128xf32, #tpu.memory_space<vmem>>
      %dma_wait3A_144 = tpu.memref_squeeze %dma_wait3A_143 : memref<1x40x128xf32, #tpu.memory_space<vmem>> -> memref<40x128xf32, #tpu.memory_space<vmem>>
      %dma_wait3A_145 = arith.constant 0 : i32
      %dma_wait3A_146 = tpu.memref_slice %arg9[%add3A_84, %dma_wait3A_145] : memref<10240x128xf32, #tpu.memory_space<vmem_shared>> -> memref<40x128xf32, #tpu.memory_space<vmem_shared>>
      %dma_wait3A_147 = arith.constant 0 : i32
      %dma_wait3A_148 = tpu.memref_slice %arg9[%add3A_84, %dma_wait3A_147] : memref<10240x128xf32, #tpu.memory_space<vmem_shared>> -> memref<40x128xf32, #tpu.memory_space<vmem_shared>>
      %dma_wait3A_149 = arith.constant 0 : i32
      %dma_wait3A_150 = arith.constant 0 : i32
      %dma_wait3A_151 = tpu.memref_slice %arg8[%run_scoped3A_85, %dma_wait3A_149, %dma_wait3A_150] : memref<5x40x128xf32, #tpu.memory_space<vmem>> -> memref<1x40x128xf32, #tpu.memory_space<vmem>>
      %dma_wait3A_152 = tpu.memref_squeeze %dma_wait3A_151 : memref<1x40x128xf32, #tpu.memory_space<vmem>> -> memref<40x128xf32, #tpu.memory_space<vmem>>
      tpu.wait_dma2 semaphore(%run_scoped3A_128 : memref<!tpu.dma_semaphore, #tpu.memory_space<semaphore_mem>>) src(%dma_wait3A_152 : memref<40x128xf32, #tpu.memory_space<vmem>>) dst(%dma_wait3A_148 : memref<40x128xf32, #tpu.memory_space<vmem_shared>>)
      tpu.yield
    }) : () -> ()
    %mul3A_86 = arith.constant 640 : i32
    %mul3A_87 = arith.muli %arg1, %mul3A_86 : i32
    %add3A_88 = arith.constant 520 : i32
    %add3A_89 = arith.addi %mul3A_87, %add3A_88 : i32
    %run_scoped3A_90 = arith.constant 0 : i32
    "tpu.region"() ({
      %run_scoped3A_128 = tpu.sem_alloc : memref<!tpu.dma_semaphore, #tpu.memory_space<semaphore_mem>>
      %dma_start3A_129 = arith.constant 0 : i32
      %dma_start3A_130 = arith.constant 0 : i32
      %dma_start3A_131 = tpu.memref_slice %arg8[%run_scoped3A_90, %dma_start3A_129, %dma_start3A_130] : memref<5x40x128xf32, #tpu.memory_space<vmem>> -> memref<1x40x128xf32, #tpu.memory_space<vmem>>
      %dma_start3A_132 = tpu.memref_squeeze %dma_start3A_131 : memref<1x40x128xf32, #tpu.memory_space<vmem>> -> memref<40x128xf32, #tpu.memory_space<vmem>>
      %dma_start3A_133 = arith.constant 0 : i32
      %dma_start3A_134 = tpu.memref_slice %arg9[%add3A_89, %dma_start3A_133] : memref<10240x128xf32, #tpu.memory_space<vmem_shared>> -> memref<40x128xf32, #tpu.memory_space<vmem_shared>>
      %dma_start3A_135 = arith.constant 0 : i32
      %dma_start3A_136 = tpu.memref_slice %arg9[%add3A_89, %dma_start3A_135] : memref<10240x128xf32, #tpu.memory_space<vmem_shared>> -> memref<40x128xf32, #tpu.memory_space<vmem_shared>>
      %dma_start3A_137 = arith.constant 0 : i32
      %dma_start3A_138 = arith.constant 0 : i32
      %dma_start3A_139 = tpu.memref_slice %arg8[%run_scoped3A_90, %dma_start3A_137, %dma_start3A_138] : memref<5x40x128xf32, #tpu.memory_space<vmem>> -> memref<1x40x128xf32, #tpu.memory_space<vmem>>
      %dma_start3A_140 = tpu.memref_squeeze %dma_start3A_139 : memref<1x40x128xf32, #tpu.memory_space<vmem>> -> memref<40x128xf32, #tpu.memory_space<vmem>>
      tpu.enqueue_dma source(%dma_start3A_140 : memref<40x128xf32, #tpu.memory_space<vmem>>) target(%dma_start3A_136 : memref<40x128xf32, #tpu.memory_space<vmem_shared>>) target_semaphore(%run_scoped3A_128 : memref<!tpu.dma_semaphore, #tpu.memory_space<semaphore_mem>>)
      %dma_wait3A_141 = arith.constant 0 : i32
      %dma_wait3A_142 = arith.constant 0 : i32
      %dma_wait3A_143 = tpu.memref_slice %arg8[%run_scoped3A_90, %dma_wait3A_141, %dma_wait3A_142] : memref<5x40x128xf32, #tpu.memory_space<vmem>> -> memref<1x40x128xf32, #tpu.memory_space<vmem>>
      %dma_wait3A_144 = tpu.memref_squeeze %dma_wait3A_143 : memref<1x40x128xf32, #tpu.memory_space<vmem>> -> memref<40x128xf32, #tpu.memory_space<vmem>>
      %dma_wait3A_145 = arith.constant 0 : i32
      %dma_wait3A_146 = tpu.memref_slice %arg9[%add3A_89, %dma_wait3A_145] : memref<10240x128xf32, #tpu.memory_space<vmem_shared>> -> memref<40x128xf32, #tpu.memory_space<vmem_shared>>
      %dma_wait3A_147 = arith.constant 0 : i32
      %dma_wait3A_148 = tpu.memref_slice %arg9[%add3A_89, %dma_wait3A_147] : memref<10240x128xf32, #tpu.memory_space<vmem_shared>> -> memref<40x128xf32, #tpu.memory_space<vmem_shared>>
      %dma_wait3A_149 = arith.constant 0 : i32
      %dma_wait3A_150 = arith.constant 0 : i32
      %dma_wait3A_151 = tpu.memref_slice %arg8[%run_scoped3A_90, %dma_wait3A_149, %dma_wait3A_150] : memref<5x40x128xf32, #tpu.memory_space<vmem>> -> memref<1x40x128xf32, #tpu.memory_space<vmem>>
      %dma_wait3A_152 = tpu.memref_squeeze %dma_wait3A_151 : memref<1x40x128xf32, #tpu.memory_space<vmem>> -> memref<40x128xf32, #tpu.memory_space<vmem>>
      tpu.wait_dma2 semaphore(%run_scoped3A_128 : memref<!tpu.dma_semaphore, #tpu.memory_space<semaphore_mem>>) src(%dma_wait3A_152 : memref<40x128xf32, #tpu.memory_space<vmem>>) dst(%dma_wait3A_148 : memref<40x128xf32, #tpu.memory_space<vmem_shared>>)
      tpu.yield
    }) : () -> ()
    %mul3A_91 = arith.constant 640 : i32
    %mul3A_92 = arith.muli %arg1, %mul3A_91 : i32
    %add3A_93 = arith.constant 560 : i32
    %add3A_94 = arith.addi %mul3A_92, %add3A_93 : i32
    %run_scoped3A_95 = arith.constant 0 : i32
    "tpu.region"() ({
      %run_scoped3A_128 = tpu.sem_alloc : memref<!tpu.dma_semaphore, #tpu.memory_space<semaphore_mem>>
      %dma_start3A_129 = arith.constant 0 : i32
      %dma_start3A_130 = arith.constant 0 : i32
      %dma_start3A_131 = tpu.memref_slice %arg8[%run_scoped3A_95, %dma_start3A_129, %dma_start3A_130] : memref<5x40x128xf32, #tpu.memory_space<vmem>> -> memref<1x40x128xf32, #tpu.memory_space<vmem>>
      %dma_start3A_132 = tpu.memref_squeeze %dma_start3A_131 : memref<1x40x128xf32, #tpu.memory_space<vmem>> -> memref<40x128xf32, #tpu.memory_space<vmem>>
      %dma_start3A_133 = arith.constant 0 : i32
      %dma_start3A_134 = tpu.memref_slice %arg9[%add3A_94, %dma_start3A_133] : memref<10240x128xf32, #tpu.memory_space<vmem_shared>> -> memref<40x128xf32, #tpu.memory_space<vmem_shared>>
      %dma_start3A_135 = arith.constant 0 : i32
      %dma_start3A_136 = tpu.memref_slice %arg9[%add3A_94, %dma_start3A_135] : memref<10240x128xf32, #tpu.memory_space<vmem_shared>> -> memref<40x128xf32, #tpu.memory_space<vmem_shared>>
      %dma_start3A_137 = arith.constant 0 : i32
      %dma_start3A_138 = arith.constant 0 : i32
      %dma_start3A_139 = tpu.memref_slice %arg8[%run_scoped3A_95, %dma_start3A_137, %dma_start3A_138] : memref<5x40x128xf32, #tpu.memory_space<vmem>> -> memref<1x40x128xf32, #tpu.memory_space<vmem>>
      %dma_start3A_140 = tpu.memref_squeeze %dma_start3A_139 : memref<1x40x128xf32, #tpu.memory_space<vmem>> -> memref<40x128xf32, #tpu.memory_space<vmem>>
      tpu.enqueue_dma source(%dma_start3A_140 : memref<40x128xf32, #tpu.memory_space<vmem>>) target(%dma_start3A_136 : memref<40x128xf32, #tpu.memory_space<vmem_shared>>) target_semaphore(%run_scoped3A_128 : memref<!tpu.dma_semaphore, #tpu.memory_space<semaphore_mem>>)
      %dma_wait3A_141 = arith.constant 0 : i32
      %dma_wait3A_142 = arith.constant 0 : i32
      %dma_wait3A_143 = tpu.memref_slice %arg8[%run_scoped3A_95, %dma_wait3A_141, %dma_wait3A_142] : memref<5x40x128xf32, #tpu.memory_space<vmem>> -> memref<1x40x128xf32, #tpu.memory_space<vmem>>
      %dma_wait3A_144 = tpu.memref_squeeze %dma_wait3A_143 : memref<1x40x128xf32, #tpu.memory_space<vmem>> -> memref<40x128xf32, #tpu.memory_space<vmem>>
      %dma_wait3A_145 = arith.constant 0 : i32
      %dma_wait3A_146 = tpu.memref_slice %arg9[%add3A_94, %dma_wait3A_145] : memref<10240x128xf32, #tpu.memory_space<vmem_shared>> -> memref<40x128xf32, #tpu.memory_space<vmem_shared>>
      %dma_wait3A_147 = arith.constant 0 : i32
      %dma_wait3A_148 = tpu.memref_slice %arg9[%add3A_94, %dma_wait3A_147] : memref<10240x128xf32, #tpu.memory_space<vmem_shared>> -> memref<40x128xf32, #tpu.memory_space<vmem_shared>>
      %dma_wait3A_149 = arith.constant 0 : i32
      %dma_wait3A_150 = arith.constant 0 : i32
      %dma_wait3A_151 = tpu.memref_slice %arg8[%run_scoped3A_95, %dma_wait3A_149, %dma_wait3A_150] : memref<5x40x128xf32, #tpu.memory_space<vmem>> -> memref<1x40x128xf32, #tpu.memory_space<vmem>>
      %dma_wait3A_152 = tpu.memref_squeeze %dma_wait3A_151 : memref<1x40x128xf32, #tpu.memory_space<vmem>> -> memref<40x128xf32, #tpu.memory_space<vmem>>
      tpu.wait_dma2 semaphore(%run_scoped3A_128 : memref<!tpu.dma_semaphore, #tpu.memory_space<semaphore_mem>>) src(%dma_wait3A_152 : memref<40x128xf32, #tpu.memory_space<vmem>>) dst(%dma_wait3A_148 : memref<40x128xf32, #tpu.memory_space<vmem_shared>>)
      tpu.yield
    }) : () -> ()
    %mul3A_96 = arith.constant 640 : i32
    %mul3A_97 = arith.muli %arg1, %mul3A_96 : i32
    %add3A_98 = arith.constant 600 : i32
    %add3A_99 = arith.addi %mul3A_97, %add3A_98 : i32
    %run_scoped3A_100 = arith.constant 0 : i32
    "tpu.region"() ({
      %run_scoped3A_128 = tpu.sem_alloc : memref<!tpu.dma_semaphore, #tpu.memory_space<semaphore_mem>>
      %dma_start3A_129 = arith.constant 0 : i32
      %dma_start3A_130 = arith.constant 0 : i32
      %dma_start3A_131 = tpu.memref_slice %arg8[%run_scoped3A_100, %dma_start3A_129, %dma_start3A_130] : memref<5x40x128xf32, #tpu.memory_space<vmem>> -> memref<1x40x128xf32, #tpu.memory_space<vmem>>
      %dma_start3A_132 = tpu.memref_squeeze %dma_start3A_131 : memref<1x40x128xf32, #tpu.memory_space<vmem>> -> memref<40x128xf32, #tpu.memory_space<vmem>>
      %dma_start3A_133 = arith.constant 0 : i32
      %dma_start3A_134 = tpu.memref_slice %arg9[%add3A_99, %dma_start3A_133] : memref<10240x128xf32, #tpu.memory_space<vmem_shared>> -> memref<40x128xf32, #tpu.memory_space<vmem_shared>>
      %dma_start3A_135 = arith.constant 0 : i32
      %dma_start3A_136 = tpu.memref_slice %arg9[%add3A_99, %dma_start3A_135] : memref<10240x128xf32, #tpu.memory_space<vmem_shared>> -> memref<40x128xf32, #tpu.memory_space<vmem_shared>>
      %dma_start3A_137 = arith.constant 0 : i32
      %dma_start3A_138 = arith.constant 0 : i32
      %dma_start3A_139 = tpu.memref_slice %arg8[%run_scoped3A_100, %dma_start3A_137, %dma_start3A_138] : memref<5x40x128xf32, #tpu.memory_space<vmem>> -> memref<1x40x128xf32, #tpu.memory_space<vmem>>
      %dma_start3A_140 = tpu.memref_squeeze %dma_start3A_139 : memref<1x40x128xf32, #tpu.memory_space<vmem>> -> memref<40x128xf32, #tpu.memory_space<vmem>>
      tpu.enqueue_dma source(%dma_start3A_140 : memref<40x128xf32, #tpu.memory_space<vmem>>) target(%dma_start3A_136 : memref<40x128xf32, #tpu.memory_space<vmem_shared>>) target_semaphore(%run_scoped3A_128 : memref<!tpu.dma_semaphore, #tpu.memory_space<semaphore_mem>>)
      %dma_wait3A_141 = arith.constant 0 : i32
      %dma_wait3A_142 = arith.constant 0 : i32
      %dma_wait3A_143 = tpu.memref_slice %arg8[%run_scoped3A_100, %dma_wait3A_141, %dma_wait3A_142] : memref<5x40x128xf32, #tpu.memory_space<vmem>> -> memref<1x40x128xf32, #tpu.memory_space<vmem>>
      %dma_wait3A_144 = tpu.memref_squeeze %dma_wait3A_143 : memref<1x40x128xf32, #tpu.memory_space<vmem>> -> memref<40x128xf32, #tpu.memory_space<vmem>>
      %dma_wait3A_145 = arith.constant 0 : i32
      %dma_wait3A_146 = tpu.memref_slice %arg9[%add3A_99, %dma_wait3A_145] : memref<10240x128xf32, #tpu.memory_space<vmem_shared>> -> memref<40x128xf32, #tpu.memory_space<vmem_shared>>
      %dma_wait3A_147 = arith.constant 0 : i32
      %dma_wait3A_148 = tpu.memref_slice %arg9[%add3A_99, %dma_wait3A_147] : memref<10240x128xf32, #tpu.memory_space<vmem_shared>> -> memref<40x128xf32, #tpu.memory_space<vmem_shared>>
      %dma_wait3A_149 = arith.constant 0 : i32
      %dma_wait3A_150 = arith.constant 0 : i32
      %dma_wait3A_151 = tpu.memref_slice %arg8[%run_scoped3A_100, %dma_wait3A_149, %dma_wait3A_150] : memref<5x40x128xf32, #tpu.memory_space<vmem>> -> memref<1x40x128xf32, #tpu.memory_space<vmem>>
      %dma_wait3A_152 = tpu.memref_squeeze %dma_wait3A_151 : memref<1x40x128xf32, #tpu.memory_space<vmem>> -> memref<40x128xf32, #tpu.memory_space<vmem>>
      tpu.wait_dma2 semaphore(%run_scoped3A_128 : memref<!tpu.dma_semaphore, #tpu.memory_space<semaphore_mem>>) src(%dma_wait3A_152 : memref<40x128xf32, #tpu.memory_space<vmem>>) dst(%dma_wait3A_148 : memref<40x128xf32, #tpu.memory_space<vmem_shared>>)
      tpu.yield
    }) : () -> ()
    %dma_wait3A = arith.constant 0 : i32
    %dma_wait3A_101 = arith.constant 0 : i32
    %dma_wait3A_102 = tpu.memref_slice %arg3[%add3A, %dma_wait3A, %dma_wait3A_101] : memref<32x250x40xi32, #tpu.memory_space<hbm>> -> memref<1x250x40xi32, #tpu.memory_space<hbm>>
    %dma_wait3A_103 = tpu.memref_squeeze %dma_wait3A_102 : memref<1x250x40xi32, #tpu.memory_space<hbm>> -> memref<250x40xi32, #tpu.memory_space<hbm>>
    %dma_wait3A_104 = arith.constant 0 : i32
    %dma_wait3A_105 = arith.constant 0 : i32
    %dma_wait3A_106 = tpu.memref_slice %arg3[%add3A, %dma_wait3A_104, %dma_wait3A_105] : memref<32x250x40xi32, #tpu.memory_space<hbm>> -> memref<1x250x40xi32, #tpu.memory_space<hbm>>
    %dma_wait3A_107 = tpu.memref_squeeze %dma_wait3A_106 : memref<1x250x40xi32, #tpu.memory_space<hbm>> -> memref<250x40xi32, #tpu.memory_space<hbm>>
    tpu.wait_dma2 semaphore(%arg10 : memref<!tpu.dma_semaphore, #tpu.memory_space<semaphore_mem>>) src(%dma_wait3A_107 : memref<250x40xi32, #tpu.memory_space<hbm>>) dst(%arg6 : memref<250x40xi32, #tpu.memory_space<vmem>>)
    %dma_wait3A_108 = arith.constant 0 : i32
    %dma_wait3A_109 = arith.constant 0 : i32
    %dma_wait3A_110 = tpu.memref_slice %arg4[%add3A, %dma_wait3A_108, %dma_wait3A_109] : memref<32x250x40xi32, #tpu.memory_space<hbm>> -> memref<1x250x40xi32, #tpu.memory_space<hbm>>
    %dma_wait3A_111 = tpu.memref_squeeze %dma_wait3A_110 : memref<1x250x40xi32, #tpu.memory_space<hbm>> -> memref<250x40xi32, #tpu.memory_space<hbm>>
    %dma_wait3A_112 = arith.constant 0 : i32
    %dma_wait3A_113 = arith.constant 0 : i32
    %dma_wait3A_114 = tpu.memref_slice %arg4[%add3A, %dma_wait3A_112, %dma_wait3A_113] : memref<32x250x40xi32, #tpu.memory_space<hbm>> -> memref<1x250x40xi32, #tpu.memory_space<hbm>>
    %dma_wait3A_115 = tpu.memref_squeeze %dma_wait3A_114 : memref<1x250x40xi32, #tpu.memory_space<hbm>> -> memref<250x40xi32, #tpu.memory_space<hbm>>
    tpu.wait_dma2 semaphore(%arg10 : memref<!tpu.dma_semaphore, #tpu.memory_space<semaphore_mem>>) src(%dma_wait3A_115 : memref<250x40xi32, #tpu.memory_space<hbm>>) dst(%arg7 : memref<250x40xi32, #tpu.memory_space<vmem>>)
    %barrier3A = arith.constant 0 : index
    tpu.barrier barrier_id(%barrier3A)
    %scan3A_116 = arith.constant 0 : i32
    %scan3A_117 = arith.constant 0 : i32
    %scan3A_118 = arith.constant 50 : i32
    %scan3A_119 = arith.addi %scan3A_117, %scan3A_118 : i32
    %scan3A_120 = arith.constant 1 : i32
    %scan3A_121 = scf.for %scan3A_128 = %scan3A_117 to %scan3A_119 step %scan3A_120 iter_args(%scan3A_129 = %scan3A_116) -> (i32)  : i32 {
      %mul3A_130 = arith.constant 5 : i32
      %mul3A_131 = arith.muli %scan3A_128, %mul3A_130 : i32
      %add3A_132 = arith.constant 0 : i32
      %add3A_133 = arith.addi %mul3A_131, %add3A_132 : i32
      %dma_start3A_134 = arith.constant 0 : i32
      %dma_start3A_135 = arith.constant 0 : i32
      %dma_start3A_136 = arith.constant 0 : i32
      %dma_start3A_137 = tpu.memref_slice %arg8[%dma_start3A_134, %dma_start3A_135, %dma_start3A_136] : memref<5x40x128xf32, #tpu.memory_space<vmem>> -> memref<1x40x128xf32, #tpu.memory_space<vmem>>
      %dma_start3A_138 = tpu.memref_squeeze %dma_start3A_137 : memref<1x40x128xf32, #tpu.memory_space<vmem>> -> memref<40x128xf32, #tpu.memory_space<vmem>>
      %dma_start3A_139 = arith.constant 0 : i32
      %dma_start3A_140 = tpu.memref_slice %arg6[%add3A_133, %dma_start3A_139] : memref<250x40xi32, #tpu.memory_space<vmem>> -> memref<1x40xi32, #tpu.memory_space<vmem>>
      %dma_start3A_141 = tpu.memref_squeeze %dma_start3A_140 : memref<1x40xi32, #tpu.memory_space<vmem>> -> memref<40xi32, #tpu.memory_space<vmem>>
      %dma_start3A_142 = arith.constant 0 : i32
      %dma_start3A_143 = arith.constant 0 : i32
      %dma_start3A_144 = tpu.memref_slice %arg2[%dma_start3A_142, %dma_start3A_143] : memref<10000x128xf32, #tpu.memory_space<hbm>> -> memref<10000x128xf32, #tpu.memory_space<hbm>>
      tpu.enqueue_indirect_dma source(%dma_start3A_144 : memref<10000x128xf32, #tpu.memory_space<hbm>>) target(%dma_start3A_138 : memref<40x128xf32, #tpu.memory_space<vmem>>) offsets(%dma_start3A_141 : memref<40xi32, #tpu.memory_space<vmem>>) semaphore(%arg11 : memref<!tpu.dma_semaphore, #tpu.memory_space<semaphore_mem>>)
      %add3A_145 = arith.constant 1 : i32
      %add3A_146 = arith.addi %mul3A_131, %add3A_145 : i32
      %dma_start3A_147 = arith.constant 1 : i32
      %dma_start3A_148 = arith.constant 0 : i32
      %dma_start3A_149 = arith.constant 0 : i32
      %dma_start3A_150 = tpu.memref_slice %arg8[%dma_start3A_147, %dma_start3A_148, %dma_start3A_149] : memref<5x40x128xf32, #tpu.memory_space<vmem>> -> memref<1x40x128xf32, #tpu.memory_space<vmem>>
      %dma_start3A_151 = tpu.memref_squeeze %dma_start3A_150 : memref<1x40x128xf32, #tpu.memory_space<vmem>> -> memref<40x128xf32, #tpu.memory_space<vmem>>
      %dma_start3A_152 = arith.constant 0 : i32
      %dma_start3A_153 = tpu.memref_slice %arg6[%add3A_146, %dma_start3A_152] : memref<250x40xi32, #tpu.memory_space<vmem>> -> memref<1x40xi32, #tpu.memory_space<vmem>>
      %dma_start3A_154 = tpu.memref_squeeze %dma_start3A_153 : memref<1x40xi32, #tpu.memory_space<vmem>> -> memref<40xi32, #tpu.memory_space<vmem>>
      %dma_start3A_155 = arith.constant 0 : i32
      %dma_start3A_156 = arith.constant 0 : i32
      %dma_start3A_157 = tpu.memref_slice %arg2[%dma_start3A_155, %dma_start3A_156] : memref<10000x128xf32, #tpu.memory_space<hbm>> -> memref<10000x128xf32, #tpu.memory_space<hbm>>
      tpu.enqueue_indirect_dma source(%dma_start3A_157 : memref<10000x128xf32, #tpu.memory_space<hbm>>) target(%dma_start3A_151 : memref<40x128xf32, #tpu.memory_space<vmem>>) offsets(%dma_start3A_154 : memref<40xi32, #tpu.memory_space<vmem>>) semaphore(%arg12 : memref<!tpu.dma_semaphore, #tpu.memory_space<semaphore_mem>>)
      %add3A_158 = arith.constant 2 : i32
      %add3A_159 = arith.addi %mul3A_131, %add3A_158 : i32
      %dma_start3A_160 = arith.constant 2 : i32
      %dma_start3A_161 = arith.constant 0 : i32
      %dma_start3A_162 = arith.constant 0 : i32
      %dma_start3A_163 = tpu.memref_slice %arg8[%dma_start3A_160, %dma_start3A_161, %dma_start3A_162] : memref<5x40x128xf32, #tpu.memory_space<vmem>> -> memref<1x40x128xf32, #tpu.memory_space<vmem>>
      %dma_start3A_164 = tpu.memref_squeeze %dma_start3A_163 : memref<1x40x128xf32, #tpu.memory_space<vmem>> -> memref<40x128xf32, #tpu.memory_space<vmem>>
      %dma_start3A_165 = arith.constant 0 : i32
      %dma_start3A_166 = tpu.memref_slice %arg6[%add3A_159, %dma_start3A_165] : memref<250x40xi32, #tpu.memory_space<vmem>> -> memref<1x40xi32, #tpu.memory_space<vmem>>
      %dma_start3A_167 = tpu.memref_squeeze %dma_start3A_166 : memref<1x40xi32, #tpu.memory_space<vmem>> -> memref<40xi32, #tpu.memory_space<vmem>>
      %dma_start3A_168 = arith.constant 0 : i32
      %dma_start3A_169 = arith.constant 0 : i32
      %dma_start3A_170 = tpu.memref_slice %arg2[%dma_start3A_168, %dma_start3A_169] : memref<10000x128xf32, #tpu.memory_space<hbm>> -> memref<10000x128xf32, #tpu.memory_space<hbm>>
      tpu.enqueue_indirect_dma source(%dma_start3A_170 : memref<10000x128xf32, #tpu.memory_space<hbm>>) target(%dma_start3A_164 : memref<40x128xf32, #tpu.memory_space<vmem>>) offsets(%dma_start3A_167 : memref<40xi32, #tpu.memory_space<vmem>>) semaphore(%arg13 : memref<!tpu.dma_semaphore, #tpu.memory_space<semaphore_mem>>)
      %add3A_171 = arith.constant 3 : i32
      %add3A_172 = arith.addi %mul3A_131, %add3A_171 : i32
      %dma_start3A_173 = arith.constant 3 : i32
      %dma_start3A_174 = arith.constant 0 : i32
      %dma_start3A_175 = arith.constant 0 : i32
      %dma_start3A_176 = tpu.memref_slice %arg8[%dma_start3A_173, %dma_start3A_174, %dma_start3A_175] : memref<5x40x128xf32, #tpu.memory_space<vmem>> -> memref<1x40x128xf32, #tpu.memory_space<vmem>>
      %dma_start3A_177 = tpu.memref_squeeze %dma_start3A_176 : memref<1x40x128xf32, #tpu.memory_space<vmem>> -> memref<40x128xf32, #tpu.memory_space<vmem>>
      %dma_start3A_178 = arith.constant 0 : i32
      %dma_start3A_179 = tpu.memref_slice %arg6[%add3A_172, %dma_start3A_178] : memref<250x40xi32, #tpu.memory_space<vmem>> -> memref<1x40xi32, #tpu.memory_space<vmem>>
      %dma_start3A_180 = tpu.memref_squeeze %dma_start3A_179 : memref<1x40xi32, #tpu.memory_space<vmem>> -> memref<40xi32, #tpu.memory_space<vmem>>
      %dma_start3A_181 = arith.constant 0 : i32
      %dma_start3A_182 = arith.constant 0 : i32
      %dma_start3A_183 = tpu.memref_slice %arg2[%dma_start3A_181, %dma_start3A_182] : memref<10000x128xf32, #tpu.memory_space<hbm>> -> memref<10000x128xf32, #tpu.memory_space<hbm>>
      tpu.enqueue_indirect_dma source(%dma_start3A_183 : memref<10000x128xf32, #tpu.memory_space<hbm>>) target(%dma_start3A_177 : memref<40x128xf32, #tpu.memory_space<vmem>>) offsets(%dma_start3A_180 : memref<40xi32, #tpu.memory_space<vmem>>) semaphore(%arg14 : memref<!tpu.dma_semaphore, #tpu.memory_space<semaphore_mem>>)
      %add3A_184 = arith.constant 4 : i32
      %add3A_185 = arith.addi %mul3A_131, %add3A_184 : i32
      %dma_start3A_186 = arith.constant 4 : i32
      %dma_start3A_187 = arith.constant 0 : i32
      %dma_start3A_188 = arith.constant 0 : i32
      %dma_start3A_189 = tpu.memref_slice %arg8[%dma_start3A_186, %dma_start3A_187, %dma_start3A_188] : memref<5x40x128xf32, #tpu.memory_space<vmem>> -> memref<1x40x128xf32, #tpu.memory_space<vmem>>
      %dma_start3A_190 = tpu.memref_squeeze %dma_start3A_189 : memref<1x40x128xf32, #tpu.memory_space<vmem>> -> memref<40x128xf32, #tpu.memory_space<vmem>>
      %dma_start3A_191 = arith.constant 0 : i32
      %dma_start3A_192 = tpu.memref_slice %arg6[%add3A_185, %dma_start3A_191] : memref<250x40xi32, #tpu.memory_space<vmem>> -> memref<1x40xi32, #tpu.memory_space<vmem>>
      %dma_start3A_193 = tpu.memref_squeeze %dma_start3A_192 : memref<1x40xi32, #tpu.memory_space<vmem>> -> memref<40xi32, #tpu.memory_space<vmem>>
      %dma_start3A_194 = arith.constant 0 : i32
      %dma_start3A_195 = arith.constant 0 : i32
      %dma_start3A_196 = tpu.memref_slice %arg2[%dma_start3A_194, %dma_start3A_195] : memref<10000x128xf32, #tpu.memory_space<hbm>> -> memref<10000x128xf32, #tpu.memory_space<hbm>>
      tpu.enqueue_indirect_dma source(%dma_start3A_196 : memref<10000x128xf32, #tpu.memory_space<hbm>>) target(%dma_start3A_190 : memref<40x128xf32, #tpu.memory_space<vmem>>) offsets(%dma_start3A_193 : memref<40xi32, #tpu.memory_space<vmem>>) semaphore(%arg15 : memref<!tpu.dma_semaphore, #tpu.memory_space<semaphore_mem>>)
      %dma_wait3A_197 = arith.constant 0 : i32
      %dma_wait3A_198 = arith.constant 0 : i32
      %dma_wait3A_199 = arith.constant 0 : i32
      %dma_wait3A_200 = tpu.memref_slice %arg8[%dma_wait3A_197, %dma_wait3A_198, %dma_wait3A_199] : memref<5x40x128xf32, #tpu.memory_space<vmem>> -> memref<1x40x128xf32, #tpu.memory_space<vmem>>
      %dma_wait3A_201 = tpu.memref_squeeze %dma_wait3A_200 : memref<1x40x128xf32, #tpu.memory_space<vmem>> -> memref<40x128xf32, #tpu.memory_space<vmem>>
      %dma_wait3A_202 = arith.constant 0 : i32
      %dma_wait3A_203 = tpu.memref_slice %arg6[%add3A_133, %dma_wait3A_202] : memref<250x40xi32, #tpu.memory_space<vmem>> -> memref<1x40xi32, #tpu.memory_space<vmem>>
      %dma_wait3A_204 = tpu.memref_squeeze %dma_wait3A_203 : memref<1x40xi32, #tpu.memory_space<vmem>> -> memref<40xi32, #tpu.memory_space<vmem>>
      %dma_wait3A_205 = arith.constant 0 : i32
      %dma_wait3A_206 = arith.constant 0 : i32
      %dma_wait3A_207 = tpu.memref_slice %arg2[%dma_wait3A_205, %dma_wait3A_206] : memref<10000x128xf32, #tpu.memory_space<hbm>> -> memref<10000x128xf32, #tpu.memory_space<hbm>>
      tpu.wait_indirect_dma semaphore(%arg11 : memref<!tpu.dma_semaphore, #tpu.memory_space<semaphore_mem>>) src(%dma_wait3A_207 : memref<10000x128xf32, #tpu.memory_space<hbm>>) dst(%dma_wait3A_201 : memref<40x128xf32, #tpu.memory_space<vmem>>)
      %add3A_208 = arith.constant 0 : i32
      %add3A_209 = arith.addi %mul3A_131, %add3A_208 : i32
      %dma_start3A_210 = arith.constant 0 : i32
      %dma_start3A_211 = arith.constant 0 : i32
      %dma_start3A_212 = arith.constant 0 : i32
      %dma_start3A_213 = tpu.memref_slice %arg8[%dma_start3A_210, %dma_start3A_211, %dma_start3A_212] : memref<5x40x128xf32, #tpu.memory_space<vmem>> -> memref<1x40x128xf32, #tpu.memory_space<vmem>>
      %dma_start3A_214 = tpu.memref_squeeze %dma_start3A_213 : memref<1x40x128xf32, #tpu.memory_space<vmem>> -> memref<40x128xf32, #tpu.memory_space<vmem>>
      %dma_start3A_215 = arith.constant 0 : i32
      %dma_start3A_216 = tpu.memref_slice %arg7[%add3A_209, %dma_start3A_215] : memref<250x40xi32, #tpu.memory_space<vmem>> -> memref<1x40xi32, #tpu.memory_space<vmem>>
      %dma_start3A_217 = tpu.memref_squeeze %dma_start3A_216 : memref<1x40xi32, #tpu.memory_space<vmem>> -> memref<40xi32, #tpu.memory_space<vmem>>
      %dma_start3A_218 = arith.constant 0 : i32
      %dma_start3A_219 = arith.constant 0 : i32
      %dma_start3A_220 = tpu.memref_slice %arg9[%dma_start3A_218, %dma_start3A_219] : memref<10240x128xf32, #tpu.memory_space<vmem_shared>> -> memref<10240x128xf32, #tpu.memory_space<vmem_shared>>
      tpu.enqueue_indirect_dma source(%dma_start3A_214 : memref<40x128xf32, #tpu.memory_space<vmem>>) target(%dma_start3A_220 : memref<10240x128xf32, #tpu.memory_space<vmem_shared>>) offsets(%dma_start3A_217 : memref<40xi32, #tpu.memory_space<vmem>>) semaphore(%arg16 : memref<!tpu.dma_semaphore, #tpu.memory_space<semaphore_mem>>) {add = true}
      %dma_wait3A_221 = arith.constant 1 : i32
      %dma_wait3A_222 = arith.constant 0 : i32
      %dma_wait3A_223 = arith.constant 0 : i32
      %dma_wait3A_224 = tpu.memref_slice %arg8[%dma_wait3A_221, %dma_wait3A_222, %dma_wait3A_223] : memref<5x40x128xf32, #tpu.memory_space<vmem>> -> memref<1x40x128xf32, #tpu.memory_space<vmem>>
      %dma_wait3A_225 = tpu.memref_squeeze %dma_wait3A_224 : memref<1x40x128xf32, #tpu.memory_space<vmem>> -> memref<40x128xf32, #tpu.memory_space<vmem>>
      %dma_wait3A_226 = arith.constant 0 : i32
      %dma_wait3A_227 = tpu.memref_slice %arg6[%add3A_146, %dma_wait3A_226] : memref<250x40xi32, #tpu.memory_space<vmem>> -> memref<1x40xi32, #tpu.memory_space<vmem>>
      %dma_wait3A_228 = tpu.memref_squeeze %dma_wait3A_227 : memref<1x40xi32, #tpu.memory_space<vmem>> -> memref<40xi32, #tpu.memory_space<vmem>>
      %dma_wait3A_229 = arith.constant 0 : i32
      %dma_wait3A_230 = arith.constant 0 : i32
      %dma_wait3A_231 = tpu.memref_slice %arg2[%dma_wait3A_229, %dma_wait3A_230] : memref<10000x128xf32, #tpu.memory_space<hbm>> -> memref<10000x128xf32, #tpu.memory_space<hbm>>
      tpu.wait_indirect_dma semaphore(%arg12 : memref<!tpu.dma_semaphore, #tpu.memory_space<semaphore_mem>>) src(%dma_wait3A_231 : memref<10000x128xf32, #tpu.memory_space<hbm>>) dst(%dma_wait3A_225 : memref<40x128xf32, #tpu.memory_space<vmem>>)
      %add3A_232 = arith.constant 1 : i32
      %add3A_233 = arith.addi %mul3A_131, %add3A_232 : i32
      %dma_start3A_234 = arith.constant 1 : i32
      %dma_start3A_235 = arith.constant 0 : i32
      %dma_start3A_236 = arith.constant 0 : i32
      %dma_start3A_237 = tpu.memref_slice %arg8[%dma_start3A_234, %dma_start3A_235, %dma_start3A_236] : memref<5x40x128xf32, #tpu.memory_space<vmem>> -> memref<1x40x128xf32, #tpu.memory_space<vmem>>
      %dma_start3A_238 = tpu.memref_squeeze %dma_start3A_237 : memref<1x40x128xf32, #tpu.memory_space<vmem>> -> memref<40x128xf32, #tpu.memory_space<vmem>>
      %dma_start3A_239 = arith.constant 0 : i32
      %dma_start3A_240 = tpu.memref_slice %arg7[%add3A_233, %dma_start3A_239] : memref<250x40xi32, #tpu.memory_space<vmem>> -> memref<1x40xi32, #tpu.memory_space<vmem>>
      %dma_start3A_241 = tpu.memref_squeeze %dma_start3A_240 : memref<1x40xi32, #tpu.memory_space<vmem>> -> memref<40xi32, #tpu.memory_space<vmem>>
      %dma_start3A_242 = arith.constant 0 : i32
      %dma_start3A_243 = arith.constant 0 : i32
      %dma_start3A_244 = tpu.memref_slice %arg9[%dma_start3A_242, %dma_start3A_243] : memref<10240x128xf32, #tpu.memory_space<vmem_shared>> -> memref<10240x128xf32, #tpu.memory_space<vmem_shared>>
      tpu.enqueue_indirect_dma source(%dma_start3A_238 : memref<40x128xf32, #tpu.memory_space<vmem>>) target(%dma_start3A_244 : memref<10240x128xf32, #tpu.memory_space<vmem_shared>>) offsets(%dma_start3A_241 : memref<40xi32, #tpu.memory_space<vmem>>) semaphore(%arg17 : memref<!tpu.dma_semaphore, #tpu.memory_space<semaphore_mem>>) {add = true}
      %dma_wait3A_245 = arith.constant 2 : i32
      %dma_wait3A_246 = arith.constant 0 : i32
      %dma_wait3A_247 = arith.constant 0 : i32
      %dma_wait3A_248 = tpu.memref_slice %arg8[%dma_wait3A_245, %dma_wait3A_246, %dma_wait3A_247] : memref<5x40x128xf32, #tpu.memory_space<vmem>> -> memref<1x40x128xf32, #tpu.memory_space<vmem>>
      %dma_wait3A_249 = tpu.memref_squeeze %dma_wait3A_248 : memref<1x40x128xf32, #tpu.memory_space<vmem>> -> memref<40x128xf32, #tpu.memory_space<vmem>>
      %dma_wait3A_250 = arith.constant 0 : i32
      %dma_wait3A_251 = tpu.memref_slice %arg6[%add3A_159, %dma_wait3A_250] : memref<250x40xi32, #tpu.memory_space<vmem>> -> memref<1x40xi32, #tpu.memory_space<vmem>>
      %dma_wait3A_252 = tpu.memref_squeeze %dma_wait3A_251 : memref<1x40xi32, #tpu.memory_space<vmem>> -> memref<40xi32, #tpu.memory_space<vmem>>
      %dma_wait3A_253 = arith.constant 0 : i32
      %dma_wait3A_254 = arith.constant 0 : i32
      %dma_wait3A_255 = tpu.memref_slice %arg2[%dma_wait3A_253, %dma_wait3A_254] : memref<10000x128xf32, #tpu.memory_space<hbm>> -> memref<10000x128xf32, #tpu.memory_space<hbm>>
      tpu.wait_indirect_dma semaphore(%arg13 : memref<!tpu.dma_semaphore, #tpu.memory_space<semaphore_mem>>) src(%dma_wait3A_255 : memref<10000x128xf32, #tpu.memory_space<hbm>>) dst(%dma_wait3A_249 : memref<40x128xf32, #tpu.memory_space<vmem>>)
      %add3A_256 = arith.constant 2 : i32
      %add3A_257 = arith.addi %mul3A_131, %add3A_256 : i32
      %dma_start3A_258 = arith.constant 2 : i32
      %dma_start3A_259 = arith.constant 0 : i32
      %dma_start3A_260 = arith.constant 0 : i32
      %dma_start3A_261 = tpu.memref_slice %arg8[%dma_start3A_258, %dma_start3A_259, %dma_start3A_260] : memref<5x40x128xf32, #tpu.memory_space<vmem>> -> memref<1x40x128xf32, #tpu.memory_space<vmem>>
      %dma_start3A_262 = tpu.memref_squeeze %dma_start3A_261 : memref<1x40x128xf32, #tpu.memory_space<vmem>> -> memref<40x128xf32, #tpu.memory_space<vmem>>
      %dma_start3A_263 = arith.constant 0 : i32
      %dma_start3A_264 = tpu.memref_slice %arg7[%add3A_257, %dma_start3A_263] : memref<250x40xi32, #tpu.memory_space<vmem>> -> memref<1x40xi32, #tpu.memory_space<vmem>>
      %dma_start3A_265 = tpu.memref_squeeze %dma_start3A_264 : memref<1x40xi32, #tpu.memory_space<vmem>> -> memref<40xi32, #tpu.memory_space<vmem>>
      %dma_start3A_266 = arith.constant 0 : i32
      %dma_start3A_267 = arith.constant 0 : i32
      %dma_start3A_268 = tpu.memref_slice %arg9[%dma_start3A_266, %dma_start3A_267] : memref<10240x128xf32, #tpu.memory_space<vmem_shared>> -> memref<10240x128xf32, #tpu.memory_space<vmem_shared>>
      tpu.enqueue_indirect_dma source(%dma_start3A_262 : memref<40x128xf32, #tpu.memory_space<vmem>>) target(%dma_start3A_268 : memref<10240x128xf32, #tpu.memory_space<vmem_shared>>) offsets(%dma_start3A_265 : memref<40xi32, #tpu.memory_space<vmem>>) semaphore(%arg18 : memref<!tpu.dma_semaphore, #tpu.memory_space<semaphore_mem>>) {add = true}
      %dma_wait3A_269 = arith.constant 3 : i32
      %dma_wait3A_270 = arith.constant 0 : i32
      %dma_wait3A_271 = arith.constant 0 : i32
      %dma_wait3A_272 = tpu.memref_slice %arg8[%dma_wait3A_269, %dma_wait3A_270, %dma_wait3A_271] : memref<5x40x128xf32, #tpu.memory_space<vmem>> -> memref<1x40x128xf32, #tpu.memory_space<vmem>>
      %dma_wait3A_273 = tpu.memref_squeeze %dma_wait3A_272 : memref<1x40x128xf32, #tpu.memory_space<vmem>> -> memref<40x128xf32, #tpu.memory_space<vmem>>
      %dma_wait3A_274 = arith.constant 0 : i32
      %dma_wait3A_275 = tpu.memref_slice %arg6[%add3A_172, %dma_wait3A_274] : memref<250x40xi32, #tpu.memory_space<vmem>> -> memref<1x40xi32, #tpu.memory_space<vmem>>
      %dma_wait3A_276 = tpu.memref_squeeze %dma_wait3A_275 : memref<1x40xi32, #tpu.memory_space<vmem>> -> memref<40xi32, #tpu.memory_space<vmem>>
      %dma_wait3A_277 = arith.constant 0 : i32
      %dma_wait3A_278 = arith.constant 0 : i32
      %dma_wait3A_279 = tpu.memref_slice %arg2[%dma_wait3A_277, %dma_wait3A_278] : memref<10000x128xf32, #tpu.memory_space<hbm>> -> memref<10000x128xf32, #tpu.memory_space<hbm>>
      tpu.wait_indirect_dma semaphore(%arg14 : memref<!tpu.dma_semaphore, #tpu.memory_space<semaphore_mem>>) src(%dma_wait3A_279 : memref<10000x128xf32, #tpu.memory_space<hbm>>) dst(%dma_wait3A_273 : memref<40x128xf32, #tpu.memory_space<vmem>>)
      %add3A_280 = arith.constant 3 : i32
      %add3A_281 = arith.addi %mul3A_131, %add3A_280 : i32
      %dma_start3A_282 = arith.constant 3 : i32
      %dma_start3A_283 = arith.constant 0 : i32
      %dma_start3A_284 = arith.constant 0 : i32
      %dma_start3A_285 = tpu.memref_slice %arg8[%dma_start3A_282, %dma_start3A_283, %dma_start3A_284] : memref<5x40x128xf32, #tpu.memory_space<vmem>> -> memref<1x40x128xf32, #tpu.memory_space<vmem>>
      %dma_start3A_286 = tpu.memref_squeeze %dma_start3A_285 : memref<1x40x128xf32, #tpu.memory_space<vmem>> -> memref<40x128xf32, #tpu.memory_space<vmem>>
      %dma_start3A_287 = arith.constant 0 : i32
      %dma_start3A_288 = tpu.memref_slice %arg7[%add3A_281, %dma_start3A_287] : memref<250x40xi32, #tpu.memory_space<vmem>> -> memref<1x40xi32, #tpu.memory_space<vmem>>
      %dma_start3A_289 = tpu.memref_squeeze %dma_start3A_288 : memref<1x40xi32, #tpu.memory_space<vmem>> -> memref<40xi32, #tpu.memory_space<vmem>>
      %dma_start3A_290 = arith.constant 0 : i32
      %dma_start3A_291 = arith.constant 0 : i32
      %dma_start3A_292 = tpu.memref_slice %arg9[%dma_start3A_290, %dma_start3A_291] : memref<10240x128xf32, #tpu.memory_space<vmem_shared>> -> memref<10240x128xf32, #tpu.memory_space<vmem_shared>>
      tpu.enqueue_indirect_dma source(%dma_start3A_286 : memref<40x128xf32, #tpu.memory_space<vmem>>) target(%dma_start3A_292 : memref<10240x128xf32, #tpu.memory_space<vmem_shared>>) offsets(%dma_start3A_289 : memref<40xi32, #tpu.memory_space<vmem>>) semaphore(%arg19 : memref<!tpu.dma_semaphore, #tpu.memory_space<semaphore_mem>>) {add = true}
      %dma_wait3A_293 = arith.constant 4 : i32
      %dma_wait3A_294 = arith.constant 0 : i32
      %dma_wait3A_295 = arith.constant 0 : i32
      %dma_wait3A_296 = tpu.memref_slice %arg8[%dma_wait3A_293, %dma_wait3A_294, %dma_wait3A_295] : memref<5x40x128xf32, #tpu.memory_space<vmem>> -> memref<1x40x128xf32, #tpu.memory_space<vmem>>
      %dma_wait3A_297 = tpu.memref_squeeze %dma_wait3A_296 : memref<1x40x128xf32, #tpu.memory_space<vmem>> -> memref<40x128xf32, #tpu.memory_space<vmem>>
      %dma_wait3A_298 = arith.constant 0 : i32
      %dma_wait3A_299 = tpu.memref_slice %arg6[%add3A_185, %dma_wait3A_298] : memref<250x40xi32, #tpu.memory_space<vmem>> -> memref<1x40xi32, #tpu.memory_space<vmem>>
      %dma_wait3A_300 = tpu.memref_squeeze %dma_wait3A_299 : memref<1x40xi32, #tpu.memory_space<vmem>> -> memref<40xi32, #tpu.memory_space<vmem>>
      %dma_wait3A_301 = arith.constant 0 : i32
      %dma_wait3A_302 = arith.constant 0 : i32
      %dma_wait3A_303 = tpu.memref_slice %arg2[%dma_wait3A_301, %dma_wait3A_302] : memref<10000x128xf32, #tpu.memory_space<hbm>> -> memref<10000x128xf32, #tpu.memory_space<hbm>>
      tpu.wait_indirect_dma semaphore(%arg15 : memref<!tpu.dma_semaphore, #tpu.memory_space<semaphore_mem>>) src(%dma_wait3A_303 : memref<10000x128xf32, #tpu.memory_space<hbm>>) dst(%dma_wait3A_297 : memref<40x128xf32, #tpu.memory_space<vmem>>)
      %add3A_304 = arith.constant 4 : i32
      %add3A_305 = arith.addi %mul3A_131, %add3A_304 : i32
      %dma_start3A_306 = arith.constant 4 : i32
      %dma_start3A_307 = arith.constant 0 : i32
      %dma_start3A_308 = arith.constant 0 : i32
      %dma_start3A_309 = tpu.memref_slice %arg8[%dma_start3A_306, %dma_start3A_307, %dma_start3A_308] : memref<5x40x128xf32, #tpu.memory_space<vmem>> -> memref<1x40x128xf32, #tpu.memory_space<vmem>>
      %dma_start3A_310 = tpu.memref_squeeze %dma_start3A_309 : memref<1x40x128xf32, #tpu.memory_space<vmem>> -> memref<40x128xf32, #tpu.memory_space<vmem>>
      %dma_start3A_311 = arith.constant 0 : i32
      %dma_start3A_312 = tpu.memref_slice %arg7[%add3A_305, %dma_start3A_311] : memref<250x40xi32, #tpu.memory_space<vmem>> -> memref<1x40xi32, #tpu.memory_space<vmem>>
      %dma_start3A_313 = tpu.memref_squeeze %dma_start3A_312 : memref<1x40xi32, #tpu.memory_space<vmem>> -> memref<40xi32, #tpu.memory_space<vmem>>
      %dma_start3A_314 = arith.constant 0 : i32
      %dma_start3A_315 = arith.constant 0 : i32
      %dma_start3A_316 = tpu.memref_slice %arg9[%dma_start3A_314, %dma_start3A_315] : memref<10240x128xf32, #tpu.memory_space<vmem_shared>> -> memref<10240x128xf32, #tpu.memory_space<vmem_shared>>
      tpu.enqueue_indirect_dma source(%dma_start3A_310 : memref<40x128xf32, #tpu.memory_space<vmem>>) target(%dma_start3A_316 : memref<10240x128xf32, #tpu.memory_space<vmem_shared>>) offsets(%dma_start3A_313 : memref<40xi32, #tpu.memory_space<vmem>>) semaphore(%arg20 : memref<!tpu.dma_semaphore, #tpu.memory_space<semaphore_mem>>) {add = true}
      %dma_wait3A_317 = arith.constant 0 : i32
      %dma_wait3A_318 = arith.constant 0 : i32
      %dma_wait3A_319 = arith.constant 0 : i32
      %dma_wait3A_320 = tpu.memref_slice %arg8[%dma_wait3A_317, %dma_wait3A_318, %dma_wait3A_319] : memref<5x40x128xf32, #tpu.memory_space<vmem>> -> memref<1x40x128xf32, #tpu.memory_space<vmem>>
      %dma_wait3A_321 = tpu.memref_squeeze %dma_wait3A_320 : memref<1x40x128xf32, #tpu.memory_space<vmem>> -> memref<40x128xf32, #tpu.memory_space<vmem>>
      %dma_wait3A_322 = arith.constant 0 : i32
      %dma_wait3A_323 = tpu.memref_slice %arg7[%add3A_209, %dma_wait3A_322] : memref<250x40xi32, #tpu.memory_space<vmem>> -> memref<1x40xi32, #tpu.memory_space<vmem>>
      %dma_wait3A_324 = tpu.memref_squeeze %dma_wait3A_323 : memref<1x40xi32, #tpu.memory_space<vmem>> -> memref<40xi32, #tpu.memory_space<vmem>>
      %dma_wait3A_325 = arith.constant 0 : i32
      %dma_wait3A_326 = arith.constant 0 : i32
      %dma_wait3A_327 = tpu.memref_slice %arg9[%dma_wait3A_325, %dma_wait3A_326] : memref<10240x128xf32, #tpu.memory_space<vmem_shared>> -> memref<10240x128xf32, #tpu.memory_space<vmem_shared>>
      tpu.wait_indirect_dma semaphore(%arg16 : memref<!tpu.dma_semaphore, #tpu.memory_space<semaphore_mem>>) src(%dma_wait3A_321 : memref<40x128xf32, #tpu.memory_space<vmem>>) dst(%dma_wait3A_327 : memref<10240x128xf32, #tpu.memory_space<vmem_shared>>)
      %dma_wait3A_328 = arith.constant 1 : i32
      %dma_wait3A_329 = arith.constant 0 : i32
      %dma_wait3A_330 = arith.constant 0 : i32
      %dma_wait3A_331 = tpu.memref_slice %arg8[%dma_wait3A_328, %dma_wait3A_329, %dma_wait3A_330] : memref<5x40x128xf32, #tpu.memory_space<vmem>> -> memref<1x40x128xf32, #tpu.memory_space<vmem>>
      %dma_wait3A_332 = tpu.memref_squeeze %dma_wait3A_331 : memref<1x40x128xf32, #tpu.memory_space<vmem>> -> memref<40x128xf32, #tpu.memory_space<vmem>>
      %dma_wait3A_333 = arith.constant 0 : i32
      %dma_wait3A_334 = tpu.memref_slice %arg7[%add3A_233, %dma_wait3A_333] : memref<250x40xi32, #tpu.memory_space<vmem>> -> memref<1x40xi32, #tpu.memory_space<vmem>>
      %dma_wait3A_335 = tpu.memref_squeeze %dma_wait3A_334 : memref<1x40xi32, #tpu.memory_space<vmem>> -> memref<40xi32, #tpu.memory_space<vmem>>
      %dma_wait3A_336 = arith.constant 0 : i32
      %dma_wait3A_337 = arith.constant 0 : i32
      %dma_wait3A_338 = tpu.memref_slice %arg9[%dma_wait3A_336, %dma_wait3A_337] : memref<10240x128xf32, #tpu.memory_space<vmem_shared>> -> memref<10240x128xf32, #tpu.memory_space<vmem_shared>>
      tpu.wait_indirect_dma semaphore(%arg17 : memref<!tpu.dma_semaphore, #tpu.memory_space<semaphore_mem>>) src(%dma_wait3A_332 : memref<40x128xf32, #tpu.memory_space<vmem>>) dst(%dma_wait3A_338 : memref<10240x128xf32, #tpu.memory_space<vmem_shared>>)
      %dma_wait3A_339 = arith.constant 2 : i32
      %dma_wait3A_340 = arith.constant 0 : i32
      %dma_wait3A_341 = arith.constant 0 : i32
      %dma_wait3A_342 = tpu.memref_slice %arg8[%dma_wait3A_339, %dma_wait3A_340, %dma_wait3A_341] : memref<5x40x128xf32, #tpu.memory_space<vmem>> -> memref<1x40x128xf32, #tpu.memory_space<vmem>>
      %dma_wait3A_343 = tpu.memref_squeeze %dma_wait3A_342 : memref<1x40x128xf32, #tpu.memory_space<vmem>> -> memref<40x128xf32, #tpu.memory_space<vmem>>
      %dma_wait3A_344 = arith.constant 0 : i32
      %dma_wait3A_345 = tpu.memref_slice %arg7[%add3A_257, %dma_wait3A_344] : memref<250x40xi32, #tpu.memory_space<vmem>> -> memref<1x40xi32, #tpu.memory_space<vmem>>
      %dma_wait3A_346 = tpu.memref_squeeze %dma_wait3A_345 : memref<1x40xi32, #tpu.memory_space<vmem>> -> memref<40xi32, #tpu.memory_space<vmem>>
      %dma_wait3A_347 = arith.constant 0 : i32
      %dma_wait3A_348 = arith.constant 0 : i32
      %dma_wait3A_349 = tpu.memref_slice %arg9[%dma_wait3A_347, %dma_wait3A_348] : memref<10240x128xf32, #tpu.memory_space<vmem_shared>> -> memref<10240x128xf32, #tpu.memory_space<vmem_shared>>
      tpu.wait_indirect_dma semaphore(%arg18 : memref<!tpu.dma_semaphore, #tpu.memory_space<semaphore_mem>>) src(%dma_wait3A_343 : memref<40x128xf32, #tpu.memory_space<vmem>>) dst(%dma_wait3A_349 : memref<10240x128xf32, #tpu.memory_space<vmem_shared>>)
      %dma_wait3A_350 = arith.constant 3 : i32
      %dma_wait3A_351 = arith.constant 0 : i32
      %dma_wait3A_352 = arith.constant 0 : i32
      %dma_wait3A_353 = tpu.memref_slice %arg8[%dma_wait3A_350, %dma_wait3A_351, %dma_wait3A_352] : memref<5x40x128xf32, #tpu.memory_space<vmem>> -> memref<1x40x128xf32, #tpu.memory_space<vmem>>
      %dma_wait3A_354 = tpu.memref_squeeze %dma_wait3A_353 : memref<1x40x128xf32, #tpu.memory_space<vmem>> -> memref<40x128xf32, #tpu.memory_space<vmem>>
      %dma_wait3A_355 = arith.constant 0 : i32
      %dma_wait3A_356 = tpu.memref_slice %arg7[%add3A_281, %dma_wait3A_355] : memref<250x40xi32, #tpu.memory_space<vmem>> -> memref<1x40xi32, #tpu.memory_space<vmem>>
      %dma_wait3A_357 = tpu.memref_squeeze %dma_wait3A_356 : memref<1x40xi32, #tpu.memory_space<vmem>> -> memref<40xi32, #tpu.memory_space<vmem>>
      %dma_wait3A_358 = arith.constant 0 : i32
      %dma_wait3A_359 = arith.constant 0 : i32
      %dma_wait3A_360 = tpu.memref_slice %arg9[%dma_wait3A_358, %dma_wait3A_359] : memref<10240x128xf32, #tpu.memory_space<vmem_shared>> -> memref<10240x128xf32, #tpu.memory_space<vmem_shared>>
      tpu.wait_indirect_dma semaphore(%arg19 : memref<!tpu.dma_semaphore, #tpu.memory_space<semaphore_mem>>) src(%dma_wait3A_354 : memref<40x128xf32, #tpu.memory_space<vmem>>) dst(%dma_wait3A_360 : memref<10240x128xf32, #tpu.memory_space<vmem_shared>>)
      %dma_wait3A_361 = arith.constant 4 : i32
      %dma_wait3A_362 = arith.constant 0 : i32
      %dma_wait3A_363 = arith.constant 0 : i32
      %dma_wait3A_364 = tpu.memref_slice %arg8[%dma_wait3A_361, %dma_wait3A_362, %dma_wait3A_363] : memref<5x40x128xf32, #tpu.memory_space<vmem>> -> memref<1x40x128xf32, #tpu.memory_space<vmem>>
      %dma_wait3A_365 = tpu.memref_squeeze %dma_wait3A_364 : memref<1x40x128xf32, #tpu.memory_space<vmem>> -> memref<40x128xf32, #tpu.memory_space<vmem>>
      %dma_wait3A_366 = arith.constant 0 : i32
      %dma_wait3A_367 = tpu.memref_slice %arg7[%add3A_305, %dma_wait3A_366] : memref<250x40xi32, #tpu.memory_space<vmem>> -> memref<1x40xi32, #tpu.memory_space<vmem>>
      %dma_wait3A_368 = tpu.memref_squeeze %dma_wait3A_367 : memref<1x40xi32, #tpu.memory_space<vmem>> -> memref<40xi32, #tpu.memory_space<vmem>>
      %dma_wait3A_369 = arith.constant 0 : i32
      %dma_wait3A_370 = arith.constant 0 : i32
      %dma_wait3A_371 = tpu.memref_slice %arg9[%dma_wait3A_369, %dma_wait3A_370] : memref<10240x128xf32, #tpu.memory_space<vmem_shared>> -> memref<10240x128xf32, #tpu.memory_space<vmem_shared>>
      tpu.wait_indirect_dma semaphore(%arg20 : memref<!tpu.dma_semaphore, #tpu.memory_space<semaphore_mem>>) src(%dma_wait3A_365 : memref<40x128xf32, #tpu.memory_space<vmem>>) dst(%dma_wait3A_371 : memref<10240x128xf32, #tpu.memory_space<vmem_shared>>)
      %scan3A_372 = arith.constant 0 : i32
      scf.yield %scan3A_372 : i32
    }
    %scan3A_122 = arith.constant 50 : i32
    %barrier3A_123 = arith.constant 0 : index
    tpu.barrier barrier_id(%barrier3A_123)
    %mul3A_124 = arith.constant 640 : i32
    %mul3A_125 = arith.muli %arg1, %mul3A_124 : i32
    %mul3A_126 = arith.constant 640 : i32
    %mul3A_127 = arith.muli %arg1, %mul3A_126 : i32
    "tpu.region"() ({
      %run_scoped3A_128 = tpu.sem_alloc : memref<!tpu.dma_semaphore, #tpu.memory_space<semaphore_mem>>
      %dma_start3A_129 = arith.constant 0 : i32
      %dma_start3A_130 = tpu.memref_slice %arg5[%arg0, %mul3A_127, %dma_start3A_129] : memref<2x10240x128xf32, #tpu.memory_space<hbm>> -> memref<1x640x128xf32, #tpu.memory_space<hbm>>
      %dma_start3A_131 = tpu.memref_squeeze %dma_start3A_130 : memref<1x640x128xf32, #tpu.memory_space<hbm>> -> memref<640x128xf32, #tpu.memory_space<hbm>>
      %dma_start3A_132 = arith.constant 0 : i32
      %dma_start3A_133 = tpu.memref_slice %arg9[%mul3A_125, %dma_start3A_132] : memref<10240x128xf32, #tpu.memory_space<vmem_shared>> -> memref<640x128xf32, #tpu.memory_space<vmem_shared>>
      tpu.enqueue_dma source(%dma_start3A_133 : memref<640x128xf32, #tpu.memory_space<vmem_shared>>) target(%dma_start3A_131 : memref<640x128xf32, #tpu.memory_space<hbm>>) target_semaphore(%run_scoped3A_128 : memref<!tpu.dma_semaphore, #tpu.memory_space<semaphore_mem>>)
      %dma_wait3A_134 = arith.constant 0 : i32
      %dma_wait3A_135 = tpu.memref_slice %arg5[%arg0, %mul3A_127, %dma_wait3A_134] : memref<2x10240x128xf32, #tpu.memory_space<hbm>> -> memref<1x640x128xf32, #tpu.memory_space<hbm>>
      %dma_wait3A_136 = tpu.memref_squeeze %dma_wait3A_135 : memref<1x640x128xf32, #tpu.memory_space<hbm>> -> memref<640x128xf32, #tpu.memory_space<hbm>>
      %dma_wait3A_137 = arith.constant 0 : i32
      %dma_wait3A_138 = tpu.memref_slice %arg9[%mul3A_125, %dma_wait3A_137] : memref<10240x128xf32, #tpu.memory_space<vmem_shared>> -> memref<640x128xf32, #tpu.memory_space<vmem_shared>>
      tpu.wait_dma2 semaphore(%run_scoped3A_128 : memref<!tpu.dma_semaphore, #tpu.memory_space<semaphore_mem>>) src(%dma_wait3A_138 : memref<640x128xf32, #tpu.memory_space<vmem_shared>>) dst(%dma_wait3A_136 : memref<640x128xf32, #tpu.memory_space<hbm>>)
      tpu.yield
    }) : () -> ()
    return
  }
}

module attributes {stable_mosaic.version = 14 : i64} {
  func.func @_scale_body(%arg0: i32, %arg1: memref<1000x2xf32, #tpu.memory_space<vmem>>, %arg2: memref<1000x128xf32, #tpu.memory_space<vmem>>, %arg3: memref<1000x128xf32, #tpu.memory_space<vmem>>) attributes {dimension_semantics = [#tpu.dimension_semantics<arbitrary>], iteration_bounds = array<i64: 10>, scalar_prefetch = 0 : i64, scratch_operands = 0 : i64, tpu.core_type = #tpu.core_type<tc>, window_params = [{transform_indices = @transform_0, window_bounds = array<i64: 1000, 2>}, {transform_indices = @transform_1, window_bounds = array<i64: 1000, 128>}, {transform_indices = @transform_2, window_bounds = array<i64: 1000, 128>}]} {
    %get3A = arith.constant 0 : index
    %get3A_0 = arith.constant 0 : index
    %get3A_1 = vector.load %arg2[%get3A, %get3A_0] : memref<1000x128xf32, #tpu.memory_space<vmem>>, vector<1000x128xf32>
    %get3A_2 = arith.constant 0 : index
    %get3A_3 = arith.constant 0 : index
    %get3A_4 = vector.load %arg1[%get3A_2, %get3A_3] : memref<1000x2xf32, #tpu.memory_space<vmem>>, vector<1000x2xf32>
    %slice3A = vector.extract_strided_slice %get3A_4 {offsets = [0, 0], sizes = [1000, 1], strides = [1, 1]} : vector<1000x2xf32> to vector<1000x1xf32>
    %slice3A_5 = vector.extract_strided_slice %get3A_4 {offsets = [0, 1], sizes = [1000, 1], strides = [1, 1]} : vector<1000x2xf32> to vector<1000x1xf32>
    %add3A = arith.addf %slice3A, %slice3A_5 : vector<1000x1xf32>
    %max3A = arith.constant 1.000000e+00 : f32
    %max3A_6 = vector.broadcast %max3A : f32 to vector<1000x1xf32>
    %max3A_7 = arith.maximumf %add3A, %max3A_6 : vector<1000x1xf32>
    %rsqrt3A = math.rsqrt %max3A_7 : vector<1000x1xf32>
    %mul3A = vector.broadcast %rsqrt3A : vector<1000x1xf32> to vector<1000x128xf32>
    %mul3A_8 = arith.mulf %get3A_1, %mul3A : vector<1000x128xf32>
    %swap3A = arith.constant 0 : index
    %swap3A_9 = arith.constant 0 : index
    %swap3A_10 = vector.load %arg3[%swap3A, %swap3A_9] : memref<1000x128xf32, #tpu.memory_space<vmem>>, vector<1000x128xf32>
    tpu.vector_store %arg3[%swap3A, %swap3A_9], %mul3A_8 {strides = array<i32>} : memref<1000x128xf32, #tpu.memory_space<vmem>>, vector<1000x128xf32>,
    return
  }
  func.func @transform_0(%arg0: i32) -> (i32, i32) {
    %c0_i32 = arith.constant 0 : i32
    %c0_i32_0 = arith.constant 0 : i32
    return %arg0, %c0_i32 : i32, i32
  }
  func.func @transform_1(%arg0: i32) -> (i32, i32) {
    %c0_i32 = arith.constant 0 : i32
    %c0_i32_0 = arith.constant 0 : i32
    return %arg0, %c0_i32 : i32, i32
  }
  func.func @transform_2(%arg0: i32) -> (i32, i32) {
    %c0_i32 = arith.constant 0 : i32
    %c0_i32_0 = arith.constant 0 : i32
    return %arg0, %c0_i32 : i32, i32
  }
}

module attributes {stable_mosaic.version = 14 : i64} {
  func.func @_mid_body(%arg0: i32, %arg1: memref<2x1000x128xf32, #tpu.memory_space<vmem>>, %arg2: memref<1000x2xf32, #tpu.memory_space<vmem>>, %arg3: memref<128x128xf32, #tpu.memory_space<vmem>>, %arg4: memref<1x128xf32, #tpu.memory_space<vmem>>, %arg5: memref<128x64xf32, #tpu.memory_space<vmem>>, %arg6: memref<1000x64xf32, #tpu.memory_space<vmem>>) attributes {dimension_semantics = [#tpu.dimension_semantics<arbitrary>], iteration_bounds = array<i64: 10>, scalar_prefetch = 0 : i64, scratch_operands = 0 : i64, tpu.core_type = #tpu.core_type<tc>, window_params = [{transform_indices = @transform_0, window_bounds = array<i64: 2, 1000, 128>}, {transform_indices = @transform_1, window_bounds = array<i64: 1000, 2>}, {pipeline_mode = #tpu.pipeline_mode<synchronous>, transform_indices = @transform_2, window_bounds = array<i64: 128, 128>}, {pipeline_mode = #tpu.pipeline_mode<synchronous>, transform_indices = @transform_3, window_bounds = array<i64: 1, 128>}, {pipeline_mode = #tpu.pipeline_mode<synchronous>, transform_indices = @transform_4, window_bounds = array<i64: 128, 64>}, {transform_indices = @transform_5, window_bounds = array<i64: 1000, 64>}]} {
    %get3A = arith.constant 0 : index
    %get3A_0 = arith.constant 0 : index
    %get3A_1 = vector.load %arg2[%get3A, %get3A_0] : memref<1000x2xf32, #tpu.memory_space<vmem>>, vector<1000x2xf32>
    %slice3A = vector.extract_strided_slice %get3A_1 {offsets = [0, 0], sizes = [1000, 1], strides = [1, 1]} : vector<1000x2xf32> to vector<1000x1xf32>
    %slice3A_2 = vector.extract_strided_slice %get3A_1 {offsets = [0, 1], sizes = [1000, 1], strides = [1, 1]} : vector<1000x2xf32> to vector<1000x1xf32>
    %add3A = arith.addf %slice3A, %slice3A_2 : vector<1000x1xf32>
    %max3A = arith.constant 1.000000e+00 : f32
    %max3A_3 = vector.broadcast %max3A : f32 to vector<1000x1xf32>
    %max3A_4 = arith.maximumf %add3A, %max3A_3 : vector<1000x1xf32>
    %rsqrt3A = math.rsqrt %max3A_4 : vector<1000x1xf32>
    %get3A_5 = arith.constant 0 : index
    %get3A_6 = arith.constant 0 : index
    %get3A_7 = arith.constant 0 : index
    %get3A_8 = vector.load %arg1[%get3A_5, %get3A_6, %get3A_7] : memref<2x1000x128xf32, #tpu.memory_space<vmem>>, vector<1x1000x128xf32>
    %get3A_9 = vector.shape_cast %get3A_8 : vector<1x1000x128xf32> to vector<1000x128xf32>
    %get3A_10 = arith.constant 1 : index
    %get3A_11 = arith.constant 0 : index
    %get3A_12 = arith.constant 0 : index
    %get3A_13 = vector.load %arg1[%get3A_10, %get3A_11, %get3A_12] : memref<2x1000x128xf32, #tpu.memory_space<vmem>>, vector<1x1000x128xf32>
    %get3A_14 = vector.shape_cast %get3A_13 : vector<1x1000x128xf32> to vector<1000x128xf32>
    %add3A_15 = arith.addf %get3A_9, %get3A_14 : vector<1000x128xf32>
    %mul3A = vector.broadcast %rsqrt3A : vector<1000x1xf32> to vector<1000x128xf32>
    %mul3A_16 = arith.mulf %add3A_15, %mul3A : vector<1000x128xf32>
    %get3A_17 = arith.constant 0 : index
    %get3A_18 = arith.constant 0 : index
    %get3A_19 = vector.load %arg3[%get3A_17, %get3A_18] : memref<128x128xf32, #tpu.memory_space<vmem>>, vector<128x128xf32>
    %dot_general3A = arith.constant dense<0.000000e+00> : vector<1000x128xf32>
    %dot_general3A_20 = tpu.matmul %mul3A_16, %get3A_19, %dot_general3A {dimension_numbers = #tpu.dot_dimension_numbers<[1], [0], [0], [1], [0, 0, 1, 1], [], []>, transpose_lhs_hint = false} : vector<1000x128xf32>, vector<128x128xf32>, vector<1000x128xf32> -> vector<1000x128xf32>
    %get3A_21 = arith.constant 0 : index
    %get3A_22 = arith.constant 0 : index
    %get3A_23 = vector.load %arg4[%get3A_21, %get3A_22] : memref<1x128xf32, #tpu.memory_space<vmem>>, vector<1x128xf32>
    %add3A_24 = vector.broadcast %get3A_23 : vector<1x128xf32> to vector<1000x128xf32>
    %add3A_25 = arith.addf %dot_general3A_20, %add3A_24 : vector<1000x128xf32>
    %gt3A = arith.constant 0.000000e+00 : f32
    %gt3A_26 = vector.broadcast %gt3A : f32 to vector<1000x128xf32>
    %gt3A_27 = arith.cmpf ogt, %add3A_25, %gt3A_26 : vector<1000x128xf32>
    %exp3A = math.exp %add3A_25 : vector<1000x128xf32>
    %sub3A = arith.constant 1.000000e+00 : f32
    %sub3A_28 = vector.broadcast %sub3A : f32 to vector<1000x128xf32>
    %sub3A_29 = arith.subf %exp3A, %sub3A_28 : vector<1000x128xf32>
    %select_n3A = arith.select %gt3A_27, %add3A_25, %sub3A_29 : vector<1000x128xi1>, vector<1000x128xf32>
    %get3A_30 = arith.constant 0 : index
    %get3A_31 = arith.constant 0 : index
    %get3A_32 = vector.load %arg5[%get3A_30, %get3A_31] : memref<128x64xf32, #tpu.memory_space<vmem>>, vector<128x64xf32>
    %dot_general3A_33 = arith.constant dense<0.000000e+00> : vector<1000x64xf32>
    %dot_general3A_34 = tpu.matmul %select_n3A, %get3A_32, %dot_general3A_33 {dimension_numbers = #tpu.dot_dimension_numbers<[1], [0], [0], [1], [0, 0, 1, 1], [], []>, transpose_lhs_hint = false} : vector<1000x128xf32>, vector<128x64xf32>, vector<1000x64xf32> -> vector<1000x64xf32>
    %mul3A_35 = vector.broadcast %rsqrt3A : vector<1000x1xf32> to vector<1000x64xf32>
    %mul3A_36 = arith.mulf %dot_general3A_34, %mul3A_35 : vector<1000x64xf32>
    %swap3A = arith.constant 0 : index
    %swap3A_37 = arith.constant 0 : index
    %swap3A_38 = vector.load %arg6[%swap3A, %swap3A_37] : memref<1000x64xf32, #tpu.memory_space<vmem>>, vector<1000x64xf32>
    tpu.vector_store %arg6[%swap3A, %swap3A_37], %mul3A_36 {strides = array<i32>} : memref<1000x64xf32, #tpu.memory_space<vmem>>, vector<1000x64xf32>,
    return
  }
  func.func @transform_0(%arg0: i32) -> (i32, i32, i32) {
    %c0_i32 = arith.constant 0 : i32
    %c0_i32_0 = arith.constant 0 : i32
    %c0_i32_1 = arith.constant 0 : i32
    return %c0_i32, %arg0, %c0_i32_0 : i32, i32, i32
  }
  func.func @transform_1(%arg0: i32) -> (i32, i32) {
    %c0_i32 = arith.constant 0 : i32
    %c0_i32_0 = arith.constant 0 : i32
    return %arg0, %c0_i32 : i32, i32
  }
  func.func @transform_2(%arg0: i32) -> (i32, i32) {
    %c0_i32 = arith.constant 0 : i32
    %c0_i32_0 = arith.constant 0 : i32
    %c0_i32_1 = arith.constant 0 : i32
    return %c0_i32, %c0_i32_0 : i32, i32
  }
  func.func @transform_3(%arg0: i32) -> (i32, i32) {
    %c0_i32 = arith.constant 0 : i32
    %c0_i32_0 = arith.constant 0 : i32
    %c0_i32_1 = arith.constant 0 : i32
    return %c0_i32, %c0_i32_0 : i32, i32
  }
  func.func @transform_4(%arg0: i32) -> (i32, i32) {
    %c0_i32 = arith.constant 0 : i32
    %c0_i32_0 = arith.constant 0 : i32
    %c0_i32_1 = arith.constant 0 : i32
    return %c0_i32, %c0_i32_0 : i32, i32
  }
  func.func @transform_5(%arg0: i32) -> (i32, i32) {
    %c0_i32 = arith.constant 0 : i32
    %c0_i32_0 = arith.constant 0 : i32
    return %arg0, %c0_i32 : i32, i32
  }
}

module attributes {stable_mosaic.version = 14 : i64} {
  func.func @_final_body(%arg0: i32, %arg1: memref<2x1000x64xf32, #tpu.memory_space<vmem>>, %arg2: memref<1000x2xf32, #tpu.memory_space<vmem>>, %arg3: memref<1x64xf32, #tpu.memory_space<vmem>>, %arg4: memref<1000x64xf32, #tpu.memory_space<vmem>>) attributes {dimension_semantics = [#tpu.dimension_semantics<arbitrary>], iteration_bounds = array<i64: 10>, scalar_prefetch = 0 : i64, scratch_operands = 0 : i64, tpu.core_type = #tpu.core_type<tc>, window_params = [{transform_indices = @transform_0, window_bounds = array<i64: 2, 1000, 64>}, {transform_indices = @transform_1, window_bounds = array<i64: 1000, 2>}, {pipeline_mode = #tpu.pipeline_mode<synchronous>, transform_indices = @transform_2, window_bounds = array<i64: 1, 64>}, {transform_indices = @transform_3, window_bounds = array<i64: 1000, 64>}]} {
    %get3A = arith.constant 0 : index
    %get3A_0 = arith.constant 0 : index
    %get3A_1 = vector.load %arg2[%get3A, %get3A_0] : memref<1000x2xf32, #tpu.memory_space<vmem>>, vector<1000x2xf32>
    %slice3A = vector.extract_strided_slice %get3A_1 {offsets = [0, 0], sizes = [1000, 1], strides = [1, 1]} : vector<1000x2xf32> to vector<1000x1xf32>
    %slice3A_2 = vector.extract_strided_slice %get3A_1 {offsets = [0, 1], sizes = [1000, 1], strides = [1, 1]} : vector<1000x2xf32> to vector<1000x1xf32>
    %add3A = arith.addf %slice3A, %slice3A_2 : vector<1000x1xf32>
    %max3A = arith.constant 1.000000e+00 : f32
    %max3A_3 = vector.broadcast %max3A : f32 to vector<1000x1xf32>
    %max3A_4 = arith.maximumf %add3A, %max3A_3 : vector<1000x1xf32>
    %rsqrt3A = math.rsqrt %max3A_4 : vector<1000x1xf32>
    %get3A_5 = arith.constant 0 : index
    %get3A_6 = arith.constant 0 : index
    %get3A_7 = arith.constant 0 : index
    %get3A_8 = vector.load %arg1[%get3A_5, %get3A_6, %get3A_7] : memref<2x1000x64xf32, #tpu.memory_space<vmem>>, vector<1x1000x64xf32>
    %get3A_9 = vector.shape_cast %get3A_8 : vector<1x1000x64xf32> to vector<1000x64xf32>
    %get3A_10 = arith.constant 1 : index
    %get3A_11 = arith.constant 0 : index
    %get3A_12 = arith.constant 0 : index
    %get3A_13 = vector.load %arg1[%get3A_10, %get3A_11, %get3A_12] : memref<2x1000x64xf32, #tpu.memory_space<vmem>>, vector<1x1000x64xf32>
    %get3A_14 = vector.shape_cast %get3A_13 : vector<1x1000x64xf32> to vector<1000x64xf32>
    %add3A_15 = arith.addf %get3A_9, %get3A_14 : vector<1000x64xf32>
    %mul3A = vector.broadcast %rsqrt3A : vector<1000x1xf32> to vector<1000x64xf32>
    %mul3A_16 = arith.mulf %add3A_15, %mul3A : vector<1000x64xf32>
    %get3A_17 = arith.constant 0 : index
    %get3A_18 = arith.constant 0 : index
    %get3A_19 = vector.load %arg3[%get3A_17, %get3A_18] : memref<1x64xf32, #tpu.memory_space<vmem>>, vector<1x64xf32>
    %add3A_20 = vector.broadcast %get3A_19 : vector<1x64xf32> to vector<1000x64xf32>
    %add3A_21 = arith.addf %mul3A_16, %add3A_20 : vector<1000x64xf32>
    %swap3A = arith.constant 0 : index
    %swap3A_22 = arith.constant 0 : index
    %swap3A_23 = vector.load %arg4[%swap3A, %swap3A_22] : memref<1000x64xf32, #tpu.memory_space<vmem>>, vector<1000x64xf32>
    tpu.vector_store %arg4[%swap3A, %swap3A_22], %add3A_21 {strides = array<i32>} : memref<1000x64xf32, #tpu.memory_space<vmem>>, vector<1000x64xf32>,
    return
  }
  func.func @transform_0(%arg0: i32) -> (i32, i32, i32) {
    %c0_i32 = arith.constant 0 : i32
    %c0_i32_0 = arith.constant 0 : i32
    %c0_i32_1 = arith.constant 0 : i32
    return %c0_i32, %arg0, %c0_i32_0 : i32, i32, i32
  }
  func.func @transform_1(%arg0: i32) -> (i32, i32) {
    %c0_i32 = arith.constant 0 : i32
    %c0_i32_0 = arith.constant 0 : i32
    return %arg0, %c0_i32 : i32, i32
  }
  func.func @transform_2(%arg0: i32) -> (i32, i32) {
    %c0_i32 = arith.constant 0 : i32
    %c0_i32_0 = arith.constant 0 : i32
    %c0_i32_1 = arith.constant 0 : i32
    return %c0_i32, %c0_i32_0 : i32, i32
  }
  func.func @transform_3(%arg0: i32) -> (i32, i32) {
    %c0_i32 = arith.constant 0 : i32
    %c0_i32_0 = arith.constant 0 : i32
    return %arg0, %c0_i32 : i32, i32
  }
}

</mosaic_0001>

<sc_bundles>
// kernel: kernel.11.cloned.1.call-start
scs
__scs_entry_jumppad:
0x0: {  	(pc) =	sbr.rel $0x88, $3  }
0x1: {  	(tag) =	ssettag $0x0;
	lr =	simm.s32 $0x1  }
0x2: {  	[smem:$0x3F9B] =	sst lr;
	_ =	strace $0xD0000000  }
0x3: {  	_ = 	snop  }
0x4: {  	_ = 	snop  }
0x5: {  	_ = 	snop  }
0x6: {  	_ = 	snop  }
0x7: {  	_ = 	snop  }
__scs_overlays_trampoline_lowered:
0x8: {  	[smem:$0x3FAA] =	sst s0  }
0x9: {  	[smem:$0x3FAB] =	sst s1  }
0xa: {  	[smem:$0x3FAC] =	sst s2  }
0xb: {  	[smem:$0x3FAD] =	sst s3  }
0xc: {  	[smem:$0x3FAE] =	sst s4  }
0xd: {  	[smem:$0x3FAF] =	sst s5  }
0xe: {  	[smem:$0x3FB0] =	sst s6  }
0xf: {  	[smem:$0x3FB1] =	sst s7  }
0x10: {  	[smem:$0x3FB2] =	sst s8  }
0x11: {  	[smem:$0x3FB3] =	sst s9;
	s0 =	simm.s32 @!p0 $0x0  }
0x12: {  	s1 =	sld [smem:$0x3F99];
	s0 =	simm.s32 @p0 $0x1  }
0x13: {  	[smem:$0x3FB4] =	sst s0;
	s0 =	simm.s32 @!p1 $0x0  }
0x14: {  	s2 =	sld [smem:$0x3F98];
	s0 =	simm.s32 @p1 $0x1  }
0x15: {  	[smem:$0x3FB5] =	sst s0;
	s0 =	simm.s32 @!p2 $0x0  }
0x16: {  	s3 =	sld [smem:$0x3FDB];
	s0 =	simm.s32 @p2 $0x1  }
0x17: {  	s4 =	simm.s32 $0x1BF5;
	[smem:$0x3FB7] =	sst s0  }
0x18: {  	s0 =	sld [smem:$0x3F9A];
	_ =	swait.ge [sflag:s4], $0x0  }
0x19: {  	s7 =	sld [smem:$0x3F9B]  }
0x1a: {  	s8 =	sadd.s32 $0xFFFFE003, lr  }
0x1b: {  	s9 =	sadd.s32 $0xFFFFFEF7, lr;
	s5 =	simm.s32 $0xFFFFFFFF;
	p2 =	slt.u32 s8, $0xFFFFF086  }
0x1c: {  	p1 =	slt.u32 s9, $0xF7A;
	s5 =	simm.s32 @!p2 $0x0  }
0x1d: {  	s5 =	simm.s32 @p1 $0x1;
	p0 =	seq.s32 s7, s2  }
0x1e: {  	s7 =	smul.u32 @!p0 $0xF7A, s2;
	p2 =	seq.s32 @!p0 s5, $0x0  }
0x1f: {  	s9 =	smul.u32 $0xF7A, s1;
	s8 =	simm.s32 @!p0 $0x1BF5;
	p2 =	por !p2, p0  }
0x20: {  	[sflag:s8] =	ssyncset.s32 @!p0 $0xFFFFF086;
	s6 =	sadd.s32 @!p0 s3, s7;
	s7 =	simm.s32 @!p0 $0x108  }
0x21: {  	s3 =	sadd.s32 s3, s9;
	s6 =	sadd.s32 @!p0 $0x88, s6;
	s7 =	simm.s32 @p2 $0x1082  }
0x22: {  	[simem:s7], [sflag:s8] =	dma.local @!p0 [hbm:s6], $0xF7A  }
0x23: {  	s9 =	sor.u32 $0xD0000000, s2;
	s6 =	simm.s32 $0x108;
	_ =	swait.ge @!p0 [sflag:s8], $0x0  }
0x24: {  	s3 =	sadd.s32 $0x88, s3;
	s6 =	simm.s32 @!p1 $0x1082;
	[sflag:s4] =	ssyncset.s32 $0xFFFFF086  }
0x25: {  	[simem:s6], [sflag:s4] =	dma.local [hbm:s3], $0xF7A  }
0x26: {  	[smem:$0x3F9B] =	sst s1;
	(tag) =	ssettag s2;
	_ =	strace s9  }
0x27: {  	s1 =	sld [smem:$0x3FAB]  }
0x28: {  	s2 =	sld [smem:$0x3FAC]  }
0x29: {  	s4 =	sld [smem:$0x3FAE]  }
0x2a: {  	p0 =	seq.s32 s5, $0x0;
	s5 =	sld [smem:$0x3FAF]  }
0x2b: {  	s6 =	sld [smem:$0x3FB0]  }
0x2c: {  	s7 =	sld [smem:$0x3FB1]  }
0x2d: {  	s3 =	simm.s32 $0x108;
	s8 =	sld [smem:$0x3FB2]  }
0x2e: {  	s3 =	simm.s32 @!p0 $0x1082;
	s9 =	sld [smem:$0x3FB3]  }
0x2f: {  	lr =	sadd.s32 s0, s3;
	s0 =	sld [smem:$0x3FAA]  }
0x30: {  	s3 =	sld [smem:$0x3FAD]  }
0x31: {  	[smem:$0x3FB6] =	sst s10  }
0x32: {  	s10 =	sld [smem:$0x3FB4];
	_ =	sdelay $0x3  }
0x33: {  	p0 =	seq.s32 s10, $0x1;
	s10 =	sld [smem:$0x3FB6];
	_ =	sdelay $0x3  }
0x34: {  	[smem:$0x3FB6] =	sst s10  }
0x35: {  	s10 =	sld [smem:$0x3FB5];
	_ =	sdelay $0x3  }
0x36: {  	p1 =	seq.s32 s10, $0x1;
	s10 =	sld [smem:$0x3FB6];
	_ =	sdelay $0x3  }
0x37: {  	[smem:$0x3FB6] =	sst s10  }
0x38: {  	s10 =	sld [smem:$0x3FB7]  }
0x39: {  	_ = 	snop;
	(pc) =	sbr.ind lr, $3  }
0x3a: {  	_ = 	snop  }
0x3b: {  	_ = 	snop  }
0x3c: {  	p2 =	seq.s32 s10, $0x1;
	s10 =	sld [smem:$0x3FB6]  }
0x3d: {  	_ =	shalt  }
0x3e: {  	_ =	shalt  }
0x3f: {  	_ =	shalt  }
0x40: {  	_ =	shalt  }
0x41: {  	_ =	shalt  }
0x42: {  	_ =	shalt  }
0x43: {  	_ =	shalt  }
0x44: {  	_ =	shalt  }
0x45: {  	_ =	shalt  }
0x46: {  	_ =	shalt  }
0x47: {  	_ =	shalt  }
0x48: {  	_ =	shalt  }
0x49: {  	_ =	shalt  }
0x4a: {  	_ =	shalt  }
0x4b: {  	_ =	shalt  }
0x4c: {  	_ =	shalt  }
0x4d: {  	_ =	shalt  }
0x4e: {  	_ =	shalt  }
0x4f: {  	_ =	shalt  }
0x50: {  	_ =	shalt  }
0x51: {  	_ =	shalt  }
0x52: {  	_ =	shalt  }
0x53: {  	_ =	shalt  }
0x54: {  	_ =	shalt  }
0x55: {  	_ =	shalt  }
0x56: {  	_ =	shalt  }
0x57: {  	_ =	shalt  }
0x58: {  	_ =	shalt  }
0x59: {  	_ =	shalt  }
0x5a: {  	_ =	shalt  }
0x5b: {  	_ =	shalt  }
0x5c: {  	_ =	shalt  }
0x5d: {  	_ =	shalt  }
0x5e: {  	_ =	shalt  }
0x5f: {  	_ =	shalt  }
0x60: {  	_ =	shalt  }
0x61: {  	_ =	shalt  }
0x62: {  	_ =	shalt  }
0x63: {  	_ =	shalt  }
0x64: {  	_ =	shalt  }
0x65: {  	_ =	shalt  }
0x66: {  	_ =	shalt  }
0x67: {  	_ =	shalt  }
0x68: {  	_ =	shalt  }
0x69: {  	_ =	shalt  }
0x6a: {  	_ =	shalt  }
0x6b: {  	_ =	shalt  }
0x6c: {  	_ =	shalt  }
0x6d: {  	_ =	shalt  }
0x6e: {  	_ =	shalt  }
0x6f: {  	_ =	shalt  }
0x70: {  	_ =	shalt  }
0x71: {  	_ =	shalt  }
0x72: {  	_ =	shalt  }
0x73: {  	_ =	shalt  }
0x74: {  	_ =	shalt  }
0x75: {  	_ =	shalt  }
0x76: {  	_ =	shalt  }
0x77: {  	_ =	shalt  }
0x78: {  	_ =	shalt  }
0x79: {  	_ =	shalt  }
0x7a: {  	_ =	shalt  }
0x7b: {  	_ =	shalt  }
0x7c: {  	_ =	shalt  }
0x7d: {  	_ =	shalt  }
0x7e: {  	_ =	shalt  }
0x7f: {  	_ =	shalt  }
0x80: {  	_ =	shalt  }
0x81: {  	_ =	shalt  }
0x82: {  	_ =	shalt  }
0x83: {  	_ =	shalt  }
0x84: {  	_ =	shalt  }
0x85: {  	_ =	shalt  }
0x86: {  	_ =	shalt  }
0x87: {  	_ =	shalt  }
.Lfunc_end0:
.L_simem_size_0:
called_computation.1_lowered:
.L_overlay_start_0:
0x88: {  	s2 =	sld [smem:$0x3FD9]  }
0x89: {  	s3 =	sld [smem:$0x3FFE];
	_ =	sdelay $0x1  }
0x8a: {  	s1 =	srdreg.scid  }
0x8b: {  	s0 =	sand.u32 $0x1, s1  }
0x8c: {  	s16 =	sshll.u32 s0, $0xA;
	s2 =	sadd.s32 s3, s2  }
0x8d: {  	s2 =	sadd.s32 s2, s16  }
0x8e: {  	[smem:$0x3FC2] =	sst s2  }
0x8f: {  	_ = 	snop  }
0x90: {  	(tm) =	ssettm $0x1  }
0x91: {  	s17 =	sld [smem:$0x3FFB];
	_ =	sdelay $0x3  }
0x92: {  	_ =	strace s17  }
0x93: {  	s2 =	sld [smem:$0x3FFC];
	_ =	sdelay $0x3  }
0x94: {  	_ =	strace s2  }
0x95: {  	s2 =	sld [smem:$0x3FFD];
	_ =	sdelay $0x3  }
0x96: {  	_ =	strace s2  }
0x97: {  	_ =	strace $0x8FFFFFFF  }
0x98: {  	s18 =	sld [smem:$0x3FDB];
	_ =	sdelay $0x1  }
0x99: {  	s19 =	simm.s32 $_scs_section_size  }
0x9a: {  	s4 =	simm.s32 $_size__tile_overlayer_lowered;
	s5 =	simm.s32 $_tile_overlayer_lowered  }
0x9b: {  	s22 =	simm.s32 $0x1BFF;
	s21 =	sshll.u32 s5, $0x1;
	s2 =	sadd.s32 s19, s18  }
0x9c: {  	s6 =	simm.s32 $0x0;
	s20 =	sshll.u32 s4, $0x1;
	s4 =	sadd.s32 s21, s2  }
0x9d: {  	[timem:s6], [sflag:s22] =	dma.local [hbm:s4], s20  }
0x9e: {  	_ =	swait.ge [sflag:s22], s20  }
0x9f: {  	s3 =	ssub.s32 $0x0, s20;
	[sflag:s22] =	ssyncset.done $0x0  }
0xa0: {  	[sflag:s22] =	ssyncadd.s32 s3;
	_ =	sdelay $0x1  }
0xa1: {  	s23 =	simm.s32 $0x1B8B  }
0xa2: {  	_ =	swait.ge [sflag:s23], $0x1  }
0xa3: {  	[sflag:s23] =	ssyncset.done $0x0  }
0xa4: {  	s25 =	simm.s32 $0x1B8E;
	s24 =	sld [smem:$0x3FFE];
	[sflag:s23] =	ssyncadd.s32 $0xFFFFFFFF  }
0xa5: {  	s26 =	simm.s32 $execute0_lowered;
	[smem:$0x3FD2] =	sst s25  }
0xa6: {  	s4 =	sshll.u32 s26, $0x1;
	_ =	strace $0x80000049;
	[dreg:$0x1] =	wrdreg $0xFFFFFFFF  }
0xa7: {  	s28 =	simm.s32 $_size_execute0_lowered;
	s2 =	sadd.s32 s2, s4;
	[dreg:$0x0] =	wrdreg $0x0  }
0xa8: {  	s4 =	sshll.u32 s28, $0x1;
	[dreg:$0x2] =	wrdreg s2  }
0xa9: {  	[dreg:$0x3] =	wrdreg s4  }
0xaa: {  	[dreg:$0x4] =	wrdreg $0xC0  }
0xab: {  	_ =	task [dreg:s6], $0x5FFFF  }
0xac: {  	[dreg:$0x1] =	wrdreg $0xFFFFFFFF  }
0xad: {  	[dreg:$0x0] =	wrdreg $0x60  }
0xae: {  	[dreg:$0x2] =	wrdreg s24  }
0xaf: {  	[dreg:$0x3] =	wrdreg $0xB2200  }
0xb0: {  	[dreg:$0x4] =	wrdreg $0x9  }
0xb1: {  	_ =	task.clear_ibuf [dreg:s6], $0x5FFFF;
	_ =	strace $0x90000049  }
0xb2: {  	s29 =	simm.s32 $0x9;
	_ =	strace $0x8000004B  }
0xb3: {  	_ =	swait.ge [sflag:s29], $0x1  }
0xb4: {  	[sflag:s29] =	ssyncadd.s32 $0xFFFFFFFF  }
0xb5: {  	_ =	strace $0x9000004B  }
0xb6: {  	_ =	sfence  }
0xb7: {  	s30 =	sld [smem:$0x0];
	_ =	sdelay $0x2  }
0xb8: {  	s31 =	sshll.u32 s1, $0xD;
	s1 =	sshrl.u32 s1, $0x2  }
0xb9: {  	s3 =	sand.u32 $0x4000, s31;
	s1 =	sadd.s32 s1, s30  }
0xba: {  	s0 =	sor.u32 s3, s0;
	s1 =	sshll.u32 s1, $0x11  }
0xbb: {  	s0 =	sor.u32 s1, s0  }
0xbc: {  	s0 =	sadd.s32 $0x8F2B, s0  }
0xbd: {  	[sflag:s0] =	ssyncadd.remote.s32 $0x1  }
0xbe: {  	_ =	sfence.sel $0xFFFF  }
0xbf: {  	[dreg:$0x0] =	wrdreg $0xFFFFFFFF;
	(pc) =	sbr.abs _section_cstart, $3  }
0xc0: {  	[dreg:$0x1] =	wrdreg $0xFFFFFFFF  }
0xc1: {  	_ =	task.clear_ibuf [dreg:s6], $0x2FFFF;
	_ =	strace $0x9FFFFFFF  }
0xc2: {  	(tm) =	ssettm $0x7FFFFFFF  }
0xc3: {  	_ =	shalt  }
tec
execute0_lowered:
.L_overlay_start_1:
0x0: {  	(tag) =	ssettag $0x1  }
0x1: {  	s0 =	rddreg [dreg:$0x0];
	s8 =	stileid.u32  }
0x2: {  	s2 =	rddreg [dreg:$0x1];
	s5 =	smul.u32 $0x14000, s8  }
0x3: {  	s3 =	simm.s32 $0x0;
	s4 =	sshll.u32 s8, $0x1;
	s8 =	smul.u32 $0x50000, s8  }
0x4: {  	s1 =	srdreg.scid;
	s28 =	simm.s32 $0xC;
	s29 =	simm.s32 $0x1  }
0x5: {  	s30 =	simm.s32 $0x28;
	s31 =	simm.s32 $0x6220;
	s8 =	sshrl.u32 s8, $0x2  }
0x6: {  	s1 =	sand.u32 $0x1, s1;
	[smem:$0x7FF] =	sst s3;
	s10 =	sadd.s32 s8, s2  }
0x7: {  	s4 =	sor.u32 s1, s4;
	s6 =	smul.u32 $0x140000, s1;
	s11 =	sadd.s32 $0x1400, s10  }
0x8: {  	_ =	strace $0x8000004A;
	s12 =	sadd.s32 $0x2800, s10;
	[dreg:$0x5] =	wrdreg s11  }
0x9: {  	s1 =	ssub.s32 $0x2, s1;
	s13 =	sadd.s32 $0x3C00, s10;
	[dreg:$0x6] =	wrdreg s12  }
0xa: {  	s7 =	smul.u32 $0x4E2, s4;
	s14 =	sadd.s32 $0x5000, s10;
	[dreg:$0x7] =	wrdreg s13  }
0xb: {  	s4 =	sadd.s32 $0x15600, s0;
	s15 =	sadd.s32 $0x6400, s10;
	[dreg:$0x8] =	wrdreg s14  }
0xc: {  	s26 =	sshrl.u32 s1, $0x1;
	s16 =	sadd.s32 $0x7800, s10;
	[dreg:$0x9] =	wrdreg s15  }
0xd: {  	s6 =	sadd.s32 s5, s6;
	s17 =	sadd.s32 $0x8C00, s10;
	[dreg:$0xa] =	wrdreg s16  }
0xe: {  	s1 =	ssub.s32 s1, s26;
	s18 =	sadd.s32 $0xA000, s10;
	[dreg:$0xb] =	wrdreg s17  }
0xf: {  	s8 =	simm.s32 $0x4;
	s19 =	sadd.s32 $0xB400, s10;
	[dreg:$0xc] =	wrdreg s18  }
0x10: {  	s7 =	sadd.s32 s7, s0;
	s20 =	sadd.s32 $0xC800, s10;
	[dreg:$0xd] =	wrdreg s19  }
0x11: {  	s6 =	sshrl.u32 s6, $0x3;
	s21 =	sadd.s32 $0xDC00, s10;
	[dreg:$0xe] =	wrdreg s20  }
0x12: {  	s22 =	sadd.s32 $0xF000, s10;
	s23 =	sadd.s32 $0x10400, s10;
	[dreg:$0xf] =	wrdreg s21  }
0x13: {  	s24 =	sadd.s32 $0x11800, s10;
	s25 =	sadd.s32 $0x12C00, s10;
	[dreg:$0x10] =	wrdreg s22  }
0x14: {  	s26 =	smax.u32 s1, $0x1;
	s1 =	simm.s32 $0x9E20;
	[dreg:$0x11] =	wrdreg s23  }
0x15: {  	s10 =	simm.s32 $0x6;
	s0 =	sadd.s32 s6, s0;
	[dreg:$0x12] =	wrdreg s24  }
0x16: {  	s9 =	sadd.s32 $0x1A00, s7;
	s7 =	sadd.s32 $0xB800, s7;
	[dreg:$0x13] =	wrdreg s25  }
0x17: {  	[dreg:$0x15] =	wrdreg s26;
	s26 =	simm.s32 $0x4E20;
	s25 =	simm.s32 $0x8A20  }
0x18: {  	s6 =	simm.s32 $0x3;
	s11 =	simm.s32 $0x7;
	s12 =	simm.s32 $0x8  }
0x19: {  	s13 =	simm.s32 $0x9;
	s14 =	simm.s32 $0xA;
	[dreg:$0x3] =	wrdreg s9  }
0x1a: {  	s15 =	simm.s32 $0xB;
	s16 =	simm.s32 $0x0;
	[dreg:$0x4] =	wrdreg s7  }
0x1b: {  	s7 =	sadd.s32 s5, s2;
	s0 =	sadd.s32 $0x3C800, s0;
	s5 =	simm.s32 $0x2  }
0x1c: {  	v0 =	vimm.f32 $0.0e+00;
	s9 =	simm.s32 $0x5;
	[dreg:$0x14] =	wrdreg s0;
	s0 =	simm.s32 $0x7620  }
.LBB2_1:
0x1d: {  	s17 =	rddreg [dreg:$0x3];
	s20 =	simm.s32 $0x0  }
0x1e: {  	[tilespmem:s3], [sflag:$0x1] =	stream.linear.gather [hbm4b:s17+s3], $0x2710, $0x38;
	[tilespmem:$0x1F220] =	vst v63  }
0x1f: {  	s18 =	rddreg [dreg:$0x4];
	s19 =	simm.s32 $0x2710;
	s17 =	smul.u32 $0xCD, s20  }
0x20: {  	[tilespmem:s19], [sflag:$0x1] =	stream.linear.gather [hbm4b:s18+s3], $0x2710, $0x38;
	[tilespmem:$0x1F220] =	vst v63  }
0x21: {  	s21 =	smul.u32 $0xCCCD, s3;
	s22 =	simm.s32 $0x0;
	s17 =	sshrl.u32 s17, $0xD  }
0x22: {  	s19 =	smul.u32 $0xCD, s22;
	s17 =	sand.u32 $0x7, s17  }
0x23: {  	s20 =	simm.s32 $0x1;
	s17 =	smul.u32 $0x28, s17  }
0x24: {  	s20 =	smul.u32 $0xCCCD, s20;
	s18 =	sshrl.u32 s21, $0x18  }
0x25: {  	s18 =	smul.u32 $0x5000, s18;
	s19 =	sshrl.u32 s19, $0xD;
	s17 =	ssub.s32 $0x0, s17  }
0x26: {  	s21 =	sand.u32 $0x70, s3;
	s23 =	sand.u32 $0x7, s19;
	s17 =	sand.u32 $0xFF, s17  }
0x27: {  	s18 =	sshrl.u32 s18, $0x2;
	s24 =	smul.u32 $0x28, s23;
	s17 =	sshll.u32 s17, $0x7  }
0x28: {  	s19 =	simm.s32 $0x2;
	s23 =	sshrl.u32 s20, $0x18;
	s17 =	sadd.s32 s17, s18  }
0x29: {  	s20 =	simm.s32 $0x3;
	s22 =	ssub.s32 $0x0, s24;
	s17 =	sor.u32 s21, s17  }
0x2a: {  	s18 =	simm.s32 $0x0;
	s21 =	smul.u32 $0x5000, s23;
	[tilespmem:s17+$0x4E20] =	vst v0;
	s17 =	simm.s32 $0x0  }
.LBB2_2:
0x2b: {  	p0 =	sne.s32 s20, $0x63F  }
0x2c: {  	s23 =	smul.u32 $0xCD, s18;
	s22 =	sand.u32 $0xFF, s22;
	s17 =	sadd.s32 $0x10, s17  }
0x2d: {  	s21 =	sshrl.u32 s21, $0x2;
	s22 =	sshll.u32 s22, $0x7;
	s24 =	sand.u32 $0x70, s17  }
.Ltmp0:
0x2e: {  	s23 =	sshrl.u32 s23, $0xD;
	s21 =	sadd.s32 s22, s21;
	(pc) =	sbr.rel @p0 .LBB2_2-.Ltmp0, $4  }
0x2f: {  	s22 =	smul.u32 $0xCCCD, s19;
	s19 =	sand.u32 $0x7, s23;
	s21 =	sor.u32 s24, s21  }
0x30: {  	s23 =	smul.u32 $0x28, s19;
	[tilespmem:s21+$0x4E20] =	vst v0;
	s21 =	smov.u32 s18;
	s19 =	smov.u32 s20  }
0x31: {  	s18 =	sshrl.u32 s20, $0x3;
	s24 =	sshrl.u32 s22, $0x18  }
0x32: {  	s20 =	sadd.s32 $0x1, s20;
	s22 =	ssub.s32 s21, s23;
	s21 =	smul.u32 $0x5000, s24  }
0x33: {  	s20 =	smul.u32 $0xCD, s18;
	_ =	sdelay $0x1  }
0x34: {  	s20 =	sshrl.u32 s20, $0xD  }
0x35: {  	s19 =	smul.u32 $0xCCCD, s19;
	s20 =	sand.u32 $0x7, s20  }
0x36: {  	s23 =	sand.u32 $0xFF, s22;
	s20 =	smul.u32 $0x28, s20  }
0x37: {  	s17 =	sadd.s32 $0x10, s17;
	s21 =	sshrl.u32 s21, $0x2;
	s19 =	sshrl.u32 s19, $0x18  }
0x38: {  	s24 =	sand.u32 $0x70, s17;
	s19 =	smul.u32 $0x5000, s19;
	s18 =	ssub.s32 s18, s20  }
0x39: {  	s17 =	sadd.s32 $0x10, s17;
	s20 =	sshll.u32 s23, $0x7;
	s18 =	sand.u32 $0xFF, s18  }
0x3a: {  	s19 =	sshrl.u32 s19, $0x2;
	s20 =	sadd.s32 s20, s21;
	s18 =	sshll.u32 s18, $0x7  }
0x3b: {  	s17 =	sand.u32 $0x70, s17;
	s20 =	sor.u32 s24, s20;
	s18 =	sadd.s32 s18, s19  }
0x3c: {  	[tilespmem:s20+$0x4E20] =	vst v0;
	s17 =	sor.u32 s17, s18  }
0x3d: {  	[tilespmem:s17+$0x4E20] =	vst v0  }
0x3e: {  	[spmem:s7] =	stream.linear.scatter [tilespmem:s26], [sflag:$0xC], $0x1400, $0x38;
	[tilespmem:$0x1F220] =	vst v63  }
0x3f: {  	_ =	swait.ge [sflag:s28], $0x1400  }
0x40: {  	[sflag:s28] =	ssyncset.done $0x0  }
0x41: {  	s21 =	rddreg [dreg:$0x5];
	[sflag:s28] =	ssyncadd.s32 $0xFFFFEC00  }
0x42: {  	[spmem:s21] =	stream.linear.scatter [tilespmem:s26], [sflag:$0xC], $0x1400, $0x38;
	[tilespmem:$0x1F220] =	vst v63  }
0x43: {  	_ =	swait.ge [sflag:s28], $0x1400  }
0x44: {  	[sflag:s28] =	ssyncset.done $0x0  }
0x45: {  	s22 =	rddreg [dreg:$0x6];
	[sflag:s28] =	ssyncadd.s32 $0xFFFFEC00  }
0x46: {  	[spmem:s22] =	stream.linear.scatter [tilespmem:s26], [sflag:$0xC], $0x1400, $0x38;
	[tilespmem:$0x1F220] =	vst v63  }
0x47: {  	_ =	swait.ge [sflag:s28], $0x1400  }
0x48: {  	[sflag:s28] =	ssyncset.done $0x0  }
0x49: {  	s23 =	rddreg [dreg:$0x7];
	[sflag:s28] =	ssyncadd.s32 $0xFFFFEC00  }
0x4a: {  	[spmem:s23] =	stream.linear.scatter [tilespmem:s26], [sflag:$0xC], $0x1400, $0x38;
	[tilespmem:$0x1F220] =	vst v63  }
0x4b: {  	_ =	swait.ge [sflag:s28], $0x1400  }
0x4c: {  	[sflag:s28] =	ssyncset.done $0x0  }
0x4d: {  	s24 =	rddreg [dreg:$0x8];
	[sflag:s28] =	ssyncadd.s32 $0xFFFFEC00  }
0x4e: {  	[spmem:s24] =	stream.linear.scatter [tilespmem:s26], [sflag:$0xC], $0x1400, $0x38;
	[tilespmem:$0x1F220] =	vst v63  }
0x4f: {  	_ =	swait.ge [sflag:s28], $0x1400  }
0x50: {  	[sflag:s28] =	ssyncset.done $0x0  }
0x51: {  	s18 =	rddreg [dreg:$0x9];
	[sflag:s28] =	ssyncadd.s32 $0xFFFFEC00  }
0x52: {  	[spmem:s18] =	stream.linear.scatter [tilespmem:s26], [sflag:$0xC], $0x1400, $0x38;
	[tilespmem:$0x1F220] =	vst v63  }
0x53: {  	_ =	swait.ge [sflag:s28], $0x1400  }
0x54: {  	[sflag:s28] =	ssyncset.done $0x0  }
0x55: {  	s19 =	rddreg [dreg:$0xa];
	[sflag:s28] =	ssyncadd.s32 $0xFFFFEC00  }
0x56: {  	[spmem:s19] =	stream.linear.scatter [tilespmem:s26], [sflag:$0xC], $0x1400, $0x38;
	[tilespmem:$0x1F220] =	vst v63  }
0x57: {  	_ =	swait.ge [sflag:s28], $0x1400  }
0x58: {  	[sflag:s28] =	ssyncset.done $0x0  }
0x59: {  	s20 =	rddreg [dreg:$0xb];
	[sflag:s28] =	ssyncadd.s32 $0xFFFFEC00  }
0x5a: {  	[spmem:s20] =	stream.linear.scatter [tilespmem:s26], [sflag:$0xC], $0x1400, $0x38;
	[tilespmem:$0x1F220] =	vst v63  }
0x5b: {  	_ =	swait.ge [sflag:s28], $0x1400  }
0x5c: {  	[sflag:s28] =	ssyncset.done $0x0  }
0x5d: {  	s21 =	rddreg [dreg:$0xc];
	[sflag:s28] =	ssyncadd.s32 $0xFFFFEC00  }
0x5e: {  	[spmem:s21] =	stream.linear.scatter [tilespmem:s26], [sflag:$0xC], $0x1400, $0x38;
	[tilespmem:$0x1F220] =	vst v63  }
0x5f: {  	_ =	swait.ge [sflag:s28], $0x1400  }
0x60: {  	[sflag:s28] =	ssyncset.done $0x0  }
0x61: {  	s22 =	rddreg [dreg:$0xd];
	[sflag:s28] =	ssyncadd.s32 $0xFFFFEC00  }
0x62: {  	[spmem:s22] =	stream.linear.scatter [tilespmem:s26], [sflag:$0xC], $0x1400, $0x38;
	[tilespmem:$0x1F220] =	vst v63  }
0x63: {  	_ =	swait.ge [sflag:s28], $0x1400  }
0x64: {  	[sflag:s28] =	ssyncset.done $0x0  }
0x65: {  	s23 =	rddreg [dreg:$0xe];
	[sflag:s28] =	ssyncadd.s32 $0xFFFFEC00  }
0x66: {  	[spmem:s23] =	stream.linear.scatter [tilespmem:s26], [sflag:$0xC], $0x1400, $0x38;
	[tilespmem:$0x1F220] =	vst v63  }
0x67: {  	_ =	swait.ge [sflag:s28], $0x1400  }
0x68: {  	[sflag:s28] =	ssyncset.done $0x0  }
0x69: {  	s24 =	rddreg [dreg:$0xf];
	[sflag:s28] =	ssyncadd.s32 $0xFFFFEC00  }
0x6a: {  	[spmem:s24] =	stream.linear.scatter [tilespmem:s26], [sflag:$0xC], $0x1400, $0x38;
	[tilespmem:$0x1F220] =	vst v63  }
0x6b: {  	_ =	swait.ge [sflag:s28], $0x1400  }
0x6c: {  	[sflag:s28] =	ssyncset.done $0x0  }
0x6d: {  	s18 =	rddreg [dreg:$0x10];
	[sflag:s28] =	ssyncadd.s32 $0xFFFFEC00  }
0x6e: {  	[spmem:s18] =	stream.linear.scatter [tilespmem:s26], [sflag:$0xC], $0x1400, $0x38;
	[tilespmem:$0x1F220] =	vst v63  }
0x6f: {  	_ =	swait.ge [sflag:s28], $0x1400  }
0x70: {  	[sflag:s28] =	ssyncset.done $0x0  }
0x71: {  	s19 =	rddreg [dreg:$0x11];
	[sflag:s28] =	ssyncadd.s32 $0xFFFFEC00  }
0x72: {  	[spmem:s19] =	stream.linear.scatter [tilespmem:s26], [sflag:$0xC], $0x1400, $0x38;
	[tilespmem:$0x1F220] =	vst v63  }
0x73: {  	_ =	swait.ge [sflag:s28], $0x1400  }
0x74: {  	[sflag:s28] =	ssyncset.done $0x0  }
0x75: {  	s20 =	rddreg [dreg:$0x12];
	[sflag:s28] =	ssyncadd.s32 $0xFFFFEC00  }
0x76: {  	[spmem:s20] =	stream.linear.scatter [tilespmem:s26], [sflag:$0xC], $0x1400, $0x38;
	[tilespmem:$0x1F220] =	vst v63  }
0x77: {  	_ =	swait.ge [sflag:s28], $0x1400  }
0x78: {  	[sflag:s28] =	ssyncset.done $0x0  }
0x79: {  	s21 =	rddreg [dreg:$0x13];
	[sflag:s28] =	ssyncadd.s32 $0xFFFFEC00  }
0x7a: {  	[spmem:s21] =	stream.linear.scatter [tilespmem:s26], [sflag:$0xC], $0x1400, $0x38;
	[tilespmem:$0x1F220] =	vst v63  }
0x7b: {  	_ =	swait.ge [sflag:s28], $0x1400  }
0x7c: {  	[sflag:s28] =	ssyncset.done $0x0  }
0x7d: {  	[sflag:s28] =	ssyncadd.s32 $0xFFFFEC00  }
0x7e: {  	_ =	swait.ge [sflag:s29], $0x2710  }
0x7f: {  	[sflag:s29] =	ssyncset.done $0x0  }
0x80: {  	[sflag:s29] =	ssyncadd.s32 $0xFFFFD8F0  }
0x81: {  	_ =	swait.ge [sflag:s29], $0x2710  }
0x82: {  	[sflag:s29] =	ssyncset.done $0x0  }
0x83: {  	[sflag:s29] =	ssyncadd.s32 $0xFFFFD8F0  }
0x84: {  	s22 =	simm.s32 $0x0;
	[bflag:$0x0] =	sbarrier.arrive $0xFFFF  }
0x85: {  	[tilespmem:s26], [sflag:$0x2] =	stream.indirect.gather [hbm4b:s4+s30], $0x80, s22, s30, $0xb8;
	[tilespmem:$0x1F220] =	vst v63  }
0x86: {  	s23 =	simm.s32 $0x28  }
0x87: {  	[tilespmem:s31], [sflag:$0x3] =	stream.indirect.gather [hbm4b:s4+s30], $0x80, s23, s30, $0xb8;
	[tilespmem:$0x1F220] =	vst v63  }
0x88: {  	s24 =	simm.s32 $0x50  }
0x89: {  	[tilespmem:s0], [sflag:$0x4] =	stream.indirect.gather [hbm4b:s4+s30], $0x80, s24, s30, $0xb8;
	[tilespmem:$0x1F220] =	vst v63  }
0x8a: {  	s18 =	simm.s32 $0x78  }
0x8b: {  	[tilespmem:s25], [sflag:$0x5] =	stream.indirect.gather [hbm4b:s4+s30], $0x80, s18, s30, $0xb8;
	[tilespmem:$0x1F220] =	vst v63  }
0x8c: {  	s19 =	simm.s32 $0xA0  }
0x8d: {  	[tilespmem:s1], [sflag:$0x6] =	stream.indirect.gather [hbm4b:s4+s30], $0x80, s19, s30, $0xb8;
	[tilespmem:$0x1F220] =	vst v63  }
0x8e: {  	_ =	swait.ge [sflag:s5], $0x1400  }
0x8f: {  	[sflag:s5] =	ssyncset.done $0x0  }
0x90: {  	s20 =	simm.s32 $0x2710;
	[sflag:s5] =	ssyncadd.s32 $0xFFFFEC00  }
0x91: {  	[spmem:s2] =	stream.indirect.scatter.add.f32 [tilespmem:s26], [sflag:$0x7], $0x80, s20, s30, $0xb8;
	[tilespmem:$0x1F220] =	vst v63  }
0x92: {  	_ =	swait.ge [sflag:s6], $0x1400  }
0x93: {  	[sflag:s6] =	ssyncset.done $0x0  }
0x94: {  	s21 =	simm.s32 $0x2738;
	[sflag:s6] =	ssyncadd.s32 $0xFFFFEC00  }
0x95: {  	[spmem:s2] =	stream.indirect.scatter.add.f32 [tilespmem:s31], [sflag:$0x8], $0x80, s21, s30, $0xb8;
	[tilespmem:$0x1F220] =	vst v63  }
0x96: {  	_ =	swait.ge [sflag:s8], $0x1400  }
0x97: {  	[sflag:s8] =	ssyncset.done $0x0  }
0x98: {  	s22 =	simm.s32 $0x2760;
	[sflag:s8] =	ssyncadd.s32 $0xFFFFEC00  }
0x99: {  	[spmem:s2] =	stream.indirect.scatter.add.f32 [tilespmem:s0], [sflag:$0x9], $0x80, s22, s30, $0xb8;
	[tilespmem:$0x1F220] =	vst v63  }
0x9a: {  	_ =	swait.ge [sflag:s9], $0x1400  }
0x9b: {  	[sflag:s9] =	ssyncset.done $0x0  }
0x9c: {  	s23 =	simm.s32 $0x2788;
	[sflag:s9] =	ssyncadd.s32 $0xFFFFEC00  }
0x9d: {  	[spmem:s2] =	stream.indirect.scatter.add.f32 [tilespmem:s25], [sflag:$0xA], $0x80, s23, s30, $0xb8;
	[tilespmem:$0x1F220] =	vst v63  }
0x9e: {  	_ =	swait.ge [sflag:s10], $0x1400  }
0x9f: {  	[sflag:s10] =	ssyncset.done $0x0  }
0xa0: {  	s24 =	simm.s32 $0x27B0;
	[sflag:s10] =	ssyncadd.s32 $0xFFFFEC00  }
0xa1: {  	[spmem:s2] =	stream.indirect.scatter.add.f32 [tilespmem:s1], [sflag:$0xB], $0x80, s24, s30, $0xb8;
	[tilespmem:$0x1F220] =	vst v63  }
0xa2: {  	_ =	swait.ge [sflag:s11], $0x1400  }
0xa3: {  	[sflag:s11] =	ssyncset.done $0x0  }
0xa4: {  	[sflag:s11] =	ssyncadd.s32 $0xFFFFEC00  }
0xa5: {  	_ =	swait.ge [sflag:s12], $0x1400  }
0xa6: {  	[sflag:s12] =	ssyncset.done $0x0  }
0xa7: {  	[sflag:s12] =	ssyncadd.s32 $0xFFFFEC00  }
0xa8: {  	_ =	swait.ge [sflag:s13], $0x1400  }
0xa9: {  	[sflag:s13] =	ssyncset.done $0x0  }
0xaa: {  	[sflag:s13] =	ssyncadd.s32 $0xFFFFEC00  }
0xab: {  	_ =	swait.ge [sflag:s14], $0x1400  }
0xac: {  	[sflag:s14] =	ssyncset.done $0x0  }
0xad: {  	[sflag:s14] =	ssyncadd.s32 $0xFFFFEC00  }
0xae: {  	_ =	swait.ge [sflag:s15], $0x1400  }
0xaf: {  	s17 =	simm.s32 $0x320;
	s20 =	simm.s32 $0x640;
	[sflag:s15] =	ssyncset.done $0x0  }
.LBB2_4:
0xb0: {  	s19 =	sshra.s32 s17, $0x2  }
0xb1: {  	[sflag:s15] =	ssyncadd.s32 $0xFFFFEC00;
	s17 =	smov.u32 s20;
	s18 =	sadd.s32 $0x320, s20  }
0xb2: {  	[tilespmem:s26], [sflag:$0x2] =	stream.indirect.gather [hbm4b:s4+s30], $0x80, s19, s30, $0xb8;
	[tilespmem:$0x1F220] =	vst v63  }
0xb3: {  	p0 =	sne.s32 s20, $0x9920;
	s20 =	sadd.s32 $0x28, s19  }
0xb4: {  	[tilespmem:s31], [sflag:$0x3] =	stream.indirect.gather [hbm4b:s4+s30], $0x80, s20, s30, $0xb8;
	[tilespmem:$0x1F220] =	vst v63  }
0xb5: {  	s20 =	sadd.s32 $0x50, s19  }
0xb6: {  	[tilespmem:s0], [sflag:$0x4] =	stream.indirect.gather [hbm4b:s4+s30], $0x80, s20, s30, $0xb8;
	[tilespmem:$0x1F220] =	vst v63  }
0xb7: {  	s20 =	sadd.s32 $0x78, s19  }
0xb8: {  	[tilespmem:s25], [sflag:$0x5] =	stream.indirect.gather [hbm4b:s4+s30], $0x80, s20, s30, $0xb8;
	[tilespmem:$0x1F220] =	vst v63  }
0xb9: {  	s20 =	sadd.s32 $0xA0, s19  }
0xba: {  	[tilespmem:s1], [sflag:$0x6] =	stream.indirect.gather [hbm4b:s4+s30], $0x80, s20, s30, $0xb8;
	[tilespmem:$0x1F220] =	vst v63  }
0xbb: {  	_ =	swait.ge [sflag:s5], $0x1400  }
0xbc: {  	[sflag:s5] =	ssyncset.done $0x0  }
0xbd: {  	s20 =	sadd.s32 $0x2710, s19;
	[sflag:s5] =	ssyncadd.s32 $0xFFFFEC00  }
0xbe: {  	[spmem:s2] =	stream.indirect.scatter.add.f32 [tilespmem:s26], [sflag:$0x7], $0x80, s20, s30, $0xb8;
	[tilespmem:$0x1F220] =	vst v63  }
0xbf: {  	_ =	swait.ge [sflag:s6], $0x1400  }
0xc0: {  	[sflag:s6] =	ssyncset.done $0x0  }
0xc1: {  	s20 =	sadd.s32 $0x2738, s19;
	[sflag:s6] =	ssyncadd.s32 $0xFFFFEC00  }
0xc2: {  	[spmem:s2] =	stream.indirect.scatter.add.f32 [tilespmem:s31], [sflag:$0x8], $0x80, s20, s30, $0xb8;
	[tilespmem:$0x1F220] =	vst v63  }
0xc3: {  	_ =	swait.ge [sflag:s8], $0x1400  }
0xc4: {  	[sflag:s8] =	ssyncset.done $0x0  }
0xc5: {  	s20 =	sadd.s32 $0x2760, s19;
	[sflag:s8] =	ssyncadd.s32 $0xFFFFEC00  }
0xc6: {  	[spmem:s2] =	stream.indirect.scatter.add.f32 [tilespmem:s0], [sflag:$0x9], $0x80, s20, s30, $0xb8;
	[tilespmem:$0x1F220] =	vst v63  }
0xc7: {  	_ =	swait.ge [sflag:s9], $0x1400  }
0xc8: {  	[sflag:s9] =	ssyncset.done $0x0  }
0xc9: {  	s20 =	sadd.s32 $0x2788, s19;
	[sflag:s9] =	ssyncadd.s32 $0xFFFFEC00  }
0xca: {  	[spmem:s2] =	stream.indirect.scatter.add.f32 [tilespmem:s25], [sflag:$0xA], $0x80, s20, s30, $0xb8;
	[tilespmem:$0x1F220] =	vst v63  }
0xcb: {  	_ =	swait.ge [sflag:s10], $0x1400  }
0xcc: {  	[sflag:s10] =	ssyncset.done $0x0  }
0xcd: {  	s19 =	sadd.s32 $0x27B0, s19;
	[sflag:s10] =	ssyncadd.s32 $0xFFFFEC00  }
0xce: {  	[spmem:s2] =	stream.indirect.scatter.add.f32 [tilespmem:s1], [sflag:$0xB], $0x80, s19, s30, $0xb8;
	[tilespmem:$0x1F220] =	vst v63  }
0xcf: {  	_ =	swait.ge [sflag:s11], $0x1400  }
0xd0: {  	[sflag:s11] =	ssyncset.done $0x0  }
0xd1: {  	[sflag:s11] =	ssyncadd.s32 $0xFFFFEC00  }
0xd2: {  	_ =	swait.ge [sflag:s12], $0x1400  }
0xd3: {  	[sflag:s12] =	ssyncset.done $0x0  }
0xd4: {  	[sflag:s12] =	ssyncadd.s32 $0xFFFFEC00  }
0xd5: {  	_ =	swait.ge [sflag:s13], $0x1400  }
0xd6: {  	[sflag:s13] =	ssyncset.done $0x0  }
0xd7: {  	[sflag:s13] =	ssyncadd.s32 $0xFFFFEC00  }
.Ltmp1:
0xd8: {  	_ =	swait.ge [sflag:s14], $0x1400;
	(pc) =	sbr.rel @p0 .LBB2_4-.Ltmp1, $4  }
0xd9: {  	[sflag:s14] =	ssyncset.done $0x0  }
0xda: {  	[sflag:s14] =	ssyncadd.s32 $0xFFFFEC00  }
0xdb: {  	_ =	swait.ge [sflag:s15], $0x1400  }
0xdc: {  	s20 =	smov.u32 s18;
	[sflag:s15] =	ssyncset.done $0x0  }
0xdd: {  	s17 =	sshra.s32 s17, $0x2;
	[sflag:s15] =	ssyncadd.s32 $0xFFFFEC00  }
0xde: {  	[tilespmem:s26], [sflag:$0x2] =	stream.indirect.gather [hbm4b:s4+s30], $0x80, s17, s30, $0xb8;
	[tilespmem:$0x1F220] =	vst v63  }
0xdf: {  	s18 =	sadd.s32 $0x28, s17  }
0xe0: {  	[tilespmem:s31], [sflag:$0x3] =	stream.indirect.gather [hbm4b:s4+s30], $0x80, s18, s30, $0xb8;
	[tilespmem:$0x1F220] =	vst v63  }
0xe1: {  	s21 =	sadd.s32 $0x50, s17  }
0xe2: {  	[tilespmem:s0], [sflag:$0x4] =	stream.indirect.gather [hbm4b:s4+s30], $0x80, s21, s30, $0xb8;
	[tilespmem:$0x1F220] =	vst v63  }
0xe3: {  	s22 =	sadd.s32 $0x78, s17  }
0xe4: {  	[tilespmem:s25], [sflag:$0x5] =	stream.indirect.gather [hbm4b:s4+s30], $0x80, s22, s30, $0xb8;
	[tilespmem:$0x1F220] =	vst v63  }
0xe5: {  	s23 =	sadd.s32 $0xA0, s17  }
0xe6: {  	[tilespmem:s1], [sflag:$0x6] =	stream.indirect.gather [hbm4b:s4+s30], $0x80, s23, s30, $0xb8;
	[tilespmem:$0x1F220] =	vst v63  }
0xe7: {  	_ =	swait.ge [sflag:s5], $0x1400  }
0xe8: {  	[sflag:s5] =	ssyncset.done $0x0  }
0xe9: {  	s24 =	sadd.s32 $0x2710, s17;
	[sflag:s5] =	ssyncadd.s32 $0xFFFFEC00  }
0xea: {  	[spmem:s2] =	stream.indirect.scatter.add.f32 [tilespmem:s26], [sflag:$0x7], $0x80, s24, s30, $0xb8;
	[tilespmem:$0x1F220] =	vst v63  }
0xeb: {  	_ =	swait.ge [sflag:s6], $0x1400  }
0xec: {  	[sflag:s6] =	ssyncset.done $0x0  }
0xed: {  	s19 =	sadd.s32 $0x2738, s17;
	[sflag:s6] =	ssyncadd.s32 $0xFFFFEC00  }
0xee: {  	[spmem:s2] =	stream.indirect.scatter.add.f32 [tilespmem:s31], [sflag:$0x8], $0x80, s19, s30, $0xb8;
	[tilespmem:$0x1F220] =	vst v63  }
0xef: {  	_ =	swait.ge [sflag:s8], $0x1400  }
0xf0: {  	[sflag:s8] =	ssyncset.done $0x0  }
0xf1: {  	s20 =	sadd.s32 $0x2760, s17;
	[sflag:s8] =	ssyncadd.s32 $0xFFFFEC00  }
0xf2: {  	[spmem:s2] =	stream.indirect.scatter.add.f32 [tilespmem:s0], [sflag:$0x9], $0x80, s20, s30, $0xb8;
	[tilespmem:$0x1F220] =	vst v63  }
0xf3: {  	_ =	swait.ge [sflag:s9], $0x1400  }
0xf4: {  	[sflag:s9] =	ssyncset.done $0x0  }
0xf5: {  	s21 =	sadd.s32 $0x2788, s17;
	[sflag:s9] =	ssyncadd.s32 $0xFFFFEC00  }
0xf6: {  	[spmem:s2] =	stream.indirect.scatter.add.f32 [tilespmem:s25], [sflag:$0xA], $0x80, s21, s30, $0xb8;
	[tilespmem:$0x1F220] =	vst v63  }
0xf7: {  	_ =	swait.ge [sflag:s10], $0x1400  }
0xf8: {  	[sflag:s10] =	ssyncset.done $0x0  }
0xf9: {  	s17 =	sadd.s32 $0x27B0, s17;
	[sflag:s10] =	ssyncadd.s32 $0xFFFFEC00  }
0xfa: {  	[spmem:s2] =	stream.indirect.scatter.add.f32 [tilespmem:s1], [sflag:$0xB], $0x80, s17, s30, $0xb8;
	[tilespmem:$0x1F220] =	vst v63  }
0xfb: {  	_ =	swait.ge [sflag:s11], $0x1400  }
0xfc: {  	[sflag:s11] =	ssyncset.done $0x0  }
0xfd: {  	[sflag:s11] =	ssyncadd.s32 $0xFFFFEC00  }
0xfe: {  	_ =	swait.ge [sflag:s12], $0x1400  }
0xff: {  	[sflag:s12] =	ssyncset.done $0x0  }
0x100: {  	[sflag:s12] =	ssyncadd.s32 $0xFFFFEC00  }
0x101: {  	_ =	swait.ge [sflag:s13], $0x1400  }
0x102: {  	[sflag:s13] =	ssyncset.done $0x0  }
0x103: {  	[sflag:s13] =	ssyncadd.s32 $0xFFFFEC00  }
0x104: {  	_ =	swait.ge [sflag:s14], $0x1400  }
0x105: {  	[sflag:s14] =	ssyncset.done $0x0  }
0x106: {  	[sflag:s14] =	ssyncadd.s32 $0xFFFFEC00  }
0x107: {  	_ =	swait.ge [sflag:s15], $0x1400  }
0x108: {  	[sflag:s15] =	ssyncset.done $0x0  }
0x109: {  	s22 =	stileid.u32;
	[sflag:s15] =	ssyncadd.s32 $0xFFFFEC00  }
0x10a: {  	s17 =	sshll.u32 s22, $0x6;
	[bflag:$0x0] =	sbarrier.arrive $0xFFFF  }
0x10b: {  	s23 =	sshrl.u32 s7, $0x3;
	s17 =	sor.u32 $0x1C0C, s17;
	s19 =	rddreg [dreg:$0x14]  }
0x10c: {  	[hbm:s19], [sflag:s17] =	dma.local [spmem:s23], $0x2800  }
0x10d: {  	_ =	swait.ge [sflag:s28], $0x2800  }
0x10e: {  	s16 =	sadd.s32 $0x1, s16;
	s24 =	rddreg [dreg:$0x15]  }
0x10f: {  	p0 =	sne.s32 s16, s24  }
.Ltmp2:
0x110: {  	_ = 	snop;
	(pc) =	sbr.rel @p0 .LBB2_1-.Ltmp2, $3  }
0x111: {  	_ =	sdelay $0x1  }
0x112: {  	[sflag:s28] =	ssyncset.done $0x0  }
0x113: {  	[sflag:s28] =	ssyncadd.s32 $0xFFFFD800  }
0x114: {  	_ =	sfence.sel $0x180000  }
0x115: {  	[bflag:$0x0] =	sbarrier.arrive $0xFFFF  }
0x116: {  	_ =	strace $0x9000004A  }
0x117: {  	s0 =	stileid.u32;
	[bflag:$0x2] =	sbarrier.arrive $0xFFFF  }
0x118: {  	p0 =	sne.s32 s0, $0x0;
	s0 =	rddreg [dreg:$0x2]  }
0x119: {  	s0 =	sadd.s32 @!p0 $0x100000, s0  }
0x11a: {  	[sflag:s0] =	ssyncadd.tile.s32 @!p0 $0x1;
	_ =	shalt  }
.Lfunc_end2:
_tile_overlayer_lowered:
.L_overlay_start_2:
0x11b: {  	(tag) =	ssettag $0x2  }
0x11c: {  	s0 =	rddreg [dreg:$0x0];
	s2 =	stileid.u32  }
0x11d: {  	s1 =	rddreg [dreg:$0x1];
	p0 =	sne.s32 s2, $0x0  }
0x11e: {  	s3 =	rddreg [dreg:$0x2];
	[bflag:$0x3] =	sbarrier.arrive $0xFFFF;
	s2 =	simm.s32 @!p0 $0x1C0C  }
0x11f: {  	[timem:s3], [sflag:s2] =	dma.local @!p0 [hbm:s0], s1  }
0x120: {  	s0 =	simm.s32 @!p0 $0xC  }
0x121: {  	_ =	swait.ge @!p0 [sflag:s0], s1  }
0x122: {  	s1 =	ssub.s32 @!p0 $0x0, s1;
	[sflag:s0] =	ssyncset.done @!p0 $0x0  }
0x123: {  	[sflag:s0] =	ssyncadd.s32 @!p0 s1  }
0x124: {  	[bflag:$0x3] =	sbarrier.arrive $0xFFFF  }
0x125: {  	_ =	shalt  }

// kernel: kernel.14.cloned.1.call-start
scs
__scs_entry_jumppad:
0x0: {  	(pc) =	sbr.rel $0x88, $3  }
0x1: {  	(tag) =	ssettag $0x0;
	lr =	simm.s32 $0x1  }
0x2: {  	[smem:$0x3F9B] =	sst lr;
	_ =	strace $0xD0000000  }
0x3: {  	_ = 	snop  }
0x4: {  	_ = 	snop  }
0x5: {  	_ = 	snop  }
0x6: {  	_ = 	snop  }
0x7: {  	_ = 	snop  }
__scs_overlays_trampoline_lowered:
0x8: {  	[smem:$0x3FAA] =	sst s0  }
0x9: {  	[smem:$0x3FAB] =	sst s1  }
0xa: {  	[smem:$0x3FAC] =	sst s2  }
0xb: {  	[smem:$0x3FAD] =	sst s3  }
0xc: {  	[smem:$0x3FAE] =	sst s4  }
0xd: {  	[smem:$0x3FAF] =	sst s5  }
0xe: {  	[smem:$0x3FB0] =	sst s6  }
0xf: {  	[smem:$0x3FB1] =	sst s7  }
0x10: {  	[smem:$0x3FB2] =	sst s8  }
0x11: {  	[smem:$0x3FB3] =	sst s9;
	s0 =	simm.s32 @!p0 $0x0  }
0x12: {  	s1 =	sld [smem:$0x3F99];
	s0 =	simm.s32 @p0 $0x1  }
0x13: {  	[smem:$0x3FB4] =	sst s0;
	s0 =	simm.s32 @!p1 $0x0  }
0x14: {  	s2 =	sld [smem:$0x3F98];
	s0 =	simm.s32 @p1 $0x1  }
0x15: {  	[smem:$0x3FB5] =	sst s0;
	s0 =	simm.s32 @!p2 $0x0  }
0x16: {  	s3 =	sld [smem:$0x3FDB];
	s0 =	simm.s32 @p2 $0x1  }
0x17: {  	s4 =	simm.s32 $0x1BF5;
	[smem:$0x3FB7] =	sst s0  }
0x18: {  	s0 =	sld [smem:$0x3F9A];
	_ =	swait.ge [sflag:s4], $0x0  }
0x19: {  	s7 =	sld [smem:$0x3F9B]  }
0x1a: {  	s8 =	sadd.s32 $0xFFFFE003, lr  }
0x1b: {  	s9 =	sadd.s32 $0xFFFFFEF7, lr;
	s5 =	simm.s32 $0xFFFFFFFF;
	p2 =	slt.u32 s8, $0xFFFFF086  }
0x1c: {  	p1 =	slt.u32 s9, $0xF7A;
	s5 =	simm.s32 @!p2 $0x0  }
0x1d: {  	s5 =	simm.s32 @p1 $0x1;
	p0 =	seq.s32 s7, s2  }
0x1e: {  	s7 =	smul.u32 @!p0 $0xF7A, s2;
	p2 =	seq.s32 @!p0 s5, $0x0  }
0x1f: {  	s9 =	smul.u32 $0xF7A, s1;
	s8 =	simm.s32 @!p0 $0x1BF5;
	p2 =	por !p2, p0  }
0x20: {  	[sflag:s8] =	ssyncset.s32 @!p0 $0xFFFFF086;
	s6 =	sadd.s32 @!p0 s3, s7;
	s7 =	simm.s32 @!p0 $0x108  }
0x21: {  	s3 =	sadd.s32 s3, s9;
	s6 =	sadd.s32 @!p0 $0x88, s6;
	s7 =	simm.s32 @p2 $0x1082  }
0x22: {  	[simem:s7], [sflag:s8] =	dma.local @!p0 [hbm:s6], $0xF7A  }
0x23: {  	s9 =	sor.u32 $0xD0000000, s2;
	s6 =	simm.s32 $0x108;
	_ =	swait.ge @!p0 [sflag:s8], $0x0  }
0x24: {  	s3 =	sadd.s32 $0x88, s3;
	s6 =	simm.s32 @!p1 $0x1082;
	[sflag:s4] =	ssyncset.s32 $0xFFFFF086  }
0x25: {  	[simem:s6], [sflag:s4] =	dma.local [hbm:s3], $0xF7A  }
0x26: {  	[smem:$0x3F9B] =	sst s1;
	(tag) =	ssettag s2;
	_ =	strace s9  }
0x27: {  	s1 =	sld [smem:$0x3FAB]  }
0x28: {  	s2 =	sld [smem:$0x3FAC]  }
0x29: {  	s4 =	sld [smem:$0x3FAE]  }
0x2a: {  	p0 =	seq.s32 s5, $0x0;
	s5 =	sld [smem:$0x3FAF]  }
0x2b: {  	s6 =	sld [smem:$0x3FB0]  }
0x2c: {  	s7 =	sld [smem:$0x3FB1]  }
0x2d: {  	s3 =	simm.s32 $0x108;
	s8 =	sld [smem:$0x3FB2]  }
0x2e: {  	s3 =	simm.s32 @!p0 $0x1082;
	s9 =	sld [smem:$0x3FB3]  }
0x2f: {  	lr =	sadd.s32 s0, s3;
	s0 =	sld [smem:$0x3FAA]  }
0x30: {  	s3 =	sld [smem:$0x3FAD]  }
0x31: {  	[smem:$0x3FB6] =	sst s10  }
0x32: {  	s10 =	sld [smem:$0x3FB4];
	_ =	sdelay $0x3  }
0x33: {  	p0 =	seq.s32 s10, $0x1;
	s10 =	sld [smem:$0x3FB6];
	_ =	sdelay $0x3  }
0x34: {  	[smem:$0x3FB6] =	sst s10  }
0x35: {  	s10 =	sld [smem:$0x3FB5];
	_ =	sdelay $0x3  }
0x36: {  	p1 =	seq.s32 s10, $0x1;
	s10 =	sld [smem:$0x3FB6];
	_ =	sdelay $0x3  }
0x37: {  	[smem:$0x3FB6] =	sst s10  }
0x38: {  	s10 =	sld [smem:$0x3FB7]  }
0x39: {  	_ = 	snop;
	(pc) =	sbr.ind lr, $3  }
0x3a: {  	_ = 	snop  }
0x3b: {  	_ = 	snop  }
0x3c: {  	p2 =	seq.s32 s10, $0x1;
	s10 =	sld [smem:$0x3FB6]  }
0x3d: {  	_ =	shalt  }
0x3e: {  	_ =	shalt  }
0x3f: {  	_ =	shalt  }
0x40: {  	_ =	shalt  }
0x41: {  	_ =	shalt  }
0x42: {  	_ =	shalt  }
0x43: {  	_ =	shalt  }
0x44: {  	_ =	shalt  }
0x45: {  	_ =	shalt  }
0x46: {  	_ =	shalt  }
0x47: {  	_ =	shalt  }
0x48: {  	_ =	shalt  }
0x49: {  	_ =	shalt  }
0x4a: {  	_ =	shalt  }
0x4b: {  	_ =	shalt  }
0x4c: {  	_ =	shalt  }
0x4d: {  	_ =	shalt  }
0x4e: {  	_ =	shalt  }
0x4f: {  	_ =	shalt  }
0x50: {  	_ =	shalt  }
0x51: {  	_ =	shalt  }
0x52: {  	_ =	shalt  }
0x53: {  	_ =	shalt  }
0x54: {  	_ =	shalt  }
0x55: {  	_ =	shalt  }
0x56: {  	_ =	shalt  }
0x57: {  	_ =	shalt  }
0x58: {  	_ =	shalt  }
0x59: {  	_ =	shalt  }
0x5a: {  	_ =	shalt  }
0x5b: {  	_ =	shalt  }
0x5c: {  	_ =	shalt  }
0x5d: {  	_ =	shalt  }
0x5e: {  	_ =	shalt  }
0x5f: {  	_ =	shalt  }
0x60: {  	_ =	shalt  }
0x61: {  	_ =	shalt  }
0x62: {  	_ =	shalt  }
0x63: {  	_ =	shalt  }
0x64: {  	_ =	shalt  }
0x65: {  	_ =	shalt  }
0x66: {  	_ =	shalt  }
0x67: {  	_ =	shalt  }
0x68: {  	_ =	shalt  }
0x69: {  	_ =	shalt  }
0x6a: {  	_ =	shalt  }
0x6b: {  	_ =	shalt  }
0x6c: {  	_ =	shalt  }
0x6d: {  	_ =	shalt  }
0x6e: {  	_ =	shalt  }
0x6f: {  	_ =	shalt  }
0x70: {  	_ =	shalt  }
0x71: {  	_ =	shalt  }
0x72: {  	_ =	shalt  }
0x73: {  	_ =	shalt  }
0x74: {  	_ =	shalt  }
0x75: {  	_ =	shalt  }
0x76: {  	_ =	shalt  }
0x77: {  	_ =	shalt  }
0x78: {  	_ =	shalt  }
0x79: {  	_ =	shalt  }
0x7a: {  	_ =	shalt  }
0x7b: {  	_ =	shalt  }
0x7c: {  	_ =	shalt  }
0x7d: {  	_ =	shalt  }
0x7e: {  	_ =	shalt  }
0x7f: {  	_ =	shalt  }
0x80: {  	_ =	shalt  }
0x81: {  	_ =	shalt  }
0x82: {  	_ =	shalt  }
0x83: {  	_ =	shalt  }
0x84: {  	_ =	shalt  }
0x85: {  	_ =	shalt  }
0x86: {  	_ =	shalt  }
0x87: {  	_ =	shalt  }
.Lfunc_end0:
.L_simem_size_0:
called_computation.2_lowered:
.L_overlay_start_0:
0x88: {  	s2 =	sld [smem:$0x3FD9]  }
0x89: {  	s3 =	sld [smem:$0x3FFE];
	_ =	sdelay $0x1  }
0x8a: {  	s1 =	srdreg.scid  }
0x8b: {  	s0 =	sand.u32 $0x1, s1  }
0x8c: {  	s17 =	sshll.u32 s0, $0xA;
	s2 =	sadd.s32 s3, s2  }
0x8d: {  	s2 =	sadd.s32 s2, s17  }
0x8e: {  	[smem:$0x3FC2] =	sst s2  }
0x8f: {  	_ = 	snop  }
0x90: {  	s2 =	sld [smem:$0x3FD0];
	(tm) =	ssettm $0x1  }
0x91: {  	s18 =	sld [smem:$0x3FFB];
	_ =	sdelay $0x3  }
0x92: {  	_ =	strace s18  }
0x93: {  	s3 =	sld [smem:$0x3FFC];
	_ =	sdelay $0x3  }
0x94: {  	_ =	strace s3  }
0x95: {  	s3 =	sld [smem:$0x3FFD];
	_ =	sdelay $0x3  }
0x96: {  	_ =	strace s3  }
0x97: {  	_ =	strace $0x8FFFFFFF  }
0x98: {  	s19 =	sld [smem:$0x3FDB];
	_ =	sdelay $0x1  }
0x99: {  	s4 =	simm.s32 $_scs_section_size  }
0x9a: {  	s5 =	simm.s32 $_size__tile_overlayer_lowered;
	s6 =	simm.s32 $_tile_overlayer_lowered  }
0x9b: {  	s22 =	simm.s32 $0x1BFF;
	s21 =	sshll.u32 s6, $0x1;
	s3 =	sadd.s32 s4, s19  }
0x9c: {  	s7 =	simm.s32 $0x0;
	s20 =	sshll.u32 s5, $0x1;
	s5 =	sadd.s32 s21, s3  }
0x9d: {  	[timem:s7], [sflag:s22] =	dma.local [hbm:s5], s20  }
0x9e: {  	_ =	swait.ge [sflag:s22], s20  }
0x9f: {  	s4 =	ssub.s32 $0x0, s20;
	[sflag:s22] =	ssyncset.done $0x0  }
0xa0: {  	[sflag:s22] =	ssyncadd.s32 s4;
	_ =	sdelay $0x1  }
0xa1: {  	s23 =	simm.s32 $0x1B8B  }
0xa2: {  	_ =	swait.ge [sflag:s23], $0x1  }
0xa3: {  	[sflag:s23] =	ssyncset.done $0x0  }
0xa4: {  	s25 =	simm.s32 $0x1B8E;
	s24 =	sld [smem:$0x3FFE];
	[sflag:s23] =	ssyncadd.s32 $0xFFFFFFFF  }
0xa5: {  	s26 =	simm.s32 $execute0_lowered;
	[smem:$0x3FD2] =	sst s25  }
0xa6: {  	s5 =	sshll.u32 s26, $0x1;
	_ =	strace $0x8000004C;
	[dreg:$0x1] =	wrdreg $0xFFFFFFFF  }
0xa7: {  	s28 =	simm.s32 $_size_execute0_lowered;
	s3 =	sadd.s32 s3, s5;
	[dreg:$0x0] =	wrdreg $0x0  }
0xa8: {  	s5 =	sshll.u32 s28, $0x1;
	[dreg:$0x2] =	wrdreg s3  }
0xa9: {  	[dreg:$0x3] =	wrdreg s5  }
0xaa: {  	[dreg:$0x4] =	wrdreg $0xC0  }
0xab: {  	_ =	task [dreg:s7], $0x5FFFF  }
0xac: {  	[dreg:$0x1] =	wrdreg $0xFFFFFFFF  }
0xad: {  	[dreg:$0x0] =	wrdreg $0x60  }
0xae: {  	[dreg:$0x2] =	wrdreg s2  }
0xaf: {  	[dreg:$0x3] =	wrdreg s24  }
0xb0: {  	[dreg:$0x4] =	wrdreg $0xB2200  }
0xb1: {  	[dreg:$0x5] =	wrdreg $0x9  }
0xb2: {  	_ =	task.clear_ibuf [dreg:s7], $0x6FFFF;
	_ =	strace $0x9000004C  }
0xb3: {  	s29 =	simm.s32 $0x9;
	_ =	strace $0x8000004E  }
0xb4: {  	_ =	swait.ge [sflag:s29], $0x1  }
0xb5: {  	[sflag:s29] =	ssyncadd.s32 $0xFFFFFFFF  }
0xb6: {  	_ =	strace $0x9000004E  }
0xb7: {  	_ =	sfence  }
0xb8: {  	s30 =	sld [smem:$0x0];
	_ =	sdelay $0x2  }
0xb9: {  	s31 =	sshll.u32 s1, $0xD;
	s1 =	sshrl.u32 s1, $0x2  }
0xba: {  	s3 =	sand.u32 $0x4000, s31;
	s1 =	sadd.s32 s1, s30  }
0xbb: {  	s0 =	sor.u32 s3, s0;
	s1 =	sshll.u32 s1, $0x11  }
0xbc: {  	s0 =	sor.u32 s1, s0  }
0xbd: {  	s0 =	sadd.s32 $0x8F2B, s0  }
0xbe: {  	[sflag:s0] =	ssyncadd.remote.s32 $0x1  }
0xbf: {  	_ =	sfence.sel $0xFFFF  }
0xc0: {  	[dreg:$0x0] =	wrdreg $0xFFFFFFFF;
	(pc) =	sbr.abs _section_cstart, $3  }
0xc1: {  	[dreg:$0x1] =	wrdreg $0xFFFFFFFF  }
0xc2: {  	_ =	task.clear_ibuf [dreg:s7], $0x2FFFF;
	_ =	strace $0x9FFFFFFF  }
0xc3: {  	(tm) =	ssettm $0x7FFFFFFF  }
tec
execute0_lowered:
.L_overlay_start_1:
0x0: {  	(tag) =	ssettag $0x1  }
0x1: {  	s1 =	rddreg [dreg:$0x0]  }
0x2: {  	s0 =	rddreg [dreg:$0x1]  }
0x3: {  	s3 =	rddreg [dreg:$0x2]  }
0x4: {  	s7 =	simm.s32 $0x0;
	s2 =	srdreg.scid;
	s4 =	stileid.u32  }
0x5: {  	s28 =	simm.s32 $0x3;
	s29 =	simm.s32 $0x4;
	s30 =	simm.s32 $0x5  }
0x6: {  	s31 =	simm.s32 $0x6;
	s2 =	sand.u32 $0x1, s2;
	s6 =	smul.u32 $0xA000, s4  }
0x7: {  	s5 =	sshll.u32 s4, $0x1;
	[smem:$0x7FF] =	sst s7;
	s8 =	smul.u32 $0x28000, s4  }
0x8: {  	s5 =	sor.u32 s2, s5;
	s14 =	smul.u32 $0xA0000, s2;
	_ =	strace $0x8000004D  }
0x9: {  	s2 =	ssub.s32 $0x2, s2;
	s5 =	smul.u32 $0x4E2, s5;
	s15 =	sshrl.u32 s8, $0x2  }
0xa: {  	s9 =	sshrl.u32 s2, $0x1;
	s8 =	simm.s32 $0x0;
	s18 =	sadd.s32 s15, s3  }
0xb: {  	s7 =	sadd.s32 s6, s14;
	s2 =	ssub.s32 s2, s9;
	s19 =	sadd.s32 $0x1400, s18  }
0xc: {  	s5 =	sadd.s32 s5, s0;
	s20 =	sadd.s32 $0x2800, s18;
	[dreg:$0x6] =	wrdreg s19  }
0xd: {  	s7 =	sshrl.u32 s7, $0x3;
	s21 =	sadd.s32 $0x3C00, s18;
	[dreg:$0x7] =	wrdreg s20  }
0xe: {  	s22 =	sadd.s32 $0x5000, s18;
	s23 =	sadd.s32 $0x6400, s18;
	[dreg:$0x8] =	wrdreg s21  }
0xf: {  	s24 =	sadd.s32 $0x7800, s18;
	s25 =	sadd.s32 $0x8C00, s18;
	[dreg:$0x9] =	wrdreg s22  }
0x10: {  	s26 =	smax.u32 s2, $0x1;
	s18 =	simm.s32 $0x4E20;
	[dreg:$0xa] =	wrdreg s23  }
0x11: {  	s2 =	simm.s32 $0x9;
	s0 =	sadd.s32 s7, s0;
	[dreg:$0xb] =	wrdreg s24  }
0x12: {  	s16 =	sadd.s32 $0x1A00, s5;
	s17 =	sadd.s32 $0xB800, s5;
	[dreg:$0xc] =	wrdreg s25  }
0x13: {  	s7 =	sadd.s32 s6, s3;
	[dreg:$0xe] =	wrdreg s26;
	s19 =	simm.s32 $0xC  }
0x14: {  	s20 =	simm.s32 $0x1;
	s21 =	simm.s32 $0x50;
	s22 =	simm.s32 $0x6220  }
0x15: {  	s23 =	simm.s32 $0x7620;
	s24 =	simm.s32 $0x8A20;
	s25 =	simm.s32 $0x9E20  }
0x16: {  	s26 =	simm.s32 $0x2;
	s5 =	simm.s32 $0xA;
	[dreg:$0x4] =	wrdreg s16  }
0x17: {  	s6 =	simm.s32 $0xB;
	[dreg:$0x5] =	wrdreg s17;
	s0 =	sadd.s32 $0x15600, s0  }
0x18: {  	v0 =	vimm.f32 $0.0e+00;
	s17 =	simm.s32 $0x8;
	[dreg:$0xd] =	wrdreg s0;
	s0 =	simm.s32 $0x7  }
.LBB2_1:
0x19: {  	s4 =	simm.s32 $0x0;
	s9 =	rddreg [dreg:$0x4];
	s15 =	simm.s32 $0x0  }
0x1a: {  	[tilespmem:s4], [sflag:$0x1] =	stream.linear.gather [hbm4b:s9+s4], $0x2710, $0x38;
	[tilespmem:$0x15220] =	vst v63  }
0x1b: {  	s14 =	rddreg [dreg:$0x5];
	s10 =	simm.s32 $0x2710;
	s9 =	smul.u32 $0xCCCD, s15  }
0x1c: {  	[tilespmem:s10], [sflag:$0x1] =	stream.linear.gather [hbm4b:s14+s4], $0x2710, $0x38;
	[tilespmem:$0x15220] =	vst v63  }
0x1d: {  	s16 =	smul.u32 $0xCCCD, s4;
	s9 =	sshrl.u32 s9, $0x16  }
0x1e: {  	s13 =	simm.s32 $0x1;
	s11 =	smul.u32 $0x50, s9  }
0x1f: {  	s13 =	smul.u32 $0xCCCD, s13;
	s10 =	sshrl.u32 s16, $0x18  }
0x20: {  	s9 =	simm.s32 $0x0;
	s12 =	smul.u32 $0x5000, s10;
	s11 =	ssub.s32 $0x0, s11  }
0x21: {  	s16 =	sand.u32 $0x30, s4;
	s14 =	smul.u32 $0xCCCD, s9;
	s11 =	sand.u32 $0xFFFF, s11  }
0x22: {  	s10 =	simm.s32 $0x2;
	s12 =	sshrl.u32 s12, $0x2;
	s11 =	sshll.u32 s11, $0x6  }
0x23: {  	s15 =	sshrl.u32 s14, $0x16;
	s14 =	sshrl.u32 s13, $0x18;
	s11 =	sadd.s32 s11, s12  }
0x24: {  	s12 =	smul.u32 $0x50, s15;
	s13 =	sor.u32 s16, s11;
	s11 =	simm.s32 $0x0  }
.LBB2_2:
0x25: {  	s14 =	smul.u32 $0x5000, s14;
	[tilespmem:s13+$0x4E20] =	vst v0;
	s13 =	smov.u32 s9  }
0x26: {  	s9 =	sshrl.u32 s10, $0x2;
	s15 =	smov.u32 s10;
	p0 =	sne.s32 s10, $0x63F  }
.Ltmp0:
0x27: {  	s10 =	sadd.s32 $0x1, s10;
	s12 =	ssub.s32 s13, s12;
	(pc) =	sbr.rel @p0 .LBB2_2-.Ltmp0, $4  }
0x28: {  	s11 =	sadd.s32 $0x10, s11;
	s13 =	smul.u32 $0xCCCD, s9;
	s12 =	sand.u32 $0xFFFF, s12  }
0x29: {  	s15 =	smul.u32 $0xCCCD, s15;
	s14 =	sshrl.u32 s14, $0x2;
	s12 =	sshll.u32 s12, $0x6  }
0x2a: {  	s16 =	sand.u32 $0x30, s11;
	s13 =	sshrl.u32 s13, $0x16;
	s4 =	sadd.s32 s12, s14  }
0x2b: {  	s14 =	sshrl.u32 s15, $0x18;
	s12 =	smul.u32 $0x50, s13;
	s13 =	sor.u32 s16, s4  }
0x2c: {  	_ = 	snop  }
0x2d: {  	s14 =	smul.u32 $0x5000, s14;
	s4 =	ssub.s32 s9, s12  }
0x2e: {  	s4 =	sand.u32 $0xFFFF, s4  }
0x2f: {  	s10 =	sadd.s32 $0x10, s11;
	s9 =	sshrl.u32 s14, $0x2;
	s4 =	sshll.u32 s4, $0x6  }
0x30: {  	s15 =	sand.u32 $0x30, s10;
	s4 =	sadd.s32 s4, s9  }
0x31: {  	[tilespmem:s13+$0x4E20] =	vst v0;
	s4 =	sor.u32 s15, s4  }
0x32: {  	[tilespmem:s4+$0x4E20] =	vst v0  }
0x33: {  	[spmem:s7] =	stream.linear.scatter [tilespmem:s18], [sflag:$0xC], $0x1400, $0x38;
	[tilespmem:$0x15220] =	vst v63  }
0x34: {  	_ =	swait.ge [sflag:s19], $0x1400  }
0x35: {  	[sflag:s19] =	ssyncset.done $0x0  }
0x36: {  	s16 =	rddreg [dreg:$0x6];
	[sflag:s19] =	ssyncadd.s32 $0xFFFFEC00  }
0x37: {  	[spmem:s16] =	stream.linear.scatter [tilespmem:s18], [sflag:$0xC], $0x1400, $0x38;
	[tilespmem:$0x15220] =	vst v63  }
0x38: {  	_ =	swait.ge [sflag:s19], $0x1400  }
0x39: {  	[sflag:s19] =	ssyncset.done $0x0  }
0x3a: {  	s9 =	rddreg [dreg:$0x7];
	[sflag:s19] =	ssyncadd.s32 $0xFFFFEC00  }
0x3b: {  	[spmem:s9] =	stream.linear.scatter [tilespmem:s18], [sflag:$0xC], $0x1400, $0x38;
	[tilespmem:$0x15220] =	vst v63  }
0x3c: {  	_ =	swait.ge [sflag:s19], $0x1400  }
0x3d: {  	[sflag:s19] =	ssyncset.done $0x0  }
0x3e: {  	s10 =	rddreg [dreg:$0x8];
	[sflag:s19] =	ssyncadd.s32 $0xFFFFEC00  }
0x3f: {  	[spmem:s10] =	stream.linear.scatter [tilespmem:s18], [sflag:$0xC], $0x1400, $0x38;
	[tilespmem:$0x15220] =	vst v63  }
0x40: {  	_ =	swait.ge [sflag:s19], $0x1400  }
0x41: {  	[sflag:s19] =	ssyncset.done $0x0  }
0x42: {  	s11 =	rddreg [dreg:$0x9];
	[sflag:s19] =	ssyncadd.s32 $0xFFFFEC00  }
0x43: {  	[spmem:s11] =	stream.linear.scatter [tilespmem:s18], [sflag:$0xC], $0x1400, $0x38;
	[tilespmem:$0x15220] =	vst v63  }
0x44: {  	_ =	swait.ge [sflag:s19], $0x1400  }
0x45: {  	[sflag:s19] =	ssyncset.done $0x0  }
0x46: {  	s12 =	rddreg [dreg:$0xa];
	[sflag:s19] =	ssyncadd.s32 $0xFFFFEC00  }
0x47: {  	[spmem:s12] =	stream.linear.scatter [tilespmem:s18], [sflag:$0xC], $0x1400, $0x38;
	[tilespmem:$0x15220] =	vst v63  }
0x48: {  	_ =	swait.ge [sflag:s19], $0x1400  }
0x49: {  	[sflag:s19] =	ssyncset.done $0x0  }
0x4a: {  	s13 =	rddreg [dreg:$0xb];
	[sflag:s19] =	ssyncadd.s32 $0xFFFFEC00  }
0x4b: {  	[spmem:s13] =	stream.linear.scatter [tilespmem:s18], [sflag:$0xC], $0x1400, $0x38;
	[tilespmem:$0x15220] =	vst v63  }
0x4c: {  	_ =	swait.ge [sflag:s19], $0x1400  }
0x4d: {  	[sflag:s19] =	ssyncset.done $0x0  }
0x4e: {  	s14 =	rddreg [dreg:$0xc];
	[sflag:s19] =	ssyncadd.s32 $0xFFFFEC00  }
0x4f: {  	[spmem:s14] =	stream.linear.scatter [tilespmem:s18], [sflag:$0xC], $0x1400, $0x38;
	[tilespmem:$0x15220] =	vst v63  }
0x50: {  	_ =	swait.ge [sflag:s19], $0x1400  }
0x51: {  	[sflag:s19] =	ssyncset.done $0x0  }
0x52: {  	[sflag:s19] =	ssyncadd.s32 $0xFFFFEC00  }
0x53: {  	_ =	swait.ge [sflag:s20], $0x2710  }
0x54: {  	[sflag:s20] =	ssyncset.done $0x0  }
0x55: {  	[sflag:s20] =	ssyncadd.s32 $0xFFFFD8F0  }
0x56: {  	_ =	swait.ge [sflag:s20], $0x2710  }
0x57: {  	[sflag:s20] =	ssyncset.done $0x0  }
0x58: {  	[sflag:s20] =	ssyncadd.s32 $0xFFFFD8F0  }
0x59: {  	s15 =	simm.s32 $0x0;
	[bflag:$0x0] =	sbarrier.arrive $0xFFFF  }
0x5a: {  	[tilespmem:s18], [sflag:$0x2] =	stream.indirect.gather [hbm4b:s1+s21], $0x40, s15, s21, $0xb8;
	[tilespmem:$0x15220] =	vst v63  }
0x5b: {  	s16 =	simm.s32 $0x50  }
0x5c: {  	[tilespmem:s22], [sflag:$0x3] =	stream.indirect.gather [hbm4b:s1+s21], $0x40, s16, s21, $0xb8;
	[tilespmem:$0x15220] =	vst v63  }
0x5d: {  	s9 =	simm.s32 $0xA0  }
0x5e: {  	[tilespmem:s23], [sflag:$0x4] =	stream.indirect.gather [hbm4b:s1+s21], $0x40, s9, s21, $0xb8;
	[tilespmem:$0x15220] =	vst v63  }
0x5f: {  	s10 =	simm.s32 $0xF0  }
0x60: {  	[tilespmem:s24], [sflag:$0x5] =	stream.indirect.gather [hbm4b:s1+s21], $0x40, s10, s21, $0xb8;
	[tilespmem:$0x15220] =	vst v63  }
0x61: {  	s11 =	simm.s32 $0x140  }
0x62: {  	[tilespmem:s25], [sflag:$0x6] =	stream.indirect.gather [hbm4b:s1+s21], $0x40, s11, s21, $0xb8;
	[tilespmem:$0x15220] =	vst v63  }
0x63: {  	_ =	swait.ge [sflag:s26], $0x1400  }
0x64: {  	[sflag:s26] =	ssyncset.done $0x0  }
0x65: {  	s12 =	simm.s32 $0x2710;
	[sflag:s26] =	ssyncadd.s32 $0xFFFFEC00  }
0x66: {  	[spmem:s3] =	stream.indirect.scatter.add.f32 [tilespmem:s18], [sflag:$0x7], $0x40, s12, s21, $0xb8;
	[tilespmem:$0x15220] =	vst v63  }
0x67: {  	_ =	swait.ge [sflag:s28], $0x1400  }
0x68: {  	[sflag:s28] =	ssyncset.done $0x0  }
0x69: {  	s13 =	simm.s32 $0x2760;
	[sflag:s28] =	ssyncadd.s32 $0xFFFFEC00  }
0x6a: {  	[spmem:s3] =	stream.indirect.scatter.add.f32 [tilespmem:s22], [sflag:$0x8], $0x40, s13, s21, $0xb8;
	[tilespmem:$0x15220] =	vst v63  }
0x6b: {  	_ =	swait.ge [sflag:s29], $0x1400  }
0x6c: {  	[sflag:s29] =	ssyncset.done $0x0  }
0x6d: {  	s14 =	simm.s32 $0x27B0;
	[sflag:s29] =	ssyncadd.s32 $0xFFFFEC00  }
0x6e: {  	[spmem:s3] =	stream.indirect.scatter.add.f32 [tilespmem:s23], [sflag:$0x9], $0x40, s14, s21, $0xb8;
	[tilespmem:$0x15220] =	vst v63  }
0x6f: {  	_ =	swait.ge [sflag:s30], $0x1400  }
0x70: {  	[sflag:s30] =	ssyncset.done $0x0  }
0x71: {  	s15 =	simm.s32 $0x2800;
	[sflag:s30] =	ssyncadd.s32 $0xFFFFEC00  }
0x72: {  	[spmem:s3] =	stream.indirect.scatter.add.f32 [tilespmem:s24], [sflag:$0xA], $0x40, s15, s21, $0xb8;
	[tilespmem:$0x15220] =	vst v63  }
0x73: {  	_ =	swait.ge [sflag:s31], $0x1400  }
0x74: {  	[sflag:s31] =	ssyncset.done $0x0  }
0x75: {  	s16 =	simm.s32 $0x2850;
	[sflag:s31] =	ssyncadd.s32 $0xFFFFEC00  }
0x76: {  	[spmem:s3] =	stream.indirect.scatter.add.f32 [tilespmem:s25], [sflag:$0xB], $0x40, s16, s21, $0xb8;
	[tilespmem:$0x15220] =	vst v63  }
0x77: {  	_ =	swait.ge [sflag:s0], $0x1400  }
0x78: {  	[sflag:s0] =	ssyncset.done $0x0  }
0x79: {  	[sflag:s0] =	ssyncadd.s32 $0xFFFFEC00  }
0x7a: {  	_ =	swait.ge [sflag:s17], $0x1400  }
0x7b: {  	[sflag:s17] =	ssyncset.done $0x0  }
0x7c: {  	[sflag:s17] =	ssyncadd.s32 $0xFFFFEC00  }
0x7d: {  	_ =	swait.ge [sflag:s2], $0x1400  }
0x7e: {  	[sflag:s2] =	ssyncset.done $0x0  }
0x7f: {  	[sflag:s2] =	ssyncadd.s32 $0xFFFFEC00  }
0x80: {  	_ =	swait.ge [sflag:s5], $0x1400  }
0x81: {  	[sflag:s5] =	ssyncset.done $0x0  }
0x82: {  	[sflag:s5] =	ssyncadd.s32 $0xFFFFEC00  }
0x83: {  	_ =	swait.ge [sflag:s6], $0x1400  }
0x84: {  	s9 =	simm.s32 $0x640;
	s12 =	simm.s32 $0xC80;
	[sflag:s6] =	ssyncset.done $0x0  }
.LBB2_4:
0x85: {  	s11 =	sshra.s32 s9, $0x2  }
0x86: {  	[sflag:s6] =	ssyncadd.s32 $0xFFFFEC00;
	s9 =	smov.u32 s12;
	s10 =	sadd.s32 $0x640, s12  }
0x87: {  	[tilespmem:s18], [sflag:$0x2] =	stream.indirect.gather [hbm4b:s1+s21], $0x40, s11, s21, $0xb8;
	[tilespmem:$0x15220] =	vst v63  }
0x88: {  	p0 =	sne.s32 s12, $0x9600;
	s4 =	sadd.s32 $0x50, s11  }
0x89: {  	[tilespmem:s22], [sflag:$0x3] =	stream.indirect.gather [hbm4b:s1+s21], $0x40, s4, s21, $0xb8;
	[tilespmem:$0x15220] =	vst v63  }
0x8a: {  	s4 =	sadd.s32 $0xA0, s11  }
0x8b: {  	[tilespmem:s23], [sflag:$0x4] =	stream.indirect.gather [hbm4b:s1+s21], $0x40, s4, s21, $0xb8;
	[tilespmem:$0x15220] =	vst v63  }
0x8c: {  	s4 =	sadd.s32 $0xF0, s11  }
0x8d: {  	[tilespmem:s24], [sflag:$0x5] =	stream.indirect.gather [hbm4b:s1+s21], $0x40, s4, s21, $0xb8;
	[tilespmem:$0x15220] =	vst v63  }
0x8e: {  	s4 =	sadd.s32 $0x140, s11  }
0x8f: {  	[tilespmem:s25], [sflag:$0x6] =	stream.indirect.gather [hbm4b:s1+s21], $0x40, s4, s21, $0xb8;
	[tilespmem:$0x15220] =	vst v63  }
0x90: {  	_ =	swait.ge [sflag:s26], $0x1400  }
0x91: {  	[sflag:s26] =	ssyncset.done $0x0  }
0x92: {  	s4 =	sadd.s32 $0x2710, s11;
	[sflag:s26] =	ssyncadd.s32 $0xFFFFEC00  }
0x93: {  	[spmem:s3] =	stream.indirect.scatter.add.f32 [tilespmem:s18], [sflag:$0x7], $0x40, s4, s21, $0xb8;
	[tilespmem:$0x15220] =	vst v63  }
0x94: {  	_ =	swait.ge [sflag:s28], $0x1400  }
0x95: {  	[sflag:s28] =	ssyncset.done $0x0  }
0x96: {  	s4 =	sadd.s32 $0x2760, s11;
	[sflag:s28] =	ssyncadd.s32 $0xFFFFEC00  }
0x97: {  	[spmem:s3] =	stream.indirect.scatter.add.f32 [tilespmem:s22], [sflag:$0x8], $0x40, s4, s21, $0xb8;
	[tilespmem:$0x15220] =	vst v63  }
0x98: {  	_ =	swait.ge [sflag:s29], $0x1400  }
0x99: {  	[sflag:s29] =	ssyncset.done $0x0  }
0x9a: {  	s4 =	sadd.s32 $0x27B0, s11;
	[sflag:s29] =	ssyncadd.s32 $0xFFFFEC00  }
0x9b: {  	[spmem:s3] =	stream.indirect.scatter.add.f32 [tilespmem:s23], [sflag:$0x9], $0x40, s4, s21, $0xb8;
	[tilespmem:$0x15220] =	vst v63  }
0x9c: {  	_ =	swait.ge [sflag:s30], $0x1400  }
0x9d: {  	[sflag:s30] =	ssyncset.done $0x0  }
0x9e: {  	s4 =	sadd.s32 $0x2800, s11;
	[sflag:s30] =	ssyncadd.s32 $0xFFFFEC00  }
0x9f: {  	[spmem:s3] =	stream.indirect.scatter.add.f32 [tilespmem:s24], [sflag:$0xA], $0x40, s4, s21, $0xb8;
	[tilespmem:$0x15220] =	vst v63  }
0xa0: {  	_ =	swait.ge [sflag:s31], $0x1400  }
0xa1: {  	[sflag:s31] =	ssyncset.done $0x0  }
0xa2: {  	s4 =	sadd.s32 $0x2850, s11;
	[sflag:s31] =	ssyncadd.s32 $0xFFFFEC00  }
0xa3: {  	[spmem:s3] =	stream.indirect.scatter.add.f32 [tilespmem:s25], [sflag:$0xB], $0x40, s4, s21, $0xb8;
	[tilespmem:$0x15220] =	vst v63  }
0xa4: {  	_ =	swait.ge [sflag:s0], $0x1400  }
0xa5: {  	[sflag:s0] =	ssyncset.done $0x0  }
0xa6: {  	[sflag:s0] =	ssyncadd.s32 $0xFFFFEC00  }
0xa7: {  	_ =	swait.ge [sflag:s17], $0x1400  }
0xa8: {  	[sflag:s17] =	ssyncset.done $0x0  }
0xa9: {  	[sflag:s17] =	ssyncadd.s32 $0xFFFFEC00  }
0xaa: {  	_ =	swait.ge [sflag:s2], $0x1400  }
0xab: {  	[sflag:s2] =	ssyncset.done $0x0  }
0xac: {  	[sflag:s2] =	ssyncadd.s32 $0xFFFFEC00  }
.Ltmp1:
0xad: {  	_ =	swait.ge [sflag:s5], $0x1400;
	(pc) =	sbr.rel @p0 .LBB2_4-.Ltmp1, $4  }
0xae: {  	[sflag:s5] =	ssyncset.done $0x0  }
0xaf: {  	[sflag:s5] =	ssyncadd.s32 $0xFFFFEC00  }
0xb0: {  	_ =	swait.ge [sflag:s6], $0x1400  }
0xb1: {  	s12 =	smov.u32 s10;
	[sflag:s6] =	ssyncset.done $0x0  }
0xb2: {  	s4 =	sshra.s32 s9, $0x2;
	[sflag:s6] =	ssyncadd.s32 $0xFFFFEC00  }
0xb3: {  	[tilespmem:s18], [sflag:$0x2] =	stream.indirect.gather [hbm4b:s1+s21], $0x40, s4, s21, $0xb8;
	[tilespmem:$0x15220] =	vst v63  }
0xb4: {  	s9 =	sadd.s32 $0x50, s4  }
0xb5: {  	[tilespmem:s22], [sflag:$0x3] =	stream.indirect.gather [hbm4b:s1+s21], $0x40, s9, s21, $0xb8;
	[tilespmem:$0x15220] =	vst v63  }
0xb6: {  	s14 =	sadd.s32 $0xA0, s4  }
0xb7: {  	[tilespmem:s23], [sflag:$0x4] =	stream.indirect.gather [hbm4b:s1+s21], $0x40, s14, s21, $0xb8;
	[tilespmem:$0x15220] =	vst v63  }
0xb8: {  	s15 =	sadd.s32 $0xF0, s4  }
0xb9: {  	[tilespmem:s24], [sflag:$0x5] =	stream.indirect.gather [hbm4b:s1+s21], $0x40, s15, s21, $0xb8;
	[tilespmem:$0x15220] =	vst v63  }
0xba: {  	s16 =	sadd.s32 $0x140, s4  }
0xbb: {  	[tilespmem:s25], [sflag:$0x6] =	stream.indirect.gather [hbm4b:s1+s21], $0x40, s16, s21, $0xb8;
	[tilespmem:$0x15220] =	vst v63  }
0xbc: {  	_ =	swait.ge [sflag:s26], $0x1400  }
0xbd: {  	[sflag:s26] =	ssyncset.done $0x0  }
0xbe: {  	s10 =	sadd.s32 $0x2710, s4;
	[sflag:s26] =	ssyncadd.s32 $0xFFFFEC00  }
0xbf: {  	[spmem:s3] =	stream.indirect.scatter.add.f32 [tilespmem:s18], [sflag:$0x7], $0x40, s10, s21, $0xb8;
	[tilespmem:$0x15220] =	vst v63  }
0xc0: {  	_ =	swait.ge [sflag:s28], $0x1400  }
0xc1: {  	[sflag:s28] =	ssyncset.done $0x0  }
0xc2: {  	s11 =	sadd.s32 $0x2760, s4;
	[sflag:s28] =	ssyncadd.s32 $0xFFFFEC00  }
0xc3: {  	[spmem:s3] =	stream.indirect.scatter.add.f32 [tilespmem:s22], [sflag:$0x8], $0x40, s11, s21, $0xb8;
	[tilespmem:$0x15220] =	vst v63  }
0xc4: {  	_ =	swait.ge [sflag:s29], $0x1400  }
0xc5: {  	[sflag:s29] =	ssyncset.done $0x0  }
0xc6: {  	s12 =	sadd.s32 $0x27B0, s4;
	[sflag:s29] =	ssyncadd.s32 $0xFFFFEC00  }
0xc7: {  	[spmem:s3] =	stream.indirect.scatter.add.f32 [tilespmem:s23], [sflag:$0x9], $0x40, s12, s21, $0xb8;
	[tilespmem:$0x15220] =	vst v63  }
0xc8: {  	_ =	swait.ge [sflag:s30], $0x1400  }
0xc9: {  	[sflag:s30] =	ssyncset.done $0x0  }
0xca: {  	s13 =	sadd.s32 $0x2800, s4;
	[sflag:s30] =	ssyncadd.s32 $0xFFFFEC00  }
0xcb: {  	[spmem:s3] =	stream.indirect.scatter.add.f32 [tilespmem:s24], [sflag:$0xA], $0x40, s13, s21, $0xb8;
	[tilespmem:$0x15220] =	vst v63  }
0xcc: {  	_ =	swait.ge [sflag:s31], $0x1400  }
0xcd: {  	[sflag:s31] =	ssyncset.done $0x0  }
0xce: {  	s4 =	sadd.s32 $0x2850, s4;
	[sflag:s31] =	ssyncadd.s32 $0xFFFFEC00  }
0xcf: {  	[spmem:s3] =	stream.indirect.scatter.add.f32 [tilespmem:s25], [sflag:$0xB], $0x40, s4, s21, $0xb8;
	[tilespmem:$0x15220] =	vst v63  }
0xd0: {  	_ =	swait.ge [sflag:s0], $0x1400  }
0xd1: {  	[sflag:s0] =	ssyncset.done $0x0  }
0xd2: {  	[sflag:s0] =	ssyncadd.s32 $0xFFFFEC00  }
0xd3: {  	_ =	swait.ge [sflag:s17], $0x1400  }
0xd4: {  	[sflag:s17] =	ssyncset.done $0x0  }
0xd5: {  	[sflag:s17] =	ssyncadd.s32 $0xFFFFEC00  }
0xd6: {  	_ =	swait.ge [sflag:s2], $0x1400  }
0xd7: {  	[sflag:s2] =	ssyncset.done $0x0  }
0xd8: {  	[sflag:s2] =	ssyncadd.s32 $0xFFFFEC00  }
0xd9: {  	_ =	swait.ge [sflag:s5], $0x1400  }
0xda: {  	[sflag:s5] =	ssyncset.done $0x0  }
0xdb: {  	[sflag:s5] =	ssyncadd.s32 $0xFFFFEC00  }
0xdc: {  	_ =	swait.ge [sflag:s6], $0x1400  }
0xdd: {  	[sflag:s6] =	ssyncset.done $0x0  }
0xde: {  	s14 =	stileid.u32;
	[sflag:s6] =	ssyncadd.s32 $0xFFFFEC00  }
0xdf: {  	s4 =	sshll.u32 s14, $0x6;
	[bflag:$0x0] =	sbarrier.arrive $0xFFFF  }
0xe0: {  	s15 =	sshrl.u32 s7, $0x3;
	s4 =	sor.u32 $0x1C0C, s4;
	s10 =	rddreg [dreg:$0xd]  }
0xe1: {  	[hbm:s10], [sflag:s4] =	dma.local [spmem:s15], $0x1400  }
0xe2: {  	_ =	swait.ge [sflag:s19], $0x1400  }
0xe3: {  	s8 =	sadd.s32 $0x1, s8;
	s16 =	rddreg [dreg:$0xe]  }
0xe4: {  	p0 =	sne.s32 s8, s16  }
.Ltmp2:
0xe5: {  	_ = 	snop;
	(pc) =	sbr.rel @p0 .LBB2_1-.Ltmp2, $3  }
0xe6: {  	_ =	sdelay $0x1  }
0xe7: {  	[sflag:s19] =	ssyncset.done $0x0  }
0xe8: {  	[sflag:s19] =	ssyncadd.s32 $0xFFFFEC00  }
0xe9: {  	_ =	sfence.sel $0x180000  }
0xea: {  	[bflag:$0x0] =	sbarrier.arrive $0xFFFF  }
0xeb: {  	_ =	strace $0x9000004D  }
0xec: {  	s0 =	stileid.u32;
	[bflag:$0x2] =	sbarrier.arrive $0xFFFF  }
0xed: {  	p0 =	sne.s32 s0, $0x0;
	s0 =	rddreg [dreg:$0x3]  }
0xee: {  	s0 =	sadd.s32 @!p0 $0x100000, s0  }
0xef: {  	[sflag:s0] =	ssyncadd.tile.s32 @!p0 $0x1;
	_ =	shalt  }
.Lfunc_end2:
_tile_overlayer_lowered:
.L_overlay_start_2:
0xf0: {  	(tag) =	ssettag $0x2  }
0xf1: {  	s0 =	rddreg [dreg:$0x0];
	s2 =	stileid.u32  }
0xf2: {  	s1 =	rddreg [dreg:$0x1];
	p0 =	sne.s32 s2, $0x0  }
0xf3: {  	s3 =	rddreg [dreg:$0x2];
	[bflag:$0x3] =	sbarrier.arrive $0xFFFF;
	s2 =	simm.s32 @!p0 $0x1C0C  }
0xf4: {  	[timem:s3], [sflag:s2] =	dma.local @!p0 [hbm:s0], s1  }
0xf5: {  	s0 =	simm.s32 @!p0 $0xC  }
0xf6: {  	_ =	swait.ge @!p0 [sflag:s0], s1  }
0xf7: {  	s1 =	ssub.s32 @!p0 $0x0, s1;
	[sflag:s0] =	ssyncset.done @!p0 $0x0  }
0xf8: {  	[sflag:s0] =	ssyncadd.s32 @!p0 s1  }
0xf9: {  	[bflag:$0x3] =	sbarrier.arrive $0xFFFF  }
0xfa: {  	_ =	shalt  }

// kernel: kernel.8.cloned.1.call-start
scs
__scs_entry_jumppad:
0x0: {  	(pc) =	sbr.rel $0x88, $3  }
0x1: {  	(tag) =	ssettag $0x0;
	lr =	simm.s32 $0x1  }
0x2: {  	[smem:$0x3F9B] =	sst lr;
	_ =	strace $0xD0000000  }
0x3: {  	_ = 	snop  }
0x4: {  	_ = 	snop  }
0x5: {  	_ = 	snop  }
0x6: {  	_ = 	snop  }
0x7: {  	_ = 	snop  }
__scs_overlays_trampoline_lowered:
0x8: {  	[smem:$0x3FAA] =	sst s0  }
0x9: {  	[smem:$0x3FAB] =	sst s1  }
0xa: {  	[smem:$0x3FAC] =	sst s2  }
0xb: {  	[smem:$0x3FAD] =	sst s3  }
0xc: {  	[smem:$0x3FAE] =	sst s4  }
0xd: {  	[smem:$0x3FAF] =	sst s5  }
0xe: {  	[smem:$0x3FB0] =	sst s6  }
0xf: {  	[smem:$0x3FB1] =	sst s7  }
0x10: {  	[smem:$0x3FB2] =	sst s8  }
0x11: {  	[smem:$0x3FB3] =	sst s9;
	s0 =	simm.s32 @!p0 $0x0  }
0x12: {  	s1 =	sld [smem:$0x3F99];
	s0 =	simm.s32 @p0 $0x1  }
0x13: {  	[smem:$0x3FB4] =	sst s0;
	s0 =	simm.s32 @!p1 $0x0  }
0x14: {  	s2 =	sld [smem:$0x3F98];
	s0 =	simm.s32 @p1 $0x1  }
0x15: {  	[smem:$0x3FB5] =	sst s0;
	s0 =	simm.s32 @!p2 $0x0  }
0x16: {  	s3 =	sld [smem:$0x3FDB];
	s0 =	simm.s32 @p2 $0x1  }
0x17: {  	s4 =	simm.s32 $0x1BF5;
	[smem:$0x3FB7] =	sst s0  }
0x18: {  	s0 =	sld [smem:$0x3F9A];
	_ =	swait.ge [sflag:s4], $0x0  }
0x19: {  	s7 =	sld [smem:$0x3F9B]  }
0x1a: {  	s8 =	sadd.s32 $0xFFFFE003, lr  }
0x1b: {  	s9 =	sadd.s32 $0xFFFFFEF7, lr;
	s5 =	simm.s32 $0xFFFFFFFF;
	p2 =	slt.u32 s8, $0xFFFFF086  }
0x1c: {  	p1 =	slt.u32 s9, $0xF7A;
	s5 =	simm.s32 @!p2 $0x0  }
0x1d: {  	s5 =	simm.s32 @p1 $0x1;
	p0 =	seq.s32 s7, s2  }
0x1e: {  	s7 =	smul.u32 @!p0 $0xF7A, s2;
	p2 =	seq.s32 @!p0 s5, $0x0  }
0x1f: {  	s9 =	smul.u32 $0xF7A, s1;
	s8 =	simm.s32 @!p0 $0x1BF5;
	p2 =	por !p2, p0  }
0x20: {  	[sflag:s8] =	ssyncset.s32 @!p0 $0xFFFFF086;
	s6 =	sadd.s32 @!p0 s3, s7;
	s7 =	simm.s32 @!p0 $0x108  }
0x21: {  	s3 =	sadd.s32 s3, s9;
	s6 =	sadd.s32 @!p0 $0x88, s6;
	s7 =	simm.s32 @p2 $0x1082  }
0x22: {  	[simem:s7], [sflag:s8] =	dma.local @!p0 [hbm:s6], $0xF7A  }
0x23: {  	s9 =	sor.u32 $0xD0000000, s2;
	s6 =	simm.s32 $0x108;
	_ =	swait.ge @!p0 [sflag:s8], $0x0  }
0x24: {  	s3 =	sadd.s32 $0x88, s3;
	s6 =	simm.s32 @!p1 $0x1082;
	[sflag:s4] =	ssyncset.s32 $0xFFFFF086  }
0x25: {  	[simem:s6], [sflag:s4] =	dma.local [hbm:s3], $0xF7A  }
0x26: {  	[smem:$0x3F9B] =	sst s1;
	(tag) =	ssettag s2;
	_ =	strace s9  }
0x27: {  	s1 =	sld [smem:$0x3FAB]  }
0x28: {  	s2 =	sld [smem:$0x3FAC]  }
0x29: {  	s4 =	sld [smem:$0x3FAE]  }
0x2a: {  	p0 =	seq.s32 s5, $0x0;
	s5 =	sld [smem:$0x3FAF]  }
0x2b: {  	s6 =	sld [smem:$0x3FB0]  }
0x2c: {  	s7 =	sld [smem:$0x3FB1]  }
0x2d: {  	s3 =	simm.s32 $0x108;
	s8 =	sld [smem:$0x3FB2]  }
0x2e: {  	s3 =	simm.s32 @!p0 $0x1082;
	s9 =	sld [smem:$0x3FB3]  }
0x2f: {  	lr =	sadd.s32 s0, s3;
	s0 =	sld [smem:$0x3FAA]  }
0x30: {  	s3 =	sld [smem:$0x3FAD]  }
0x31: {  	[smem:$0x3FB6] =	sst s10  }
0x32: {  	s10 =	sld [smem:$0x3FB4];
	_ =	sdelay $0x3  }
0x33: {  	p0 =	seq.s32 s10, $0x1;
	s10 =	sld [smem:$0x3FB6];
	_ =	sdelay $0x3  }
0x34: {  	[smem:$0x3FB6] =	sst s10  }
0x35: {  	s10 =	sld [smem:$0x3FB5];
	_ =	sdelay $0x3  }
0x36: {  	p1 =	seq.s32 s10, $0x1;
	s10 =	sld [smem:$0x3FB6];
	_ =	sdelay $0x3  }
0x37: {  	[smem:$0x3FB6] =	sst s10  }
0x38: {  	s10 =	sld [smem:$0x3FB7]  }
0x39: {  	_ = 	snop;
	(pc) =	sbr.ind lr, $3  }
0x3a: {  	_ = 	snop  }
0x3b: {  	_ = 	snop  }
0x3c: {  	p2 =	seq.s32 s10, $0x1;
	s10 =	sld [smem:$0x3FB6]  }
0x3d: {  	_ =	shalt  }
0x3e: {  	_ =	shalt  }
0x3f: {  	_ =	shalt  }
0x40: {  	_ =	shalt  }
0x41: {  	_ =	shalt  }
0x42: {  	_ =	shalt  }
0x43: {  	_ =	shalt  }
0x44: {  	_ =	shalt  }
0x45: {  	_ =	shalt  }
0x46: {  	_ =	shalt  }
0x47: {  	_ =	shalt  }
0x48: {  	_ =	shalt  }
0x49: {  	_ =	shalt  }
0x4a: {  	_ =	shalt  }
0x4b: {  	_ =	shalt  }
0x4c: {  	_ =	shalt  }
0x4d: {  	_ =	shalt  }
0x4e: {  	_ =	shalt  }
0x4f: {  	_ =	shalt  }
0x50: {  	_ =	shalt  }
0x51: {  	_ =	shalt  }
0x52: {  	_ =	shalt  }
0x53: {  	_ =	shalt  }
0x54: {  	_ =	shalt  }
0x55: {  	_ =	shalt  }
0x56: {  	_ =	shalt  }
0x57: {  	_ =	shalt  }
0x58: {  	_ =	shalt  }
0x59: {  	_ =	shalt  }
0x5a: {  	_ =	shalt  }
0x5b: {  	_ =	shalt  }
0x5c: {  	_ =	shalt  }
0x5d: {  	_ =	shalt  }
0x5e: {  	_ =	shalt  }
0x5f: {  	_ =	shalt  }
0x60: {  	_ =	shalt  }
0x61: {  	_ =	shalt  }
0x62: {  	_ =	shalt  }
0x63: {  	_ =	shalt  }
0x64: {  	_ =	shalt  }
0x65: {  	_ =	shalt  }
0x66: {  	_ =	shalt  }
0x67: {  	_ =	shalt  }
0x68: {  	_ =	shalt  }
0x69: {  	_ =	shalt  }
0x6a: {  	_ =	shalt  }
0x6b: {  	_ =	shalt  }
0x6c: {  	_ =	shalt  }
0x6d: {  	_ =	shalt  }
0x6e: {  	_ =	shalt  }
0x6f: {  	_ =	shalt  }
0x70: {  	_ =	shalt  }
0x71: {  	_ =	shalt  }
0x72: {  	_ =	shalt  }
0x73: {  	_ =	shalt  }
0x74: {  	_ =	shalt  }
0x75: {  	_ =	shalt  }
0x76: {  	_ =	shalt  }
0x77: {  	_ =	shalt  }
0x78: {  	_ =	shalt  }
0x79: {  	_ =	shalt  }
0x7a: {  	_ =	shalt  }
0x7b: {  	_ =	shalt  }
0x7c: {  	_ =	shalt  }
0x7d: {  	_ =	shalt  }
0x7e: {  	_ =	shalt  }
0x7f: {  	_ =	shalt  }
0x80: {  	_ =	shalt  }
0x81: {  	_ =	shalt  }
0x82: {  	_ =	shalt  }
0x83: {  	_ =	shalt  }
0x84: {  	_ =	shalt  }
0x85: {  	_ =	shalt  }
0x86: {  	_ =	shalt  }
0x87: {  	_ =	shalt  }
.Lfunc_end0:
.L_simem_size_0:
called_computation_lowered:
.L_overlay_start_0:
0x88: {  	s2 =	sld [smem:$0x3FD9]  }
0x89: {  	s3 =	sld [smem:$0x3FFE];
	_ =	sdelay $0x1  }
0x8a: {  	s1 =	srdreg.scid  }
0x8b: {  	s0 =	sand.u32 $0x1, s1  }
0x8c: {  	s17 =	sshll.u32 s0, $0xA;
	s2 =	sadd.s32 s3, s2  }
0x8d: {  	s2 =	sadd.s32 s2, s17  }
0x8e: {  	[smem:$0x3FC2] =	sst s2  }
0x8f: {  	_ = 	snop  }
0x90: {  	s2 =	sld [smem:$0x3FD0];
	(tm) =	ssettm $0x1  }
0x91: {  	s18 =	sld [smem:$0x3FFB];
	_ =	sdelay $0x3  }
0x92: {  	_ =	strace s18  }
0x93: {  	s3 =	sld [smem:$0x3FFC];
	_ =	sdelay $0x3  }
0x94: {  	_ =	strace s3  }
0x95: {  	s3 =	sld [smem:$0x3FFD];
	_ =	sdelay $0x3  }
0x96: {  	_ =	strace s3  }
0x97: {  	_ =	strace $0x8FFFFFFF  }
0x98: {  	s19 =	sld [smem:$0x3FDB];
	_ =	sdelay $0x1  }
0x99: {  	s4 =	simm.s32 $_scs_section_size  }
0x9a: {  	s5 =	simm.s32 $_size__tile_overlayer_lowered;
	s6 =	simm.s32 $_tile_overlayer_lowered  }
0x9b: {  	s22 =	simm.s32 $0x1BFF;
	s21 =	sshll.u32 s6, $0x1;
	s3 =	sadd.s32 s4, s19  }
0x9c: {  	s7 =	simm.s32 $0x0;
	s20 =	sshll.u32 s5, $0x1;
	s5 =	sadd.s32 s21, s3  }
0x9d: {  	[timem:s7], [sflag:s22] =	dma.local [hbm:s5], s20  }
0x9e: {  	_ =	swait.ge [sflag:s22], s20  }
0x9f: {  	s4 =	ssub.s32 $0x0, s20;
	[sflag:s22] =	ssyncset.done $0x0  }
0xa0: {  	[sflag:s22] =	ssyncadd.s32 s4;
	_ =	sdelay $0x1  }
0xa1: {  	s23 =	simm.s32 $0x1B8B  }
0xa2: {  	_ =	swait.ge [sflag:s23], $0x1  }
0xa3: {  	[sflag:s23] =	ssyncset.done $0x0  }
0xa4: {  	s25 =	simm.s32 $0x1B8E;
	s24 =	sld [smem:$0x3FFE];
	[sflag:s23] =	ssyncadd.s32 $0xFFFFFFFF  }
0xa5: {  	s26 =	simm.s32 $execute0_lowered;
	[smem:$0x3FD2] =	sst s25  }
0xa6: {  	s5 =	sshll.u32 s26, $0x1;
	_ =	strace $0x80000046;
	[dreg:$0x1] =	wrdreg $0xFFFFFFFF  }
0xa7: {  	s28 =	simm.s32 $_size_execute0_lowered;
	s3 =	sadd.s32 s3, s5;
	[dreg:$0x0] =	wrdreg $0x0  }
0xa8: {  	s5 =	sshll.u32 s28, $0x1;
	[dreg:$0x2] =	wrdreg s3  }
0xa9: {  	[dreg:$0x3] =	wrdreg s5  }
0xaa: {  	[dreg:$0x4] =	wrdreg $0xC0  }
0xab: {  	_ =	task [dreg:s7], $0x5FFFF  }
0xac: {  	[dreg:$0x1] =	wrdreg $0xFFFFFFFF  }
0xad: {  	[dreg:$0x0] =	wrdreg $0x60  }
0xae: {  	[dreg:$0x2] =	wrdreg s2  }
0xaf: {  	[dreg:$0x3] =	wrdreg s24  }
0xb0: {  	[dreg:$0x4] =	wrdreg $0x43000  }
0xb1: {  	[dreg:$0x5] =	wrdreg $0x9  }
0xb2: {  	_ =	task.clear_ibuf [dreg:s7], $0x6FFFF;
	_ =	strace $0x90000046  }
0xb3: {  	s29 =	simm.s32 $0x9;
	_ =	strace $0x80000048  }
0xb4: {  	_ =	swait.ge [sflag:s29], $0x1  }
0xb5: {  	[sflag:s29] =	ssyncadd.s32 $0xFFFFFFFF  }
0xb6: {  	_ =	strace $0x90000048  }
0xb7: {  	_ =	sfence  }
0xb8: {  	s30 =	sld [smem:$0x0];
	_ =	sdelay $0x2  }
0xb9: {  	s31 =	sshll.u32 s1, $0xD;
	s1 =	sshrl.u32 s1, $0x2  }
0xba: {  	s3 =	sand.u32 $0x4000, s31;
	s1 =	sadd.s32 s1, s30  }
0xbb: {  	s0 =	sor.u32 s3, s0;
	s1 =	sshll.u32 s1, $0x11  }
0xbc: {  	s0 =	sor.u32 s1, s0  }
0xbd: {  	s0 =	sadd.s32 $0x8F2B, s0  }
0xbe: {  	[sflag:s0] =	ssyncadd.remote.s32 $0x1  }
0xbf: {  	_ =	sfence.sel $0xFFFF  }
0xc0: {  	[dreg:$0x0] =	wrdreg $0xFFFFFFFF;
	(pc) =	sbr.abs _section_cstart, $3  }
0xc1: {  	[dreg:$0x1] =	wrdreg $0xFFFFFFFF  }
0xc2: {  	_ =	task.clear_ibuf [dreg:s7], $0x2FFFF;
	_ =	strace $0x9FFFFFFF  }
0xc3: {  	(tm) =	ssettm $0x7FFFFFFF  }
tec
execute0_lowered:
.L_overlay_start_1:
0x0: {  	(tag) =	ssettag $0x1  }
0x1: {  	s4 =	rddreg [dreg:$0x0]  }
0x2: {  	s1 =	srdreg.scid;
	s5 =	rddreg [dreg:$0x1]  }
0x3: {  	s0 =	stileid.u32;
	s2 =	rddreg [dreg:$0x2];
	s3 =	simm.s32 $0x0  }
0x4: {  	s11 =	simm.s32 $0x50;
	s12 =	simm.s32 $0x4000;
	s13 =	simm.s32 $0x2  }
0x5: {  	s16 =	simm.s32 $0x20;
	s17 =	simm.s32 $0x10;
	s18 =	simm.s32 $0x0  }
0x6: {  	s6 =	sand.u32 $0x1, s1;
	s7 =	smul.u32 $0x500, s0;
	s1 =	rddreg [dreg:$0x3]  }
0x7: {  	[smem:$0x7FF] =	sst s3;
	s30 =	smul.u32 $0xA00, s0;
	s10 =	sshll.u32 s0, $0xC  }
0x8: {  	s14 =	sshll.u32 s0, $0x6;
	s8 =	sshll.u32 s6, $0x7;
	_ =	strace $0x80000047  }
0x9: {  	s29 =	ssub.s32 $0x2, s6;
	s6 =	sshll.u32 s6, $0xB;
	s14 =	sor.u32 $0x1C03, s14  }
0xa: {  	s7 =	sor.u32 s8, s7;
	s9 =	sshrl.u32 s29, $0x1;
	s4 =	sadd.s32 s4, s6  }
0xb: {  	s31 =	sshrl.u32 s30, $0x2;
	s8 =	simm.s32 $0x4080;
	s7 =	sshrl.u32 s7, $0x3  }
0xc: {  	s9 =	ssub.s32 s29, s9;
	s4 =	sadd.s32 s10, s4;
	s7 =	sadd.s32 s7, s5  }
0xd: {  	s10 =	simm.s32 $0x1;
	s5 =	sadd.s32 s31, s2;
	s6 =	sadd.s32 $0x15600, s7  }
0xe: {  	v0 =	vimm.f32 $1.000000000e+00;
	v1 =	vimm.f32 $0.0e+00;
	s7 =	smax.u32 s9, $0x1;
	s9 =	simm.s32 $0x3;
	s15 =	sshrl.u32 s5, $0x3  }
.LBB2_1:
0xf: {  	[tilespmem:s3], [sflag:$0x1] =	stream.linear.gather [hbm4b:s4+s3], $0x3E80, $0x38;
	[tilespmem:$0x4580] =	vst v63  }
0x10: {  	[tilespmem:$0x4000] =	vst v0  }
0x11: {  	[tilespmem:$0x4010] =	vst v0  }
0x12: {  	[tilespmem:$0x4020] =	vst v0  }
0x13: {  	[tilespmem:$0x4030] =	vst v0  }
0x14: {  	[tilespmem:$0x4040] =	vst v0  }
0x15: {  	[tilespmem:$0x4080] =	vst v1  }
0x16: {  	[tilespmem:$0x4090] =	vst v1  }
0x17: {  	[tilespmem:$0x40A0] =	vst v1  }
0x18: {  	[tilespmem:$0x40B0] =	vst v1  }
0x19: {  	[tilespmem:$0x40C0] =	vst v1  }
0x1a: {  	[tilespmem:$0x40D0] =	vst v1  }
0x1b: {  	[tilespmem:$0x40E0] =	vst v1  }
0x1c: {  	[tilespmem:$0x40F0] =	vst v1  }
0x1d: {  	[tilespmem:$0x4100] =	vst v1  }
0x1e: {  	[tilespmem:$0x4110] =	vst v1  }
0x1f: {  	[tilespmem:$0x4120] =	vst v1  }
0x20: {  	[tilespmem:$0x4130] =	vst v1  }
0x21: {  	[tilespmem:$0x4140] =	vst v1  }
0x22: {  	[tilespmem:$0x4150] =	vst v1  }
0x23: {  	[tilespmem:$0x4160] =	vst v1  }
0x24: {  	[tilespmem:$0x4170] =	vst v1  }
0x25: {  	[tilespmem:$0x4180] =	vst v1  }
0x26: {  	[tilespmem:$0x4190] =	vst v1  }
0x27: {  	[tilespmem:$0x41A0] =	vst v1  }
0x28: {  	[tilespmem:$0x41B0] =	vst v1  }
0x29: {  	[tilespmem:$0x41C0] =	vst v1  }
0x2a: {  	[tilespmem:$0x41D0] =	vst v1  }
0x2b: {  	[tilespmem:$0x41E0] =	vst v1  }
0x2c: {  	[tilespmem:$0x41F0] =	vst v1  }
0x2d: {  	[tilespmem:$0x4200] =	vst v1  }
0x2e: {  	[tilespmem:$0x4210] =	vst v1  }
0x2f: {  	[tilespmem:$0x4220] =	vst v1  }
0x30: {  	[tilespmem:$0x4230] =	vst v1  }
0x31: {  	[tilespmem:$0x4240] =	vst v1  }
0x32: {  	[tilespmem:$0x4250] =	vst v1  }
0x33: {  	[tilespmem:$0x4260] =	vst v1  }
0x34: {  	[tilespmem:$0x4270] =	vst v1  }
0x35: {  	[tilespmem:$0x4280] =	vst v1  }
0x36: {  	[tilespmem:$0x4290] =	vst v1  }
0x37: {  	[tilespmem:$0x42A0] =	vst v1  }
0x38: {  	[tilespmem:$0x42B0] =	vst v1  }
0x39: {  	[tilespmem:$0x42C0] =	vst v1  }
0x3a: {  	[tilespmem:$0x42D0] =	vst v1  }
0x3b: {  	[tilespmem:$0x42E0] =	vst v1  }
0x3c: {  	[tilespmem:$0x42F0] =	vst v1  }
0x3d: {  	[spmem:s5] =	stream.linear.scatter [tilespmem:s8], [sflag:$0x3], $0x280, $0x38;
	[tilespmem:$0x4580] =	vst v63  }
0x3e: {  	_ =	swait.ge [sflag:s9], $0x280  }
0x3f: {  	[sflag:s9] =	ssyncset.done $0x0  }
0x40: {  	[sflag:s9] =	ssyncadd.s32 $0xFFFFFD80  }
0x41: {  	_ =	swait.ge [sflag:s10], $0x3E80  }
0x42: {  	[sflag:s10] =	ssyncset.done $0x0  }
0x43: {  	[sflag:s10] =	ssyncadd.s32 $0xFFFFC180  }
0x44: {  	s19 =	simm.s32 $0x0;
	[bflag:$0x0] =	sbarrier.arrive $0xFFFF  }
0x45: {  	[spmem:s2] =	stream.indirect.scatter.add.f32 [tilespmem:s12], [sflag:$0x2], $0x1, s19, s11, $0xb8;
	[tilespmem:$0x4580] =	vst v63  }
0x46: {  	s28 =	simm.s32 $0x80  }
0x47: {  	[spmem:s2] =	stream.indirect.scatter.add.f32 [tilespmem:s12], [sflag:$0x2], $0x1, s28, s11, $0xb8;
	[tilespmem:$0x4580] =	vst v63  }
0x48: {  	s29 =	simm.s32 $0x100  }
0x49: {  	[spmem:s2] =	stream.indirect.scatter.add.f32 [tilespmem:s12], [sflag:$0x2], $0x1, s29, s11, $0xb8;
	[tilespmem:$0x4580] =	vst v63  }
0x4a: {  	s30 =	simm.s32 $0x180  }
0x4b: {  	[spmem:s2] =	stream.indirect.scatter.add.f32 [tilespmem:s12], [sflag:$0x2], $0x1, s30, s11, $0xb8;
	[tilespmem:$0x4580] =	vst v63  }
0x4c: {  	s31 =	simm.s32 $0x200  }
0x4d: {  	[spmem:s2] =	stream.indirect.scatter.add.f32 [tilespmem:s12], [sflag:$0x2], $0x1, s31, s11, $0xb8;
	[tilespmem:$0x4580] =	vst v63  }
0x4e: {  	_ =	swait.ge [sflag:s13], $0x50  }
0x4f: {  	[sflag:s13] =	ssyncset.done $0x0  }
0x50: {  	[sflag:s13] =	ssyncadd.s32 $0xFFFFFFB0  }
0x51: {  	_ =	swait.ge [sflag:s13], $0x50  }
0x52: {  	[sflag:s13] =	ssyncset.done $0x0  }
0x53: {  	[sflag:s13] =	ssyncadd.s32 $0xFFFFFFB0  }
0x54: {  	_ =	swait.ge [sflag:s13], $0x50  }
0x55: {  	[sflag:s13] =	ssyncset.done $0x0  }
0x56: {  	[sflag:s13] =	ssyncadd.s32 $0xFFFFFFB0  }
0x57: {  	_ =	swait.ge [sflag:s13], $0x50  }
0x58: {  	[sflag:s13] =	ssyncset.done $0x0  }
0x59: {  	[sflag:s13] =	ssyncadd.s32 $0xFFFFFFB0  }
0x5a: {  	_ =	swait.ge [sflag:s13], $0x50  }
0x5b: {  	s20 =	simm.s32 $0x1400;
	s19 =	simm.s32 $0xA00;
	[sflag:s13] =	ssyncset.done $0x0  }
.LBB2_2:
0x5c: {  	s21 =	sshra.s32 s19, $0x2  }
0x5d: {  	[sflag:s13] =	ssyncadd.s32 $0xFFFFFFB0;
	s19 =	smov.u32 s20;
	s22 =	sadd.s32 $0xA00, s20  }
0x5e: {  	[spmem:s2] =	stream.indirect.scatter.add.f32 [tilespmem:s12], [sflag:$0x2], $0x1, s21, s11, $0xb8;
	[tilespmem:$0x4580] =	vst v63  }
0x5f: {  	p0 =	sne.s32 s20, $0xF000;
	s20 =	sadd.s32 $0x80, s21  }
0x60: {  	[spmem:s2] =	stream.indirect.scatter.add.f32 [tilespmem:s12], [sflag:$0x2], $0x1, s20, s11, $0xb8;
	[tilespmem:$0x4580] =	vst v63  }
0x61: {  	s20 =	sadd.s32 $0x100, s21  }
0x62: {  	[spmem:s2] =	stream.indirect.scatter.add.f32 [tilespmem:s12], [sflag:$0x2], $0x1, s20, s11, $0xb8;
	[tilespmem:$0x4580] =	vst v63  }
0x63: {  	s20 =	sadd.s32 $0x180, s21  }
0x64: {  	[spmem:s2] =	stream.indirect.scatter.add.f32 [tilespmem:s12], [sflag:$0x2], $0x1, s20, s11, $0xb8;
	[tilespmem:$0x4580] =	vst v63  }
0x65: {  	s20 =	sadd.s32 $0x200, s21  }
0x66: {  	[spmem:s2] =	stream.indirect.scatter.add.f32 [tilespmem:s12], [sflag:$0x2], $0x1, s20, s11, $0xb8;
	[tilespmem:$0x4580] =	vst v63  }
0x67: {  	_ =	swait.ge [sflag:s13], $0x50  }
0x68: {  	[sflag:s13] =	ssyncset.done $0x0  }
0x69: {  	[sflag:s13] =	ssyncadd.s32 $0xFFFFFFB0  }
0x6a: {  	_ =	swait.ge [sflag:s13], $0x50  }
0x6b: {  	[sflag:s13] =	ssyncset.done $0x0  }
0x6c: {  	[sflag:s13] =	ssyncadd.s32 $0xFFFFFFB0  }
0x6d: {  	_ =	swait.ge [sflag:s13], $0x50  }
0x6e: {  	[sflag:s13] =	ssyncset.done $0x0  }
0x6f: {  	[sflag:s13] =	ssyncadd.s32 $0xFFFFFFB0  }
.Ltmp0:
0x70: {  	_ =	swait.ge [sflag:s13], $0x50;
	(pc) =	sbr.rel @p0 .LBB2_2-.Ltmp0, $4  }
0x71: {  	[sflag:s13] =	ssyncset.done $0x0  }
0x72: {  	[sflag:s13] =	ssyncadd.s32 $0xFFFFFFB0  }
0x73: {  	_ =	swait.ge [sflag:s13], $0x50  }
0x74: {  	s20 =	smov.u32 s22;
	[sflag:s13] =	ssyncset.done $0x0  }
0x75: {  	s19 =	sshra.s32 s19, $0x2;
	[sflag:s13] =	ssyncadd.s32 $0xFFFFFFB0  }
0x76: {  	[spmem:s2] =	stream.indirect.scatter.add.f32 [tilespmem:s12], [sflag:$0x2], $0x1, s19, s11, $0xb8;
	[tilespmem:$0x4580] =	vst v63  }
0x77: {  	s20 =	sadd.s32 $0x80, s19  }
0x78: {  	[spmem:s2] =	stream.indirect.scatter.add.f32 [tilespmem:s12], [sflag:$0x2], $0x1, s20, s11, $0xb8;
	[tilespmem:$0x4580] =	vst v63  }
0x79: {  	s30 =	sadd.s32 $0x100, s19  }
0x7a: {  	[spmem:s2] =	stream.indirect.scatter.add.f32 [tilespmem:s12], [sflag:$0x2], $0x1, s30, s11, $0xb8;
	[tilespmem:$0x4580] =	vst v63  }
0x7b: {  	s31 =	sadd.s32 $0x180, s19  }
0x7c: {  	[spmem:s2] =	stream.indirect.scatter.add.f32 [tilespmem:s12], [sflag:$0x2], $0x1, s31, s11, $0xb8;
	[tilespmem:$0x4580] =	vst v63  }
0x7d: {  	s19 =	sadd.s32 $0x200, s19  }
0x7e: {  	[spmem:s2] =	stream.indirect.scatter.add.f32 [tilespmem:s12], [sflag:$0x2], $0x1, s19, s11, $0xb8;
	[tilespmem:$0x4580] =	vst v63  }
0x7f: {  	_ =	swait.ge [sflag:s13], $0x50  }
0x80: {  	[sflag:s13] =	ssyncset.done $0x0  }
0x81: {  	[sflag:s13] =	ssyncadd.s32 $0xFFFFFFB0  }
0x82: {  	_ =	swait.ge [sflag:s13], $0x50  }
0x83: {  	[sflag:s13] =	ssyncset.done $0x0  }
0x84: {  	[sflag:s13] =	ssyncadd.s32 $0xFFFFFFB0  }
0x85: {  	_ =	swait.ge [sflag:s13], $0x50  }
0x86: {  	[sflag:s13] =	ssyncset.done $0x0  }
0x87: {  	[sflag:s13] =	ssyncadd.s32 $0xFFFFFFB0  }
0x88: {  	_ =	swait.ge [sflag:s13], $0x50  }
0x89: {  	[sflag:s13] =	ssyncset.done $0x0  }
0x8a: {  	[sflag:s13] =	ssyncadd.s32 $0xFFFFFFB0  }
0x8b: {  	_ =	swait.ge [sflag:s13], $0x50  }
0x8c: {  	s18 =	sadd.s32 $0x1, s18;
	[sflag:s13] =	ssyncset.done $0x0  }
0x8d: {  	p0 =	sne.s32 s18, s7;
	[sflag:s13] =	ssyncadd.s32 $0xFFFFFFB0  }
.Ltmp1:
0x8e: {  	[bflag:$0x0] =	sbarrier.arrive $0xFFFF;
	(pc) =	sbr.rel @p0 .LBB2_1-.Ltmp1, $4  }
0x8f: {  	[hbm:s6@s16], [sflag:s14] =	dma.strided [spmem:s15@s17], $0x50, s10, $0x10   }
0x90: {  	_ =	swait.ge [sflag:s9], $0x50  }
0x91: {  	[sflag:s9] =	ssyncset.done $0x0  }
0x92: {  	[sflag:s9] =	ssyncadd.s32 $0xFFFFFFB0  }
0x93: {  	_ =	sfence.sel $0x180000  }
0x94: {  	[bflag:$0x0] =	sbarrier.arrive $0xFFFF  }
0x95: {  	p0 =	sne.s32 s0, $0x0;
	_ =	strace $0x90000047  }
0x96: {  	s0 =	sadd.s32 @!p0 $0x100000, s1;
	[bflag:$0x2] =	sbarrier.arrive $0xFFFF  }
0x97: {  	[sflag:s0] =	ssyncadd.tile.s32 @!p0 $0x1;
	_ =	shalt  }
.Lfunc_end2:
_tile_overlayer_lowered:
.L_overlay_start_2:
0x98: {  	(tag) =	ssettag $0x2  }
0x99: {  	s0 =	rddreg [dreg:$0x0];
	s2 =	stileid.u32  }
0x9a: {  	s1 =	rddreg [dreg:$0x1];
	p0 =	sne.s32 s2, $0x0  }
0x9b: {  	s3 =	rddreg [dreg:$0x2];
	[bflag:$0x3] =	sbarrier.arrive $0xFFFF;
	s2 =	simm.s32 @!p0 $0x1C03  }
0x9c: {  	[timem:s3], [sflag:s2] =	dma.local @!p0 [hbm:s0], s1  }
0x9d: {  	s0 =	simm.s32 @!p0 $0x3  }
0x9e: {  	_ =	swait.ge @!p0 [sflag:s0], s1  }
0x9f: {  	s1 =	ssub.s32 @!p0 $0x0, s1;
	[sflag:s0] =	ssyncset.done @!p0 $0x0  }
0xa0: {  	[sflag:s0] =	ssyncadd.s32 @!p0 s1  }
0xa1: {  	[bflag:$0x3] =	sbarrier.arrive $0xFFFF  }
0xa2: {  	_ =	shalt  }

</sc_bundles>
